<compile_context>
chip_gen: v7x
topology: tpu7x:2x2x1
jax: 0.10.2.dev20260603
libtpu: 0.0.44.dev20260713+nightly
codegen_flags: <defaults>
</compile_context>

<pallas_src>
import functools

import jax
import jax.numpy as jnp
from jax import lax
from jax.experimental import pallas as pl
from jax.experimental.pallas import tpu as pltpu
from jax.experimental.pallas import tpu_sc as plsc

N = 10000
E = 160000
D = 256
C = 64
K = 16
DH = D // 2

_BN = 2000
_GRID = N // _BN

_NT = 16
_EB = 64
_NBUF = 4
_GC = 40
_NGROUP = 4
_NCHUNK = _GC * _NGROUP
_EPT = _NCHUNK * _EB
_ACC_ROWS = N + _NT
_ZSTRIPE = _ACC_ROWS // _NT
_HROWS = 80
_WSTRIPE = 624
_WLAST = N - 15 * _WSTRIPE


def _sc_body(x_h, src_h, dst_h, zrow_h,
             sumL_o, sumR_o,
             src_v, dst_v, xb0, xb1, xb2, xb3,
             acc_sh, sg0, sg1, sg2, sg3, ss0, ss1, ss2, ss3):
    c = lax.axis_index("c")
    s = lax.axis_index("s")

    pltpu.sync_copy(zrow_h, acc_sh.at[pl.ds(s * _ZSTRIPE, _ZSTRIPE)])
    plsc.subcore_barrier()

    bufs = (xb0, xb1, xb2, xb3)
    sgs = (sg0, sg1, sg2, sg3)
    sss = (ss0, ss1, ss2, ss3)

    def edge_loop(xsrc):
        def group(g, carry):
            pltpu.sync_copy(src_h.at[s, pl.ds(g * _GC, _GC)], src_v)
            pltpu.sync_copy(dst_h.at[s, pl.ds(g * _GC, _GC)], dst_v)

            def body(m, carry2):
                hs = []
                for b in range(_NBUF):
                    @pl.when(m > 0)
                    def _(b=b):
                        pltpu.make_async_copy(
                            bufs[b], acc_sh.at[pl.ds(0, _EB)], sss[b]).wait()

                    hs.append(pltpu.async_copy(
                        xsrc.at[src_v.at[_NBUF * m + b]], bufs[b], sgs[b]))
                for b in range(_NBUF):
                    hs[b].wait()
                    pltpu.async_copy(
                        bufs[b], acc_sh.at[dst_v.at[_NBUF * m + b]],
                        sss[b], add=True)
                return carry2
            lax.fori_loop(0, _GC // _NBUF, body, 0)
            for b in range(_NBUF):
                pltpu.make_async_copy(
                    bufs[b], acc_sh.at[pl.ds(0, _EB)], sss[b]).wait()
            return carry
        lax.fori_loop(0, _NGROUP, group, 0)

    @pl.when(c == 0)
    def _():
        edge_loop(x_h.at[:, pl.ds(0, DH)])

    @pl.when(c == 1)
    def _():
        edge_loop(x_h.at[:, pl.ds(DH, DH)])

    plsc.subcore_barrier()

    def writeback(nrows):
        rows = pl.ds(s * _WSTRIPE, nrows)

        @pl.when(c == 0)
        def _():
            pltpu.sync_copy(acc_sh.at[rows], sumL_o.at[rows])

        @pl.when(c == 1)
        def _():
            pltpu.sync_copy(acc_sh.at[rows], sumR_o.at[rows])

    @pl.when(s < _NT - 1)
    def _():
        writeback(_WSTRIPE)

    @pl.when(s == _NT - 1)
    def _():
        writeback(_WLAST)


def _sc_stage(x, edge_index):
    src = edge_index[0].reshape(_NT, N)
    dst = edge_index[1].reshape(_NT, N)
    pad = _EPT - N
    srcp = jnp.concatenate(
        [src, jnp.zeros((_NT, pad), jnp.int32)], axis=1).reshape(_NT, _NCHUNK, _EB)
    dstp = jnp.concatenate(
        [dst, jnp.full((_NT, pad), N, jnp.int32)], axis=1).reshape(_NT, _NCHUNK, _EB)
    zrow = jnp.zeros((_ZSTRIPE, DH), jnp.float32)

    mesh = plsc.VectorSubcoreMesh(core_axis_name="c", subcore_axis_name="s")
    f = functools.partial(
        pl.kernel, mesh=mesh,
        out_type=[
            jax.ShapeDtypeStruct((N, DH), jnp.float32),
            jax.ShapeDtypeStruct((N, DH), jnp.float32),
        ],
        scratch_types=[
            pltpu.VMEM((_GC, _EB), jnp.int32),
            pltpu.VMEM((_GC, _EB), jnp.int32),
            pltpu.VMEM((_EB, DH), jnp.float32),
            pltpu.VMEM((_EB, DH), jnp.float32),
            pltpu.VMEM((_EB, DH), jnp.float32),
            pltpu.VMEM((_EB, DH), jnp.float32),
            pltpu.VMEM_SHARED((_ACC_ROWS, DH), jnp.float32),
            pltpu.SemaphoreType.DMA,
            pltpu.SemaphoreType.DMA,
            pltpu.SemaphoreType.DMA,
            pltpu.SemaphoreType.DMA,
            pltpu.SemaphoreType.DMA,
            pltpu.SemaphoreType.DMA,
            pltpu.SemaphoreType.DMA,
            pltpu.SemaphoreType.DMA,
        ],
    )(_sc_body)
    return f(x, srcp, dstp, zrow)


_CEB = 16000
_CGRID = E // _CEB


def _cnt_body(dst_ref, out_ref):
    i = pl.program_id(0)

    @pl.when(i == 0)
    def _():
        out_ref[...] = jnp.zeros_like(out_ref)

    d = dst_ref[...].reshape(1, _CEB)
    hi = d >> 7
    lo = d & 127
    oh_hi = (lax.broadcasted_iota(jnp.int32, (_HROWS, _CEB), 0)
             == hi).astype(jnp.float32)
    oh_lo = (lo.reshape(_CEB, 1)
             == lax.broadcasted_iota(jnp.int32, (_CEB, DH), 1)
             ).astype(jnp.float32)
    out_ref[...] += jnp.dot(oh_hi, oh_lo)


def _cnt_stage(edge_index):
    dstb = edge_index[1].reshape(_CGRID, 1, _CEB)
    return pl.pallas_call(
        _cnt_body,
        grid=(_CGRID,),
        in_specs=[pl.BlockSpec((1, 1, _CEB), lambda i: (i, 0, 0))],
        out_specs=pl.BlockSpec((_HROWS, DH), lambda i: (0, 0)),
        out_shape=jax.ShapeDtypeStruct((_HROWS, DH), jnp.float32),
    )(dstb)


def _dense_body(x_ref, sL_ref, sR_ref, cnt_ref, wsLT_ref, wsRT_ref,
                wxT_ref, wnLT_ref, wnRT_ref, out_ref):
    denom = cnt_ref[...] + 1.0
    xb = x_ref[...]
    xLb = xb[:, :DH]
    xRb = xb[:, DH:]
    nL = (sL_ref[...] + xLb) / denom
    nR = (sR_ref[...] + xRb) / denom

    logits = jnp.dot(nL, wsLT_ref[...]) + jnp.dot(nR, wsRT_ref[...])
    rowmax = jnp.max(logits, axis=1, keepdims=True)
    iota_c = lax.broadcasted_iota(jnp.int32, logits.shape, 1)
    idx = jnp.min(jnp.where(logits == rowmax, iota_c, C), axis=1, keepdims=True)

    scores = (jnp.dot(xb, wxT_ref[...])
              + jnp.dot(nL, wnLT_ref[...])
              + jnp.dot(nR, wnRT_ref[...]))
    col_cluster = lax.broadcasted_iota(jnp.int32, scores.shape, 1) // K
    masked = jnp.where(col_cluster == idx, scores, 0.0)
    w = C * K
    while w > K:
        w //= 2
        masked = masked[:, :w] + masked[:, w:2 * w]
    out_ref[...] = masked


def _dense_stage(x, sumL, sumR, cnt16, W_struct, W_task):
    W_flat = W_task.reshape(C * K, 2 * D)
    wxT = W_flat[:, :D].T
    wnLT = W_flat[:, D:D + DH].T
    wnRT = W_flat[:, D + DH:].T
    wsLT = W_struct[:, :DH].T
    wsRT = W_struct[:, DH:].T

    row = lambda i: (i, 0)
    rep = lambda i: (0, 0)
    return pl.pallas_call(
        _dense_body,
        grid=(_GRID,),
        in_specs=[
            pl.BlockSpec((_BN, D), row),
            pl.BlockSpec((_BN, DH), row),
            pl.BlockSpec((_BN, DH), row),
            pl.BlockSpec((_BN, 1), row),
            pl.BlockSpec((DH, C), rep),
            pl.BlockSpec((DH, C), rep),
            pl.BlockSpec((D, C * K), rep),
            pl.BlockSpec((DH, C * K), rep),
            pl.BlockSpec((DH, C * K), rep),
        ],
        out_specs=pl.BlockSpec((_BN, K), row),
        out_shape=jax.ShapeDtypeStruct((N, K), jnp.float32),
    )(x, sumL, sumR, cnt16, wsLT, wsRT, wxT, wnLT, wnRT)


def kernel(x, edge_index, W_struct, W_task):
    cnt2d = _cnt_stage(edge_index)
    sumL, sumR = _sc_stage(x, edge_index)
    cnt1 = cnt2d.reshape(_HROWS * DH)[:N].reshape(N, 1)
    return _dense_stage(x, sumL, sumR, cnt1, W_struct, W_task)

# --- scband reference (transcript-rebuilt; emitter-appended) ---
"""Pipeline reference for scband-gpptprompt-13365938225368 (READ-ONLY COPY).

The authoritative reference and input builder live on the scoring server;
editing this copy changes nothing except your own understanding.
"""

import jax, jax.numpy as jnp
import numpy as np

N = 10000
E = 160000
D = 256
C = 64  # center_num
K = 16  # num_classes
TASK_DIM = 2 * D  # task_mode='concat'
STRUCT_DIM = D    # structure_mode='neighbor'


def setup_inputs(seed: int = 0) -> dict:
    key = jax.random.key(seed)
    k1, k2, k3, k4 = jax.random.split(key, 4)
    x = jax.random.normal(k1, (N, D), dtype=jnp.float32)
    edge_index = jax.random.randint(k2, (2, E), 0, N, dtype=jnp.int32)
    # Xavier-uniform init like nn.init.xavier_uniform_
    lim_s = float(np.sqrt(6.0 / (STRUCT_DIM + C)))
    W_struct = jax.random.uniform(k3, (C, STRUCT_DIM), dtype=jnp.float32, minval=-lim_s, maxval=lim_s)
    lim_t = float(np.sqrt(6.0 / (TASK_DIM + K)))
    W_task = jax.random.uniform(k4, (C, K, TASK_DIM), dtype=jnp.float32, minval=-lim_t, maxval=lim_t)
    return {"x": x, "edge_index": edge_index, "W_struct": W_struct, "W_task": W_task}


def _mean_conv(x, edge_index):
    # SimpleMeanConv: mean aggregation over in-neighbors, with self-loops added.
    n = x.shape[0]
    self_idx = jnp.arange(n, dtype=edge_index.dtype)
    src = jnp.concatenate([edge_index[0], self_idx])
    dst = jnp.concatenate([edge_index[1], self_idx])
    msg = jnp.take(x, src, axis=0)
    summed = jax.ops.segment_sum(msg, dst, num_segments=n)
    cnt = jax.ops.segment_sum(jnp.ones_like(dst, dtype=x.dtype), dst, num_segments=n)
    return summed / jnp.maximum(cnt, 1.0)[:, None]


def reference(x, edge_index, W_struct, W_task):
    # GPPTPrompt forward: neighbor mean -> structure/task features ->
    # StructureToken cluster assignment -> per-cluster TaskToken head.
    neighbor = _mean_conv(x, edge_index)
    structure_feat = neighbor                         # structure_mode='neighbor'
    task_feat = jnp.concatenate([x, neighbor], axis=-1)  # task_mode='concat'
    cluster_logits = structure_feat @ W_struct.T      # [N, C]
    index = jnp.argmax(cluster_logits, axis=1)        # [N]
    # Apply the selected TaskToken head per node: out[n] = W_task[index[n]] @ task_feat[n]
    sel_W = jnp.take(W_task, index, axis=0)           # [N, K, TASK_DIM]
    out = jnp.einsum('nd,nkd->nk', task_feat, sel_W)  # [N, K]
    return out

if __name__ == "__main__":
    import jax
    _d = setup_inputs()
    print(jax.jit(kernel)(*tuple(_d.values())))

</pallas_src>

<mosaic_0001>
#map = affine_map<(d0, d1) -> (0, 0)>
#map1 = affine_map<(d0, d1) -> (0, 0, 0)>
module attributes {stable_mosaic.version = 14 : i64} {
  func.func @_sc_body(%arg0: i32, %arg1: i32, %arg2: memref<10000x256xf32, #tpu.memory_space<hbm>>, %arg3: memref<16x160x64xi32, #tpu.memory_space<hbm>>, %arg4: memref<16x160x64xi32, #tpu.memory_space<hbm>>, %arg5: memref<626x128xf32, #tpu.memory_space<hbm>>, %arg6: memref<10000x128xf32, #tpu.memory_space<hbm>>, %arg7: memref<10000x128xf32, #tpu.memory_space<hbm>>, %arg8: memref<40x64xi32, #tpu.memory_space<vmem>>, %arg9: memref<40x64xi32, #tpu.memory_space<vmem>>, %arg10: memref<64x128xf32, #tpu.memory_space<vmem>>, %arg11: memref<64x128xf32, #tpu.memory_space<vmem>>, %arg12: memref<64x128xf32, #tpu.memory_space<vmem>>, %arg13: memref<64x128xf32, #tpu.memory_space<vmem>>, %arg14: memref<10016x128xf32, #tpu.memory_space<vmem_shared>>, %arg15: memref<!tpu.dma_semaphore, #tpu.memory_space<semaphore_mem>>, %arg16: memref<!tpu.dma_semaphore, #tpu.memory_space<semaphore_mem>>, %arg17: memref<!tpu.dma_semaphore, #tpu.memory_space<semaphore_mem>>, %arg18: memref<!tpu.dma_semaphore, #tpu.memory_space<semaphore_mem>>, %arg19: memref<!tpu.dma_semaphore, #tpu.memory_space<semaphore_mem>>, %arg20: memref<!tpu.dma_semaphore, #tpu.memory_space<semaphore_mem>>, %arg21: memref<!tpu.dma_semaphore, #tpu.memory_space<semaphore_mem>>, %arg22: memref<!tpu.dma_semaphore, #tpu.memory_space<semaphore_mem>>) attributes {dimension_semantics = [#tpu.dimension_semantics<core_parallel>, #tpu.dimension_semantics<subcore_parallel>], iteration_bounds = array<i64: 2, 16>, scalar_prefetch = 0 : i64, scratch_operands = 15 : i64, tpu.core_type = #tpu.core_type<sc_vector_subcore>, window_params = [{transform_indices = #map}, {transform_indices = #map1}, {transform_indices = #map1}, {transform_indices = #map}, {transform_indices = #map}, {transform_indices = #map}]} {
    %mul3A = arith.constant 626 : i32
    %mul3A_0 = arith.muli %arg1, %mul3A : i32
    "tpu.region"() ({
      %run_scoped3A = tpu.sem_alloc : memref<!tpu.dma_semaphore, #tpu.memory_space<semaphore_mem>>
      %dma_start3A = arith.constant 0 : i32
      %dma_start3A_18 = tpu.memref_slice %arg14[%mul3A_0, %dma_start3A] : memref<10016x128xf32, #tpu.memory_space<vmem_shared>> -> memref<626x128xf32, #tpu.memory_space<vmem_shared>>
      tpu.enqueue_dma source(%arg5 : memref<626x128xf32, #tpu.memory_space<hbm>>) target(%dma_start3A_18 : memref<626x128xf32, #tpu.memory_space<vmem_shared>>) target_semaphore(%run_scoped3A : memref<!tpu.dma_semaphore, #tpu.memory_space<semaphore_mem>>)
      %dma_wait3A = arith.constant 0 : i32
      %dma_wait3A_19 = tpu.memref_slice %arg14[%mul3A_0, %dma_wait3A] : memref<10016x128xf32, #tpu.memory_space<vmem_shared>> -> memref<626x128xf32, #tpu.memory_space<vmem_shared>>
      tpu.wait_dma2 semaphore(%run_scoped3A : memref<!tpu.dma_semaphore, #tpu.memory_space<semaphore_mem>>) src(%arg5 : memref<626x128xf32, #tpu.memory_space<hbm>>) dst(%dma_wait3A_19 : memref<626x128xf32, #tpu.memory_space<vmem_shared>>)
      tpu.yield
    }) : () -> ()
    %barrier3A = arith.constant 0 : index
    tpu.barrier barrier_id(%barrier3A)
    %eq3A = arith.constant 0 : i32
    %eq3A_1 = arith.cmpi eq, %arg0, %eq3A : i32
    %convert_element_type3A = arith.extui %eq3A_1 : i1 to i32
    %cond3A = arith.constant 0 : i32
    %cond3A_2 = arith.cmpi ne, %convert_element_type3A, %cond3A : i32
    scf.if %cond3A_2 {
      %scan3A = arith.constant 0 : i32
      %scan3A_18 = arith.constant 0 : i32
      %scan3A_19 = arith.constant 4 : i32
      %scan3A_20 = arith.addi %scan3A_18, %scan3A_19 : i32
      %scan3A_21 = arith.constant 1 : i32
      scf.for %scan3A_23 = %scan3A_18 to %scan3A_20 step %scan3A_21  : i32 {
        %mul3A_24 = arith.constant 40 : i32
        %mul3A_25 = arith.muli %scan3A_23, %mul3A_24 : i32
        "tpu.region"() ({
          %run_scoped3A = tpu.sem_alloc : memref<!tpu.dma_semaphore, #tpu.memory_space<semaphore_mem>>
          %dma_start3A = arith.constant 0 : i32
          %dma_start3A_57 = tpu.memref_slice %arg3[%arg1, %mul3A_25, %dma_start3A] : memref<16x160x64xi32, #tpu.memory_space<hbm>> -> memref<1x40x64xi32, #tpu.memory_space<hbm>>
          %dma_start3A_58 = tpu.memref_squeeze %dma_start3A_57 : memref<1x40x64xi32, #tpu.memory_space<hbm>> -> memref<40x64xi32, #tpu.memory_space<hbm>>
          %dma_start3A_59 = arith.constant 0 : i32
          %dma_start3A_60 = tpu.memref_slice %arg3[%arg1, %mul3A_25, %dma_start3A_59] : memref<16x160x64xi32, #tpu.memory_space<hbm>> -> memref<1x40x64xi32, #tpu.memory_space<hbm>>
          %dma_start3A_61 = tpu.memref_squeeze %dma_start3A_60 : memref<1x40x64xi32, #tpu.memory_space<hbm>> -> memref<40x64xi32, #tpu.memory_space<hbm>>
          tpu.enqueue_dma source(%dma_start3A_61 : memref<40x64xi32, #tpu.memory_space<hbm>>) target(%arg8 : memref<40x64xi32, #tpu.memory_space<vmem>>) target_semaphore(%run_scoped3A : memref<!tpu.dma_semaphore, #tpu.memory_space<semaphore_mem>>)
          %dma_wait3A_62 = arith.constant 0 : i32
          %dma_wait3A_63 = tpu.memref_slice %arg3[%arg1, %mul3A_25, %dma_wait3A_62] : memref<16x160x64xi32, #tpu.memory_space<hbm>> -> memref<1x40x64xi32, #tpu.memory_space<hbm>>
          %dma_wait3A_64 = tpu.memref_squeeze %dma_wait3A_63 : memref<1x40x64xi32, #tpu.memory_space<hbm>> -> memref<40x64xi32, #tpu.memory_space<hbm>>
          %dma_wait3A_65 = arith.constant 0 : i32
          %dma_wait3A_66 = tpu.memref_slice %arg3[%arg1, %mul3A_25, %dma_wait3A_65] : memref<16x160x64xi32, #tpu.memory_space<hbm>> -> memref<1x40x64xi32, #tpu.memory_space<hbm>>
          %dma_wait3A_67 = tpu.memref_squeeze %dma_wait3A_66 : memref<1x40x64xi32, #tpu.memory_space<hbm>> -> memref<40x64xi32, #tpu.memory_space<hbm>>
          tpu.wait_dma2 semaphore(%run_scoped3A : memref<!tpu.dma_semaphore, #tpu.memory_space<semaphore_mem>>) src(%dma_wait3A_67 : memref<40x64xi32, #tpu.memory_space<hbm>>) dst(%arg8 : memref<40x64xi32, #tpu.memory_space<vmem>>)
          tpu.yield
        }) : () -> ()
        %mul3A_26 = arith.constant 40 : i32
        %mul3A_27 = arith.muli %scan3A_23, %mul3A_26 : i32
        "tpu.region"() ({
          %run_scoped3A = tpu.sem_alloc : memref<!tpu.dma_semaphore, #tpu.memory_space<semaphore_mem>>
          %dma_start3A = arith.constant 0 : i32
          %dma_start3A_57 = tpu.memref_slice %arg4[%arg1, %mul3A_27, %dma_start3A] : memref<16x160x64xi32, #tpu.memory_space<hbm>> -> memref<1x40x64xi32, #tpu.memory_space<hbm>>
          %dma_start3A_58 = tpu.memref_squeeze %dma_start3A_57 : memref<1x40x64xi32, #tpu.memory_space<hbm>> -> memref<40x64xi32, #tpu.memory_space<hbm>>
          %dma_start3A_59 = arith.constant 0 : i32
          %dma_start3A_60 = tpu.memref_slice %arg4[%arg1, %mul3A_27, %dma_start3A_59] : memref<16x160x64xi32, #tpu.memory_space<hbm>> -> memref<1x40x64xi32, #tpu.memory_space<hbm>>
          %dma_start3A_61 = tpu.memref_squeeze %dma_start3A_60 : memref<1x40x64xi32, #tpu.memory_space<hbm>> -> memref<40x64xi32, #tpu.memory_space<hbm>>
          tpu.enqueue_dma source(%dma_start3A_61 : memref<40x64xi32, #tpu.memory_space<hbm>>) target(%arg9 : memref<40x64xi32, #tpu.memory_space<vmem>>) target_semaphore(%run_scoped3A : memref<!tpu.dma_semaphore, #tpu.memory_space<semaphore_mem>>)
          %dma_wait3A_62 = arith.constant 0 : i32
          %dma_wait3A_63 = tpu.memref_slice %arg4[%arg1, %mul3A_27, %dma_wait3A_62] : memref<16x160x64xi32, #tpu.memory_space<hbm>> -> memref<1x40x64xi32, #tpu.memory_space<hbm>>
          %dma_wait3A_64 = tpu.memref_squeeze %dma_wait3A_63 : memref<1x40x64xi32, #tpu.memory_space<hbm>> -> memref<40x64xi32, #tpu.memory_space<hbm>>
          %dma_wait3A_65 = arith.constant 0 : i32
          %dma_wait3A_66 = tpu.memref_slice %arg4[%arg1, %mul3A_27, %dma_wait3A_65] : memref<16x160x64xi32, #tpu.memory_space<hbm>> -> memref<1x40x64xi32, #tpu.memory_space<hbm>>
          %dma_wait3A_67 = tpu.memref_squeeze %dma_wait3A_66 : memref<1x40x64xi32, #tpu.memory_space<hbm>> -> memref<40x64xi32, #tpu.memory_space<hbm>>
          tpu.wait_dma2 semaphore(%run_scoped3A : memref<!tpu.dma_semaphore, #tpu.memory_space<semaphore_mem>>) src(%dma_wait3A_67 : memref<40x64xi32, #tpu.memory_space<hbm>>) dst(%arg9 : memref<40x64xi32, #tpu.memory_space<vmem>>)
          tpu.yield
        }) : () -> ()
        %scan3A_28 = arith.constant 0 : i32
        %scan3A_29 = arith.constant 0 : i32
        %scan3A_30 = arith.constant 10 : i32
        %scan3A_31 = arith.addi %scan3A_29, %scan3A_30 : i32
        %scan3A_32 = arith.constant 1 : i32
        scf.for %scan3A_57 = %scan3A_29 to %scan3A_31 step %scan3A_32  : i32 {
          %gt3A = arith.constant 0 : i32
          %gt3A_58 = arith.cmpi sgt, %scan3A_57, %gt3A : i32
          %convert_element_type3A_59 = arith.extui %gt3A_58 : i1 to i32
          %cond3A_60 = arith.constant 0 : i32
          %cond3A_61 = arith.cmpi ne, %convert_element_type3A_59, %cond3A_60 : i32
          scf.if %cond3A_61 {
            %dma_wait3A_203 = arith.constant 0 : i32
            %dma_wait3A_204 = arith.constant 0 : i32
            %dma_wait3A_205 = tpu.memref_slice %arg14[%dma_wait3A_203, %dma_wait3A_204] : memref<10016x128xf32, #tpu.memory_space<vmem_shared>> -> memref<64x128xf32, #tpu.memory_space<vmem_shared>>
            %dma_wait3A_206 = arith.constant 0 : i32
            %dma_wait3A_207 = arith.constant 0 : i32
            %dma_wait3A_208 = tpu.memref_slice %arg14[%dma_wait3A_206, %dma_wait3A_207] : memref<10016x128xf32, #tpu.memory_space<vmem_shared>> -> memref<64x128xf32, #tpu.memory_space<vmem_shared>>
            tpu.wait_dma2 semaphore(%arg19 : memref<!tpu.dma_semaphore, #tpu.memory_space<semaphore_mem>>) src(%arg10 : memref<64x128xf32, #tpu.memory_space<vmem>>) dst(%dma_wait3A_208 : memref<64x128xf32, #tpu.memory_space<vmem_shared>>)
          } else {
          }
          %mul3A_62 = arith.constant 4 : i32
          %mul3A_63 = arith.muli %mul3A_62, %scan3A_57 : i32
          %add3A = arith.constant 0 : i32
          %add3A_64 = arith.addi %mul3A_63, %add3A : i32
          %dma_start3A = arith.constant 0 : i32
          %dma_start3A_65 = tpu.memref_slice %arg8[%add3A_64, %dma_start3A] : memref<40x64xi32, #tpu.memory_space<vmem>> -> memref<1x64xi32, #tpu.memory_space<vmem>>
          %dma_start3A_66 = tpu.memref_squeeze %dma_start3A_65 : memref<1x64xi32, #tpu.memory_space<vmem>> -> memref<64xi32, #tpu.memory_space<vmem>>
          %dma_start3A_67 = arith.constant 0 : i32
          %dma_start3A_68 = arith.constant 0 : i32
          %dma_start3A_69 = tpu.memref_slice %arg2[%dma_start3A_67, %dma_start3A_68] : memref<10000x256xf32, #tpu.memory_space<hbm>> -> memref<10000x128xf32, #tpu.memory_space<hbm>>
          %dma_start3A_70 = arith.constant 0 : i32
          %dma_start3A_71 = arith.constant 0 : i32
          %dma_start3A_72 = tpu.memref_slice %dma_start3A_69[%dma_start3A_70, %dma_start3A_71] : memref<10000x128xf32, #tpu.memory_space<hbm>> -> memref<10000x128xf32, #tpu.memory_space<hbm>>
          tpu.enqueue_indirect_dma source(%dma_start3A_72 : memref<10000x128xf32, #tpu.memory_space<hbm>>) target(%arg10 : memref<64x128xf32, #tpu.memory_space<vmem>>) offsets(%dma_start3A_66 : memref<64xi32, #tpu.memory_space<vmem>>) semaphore(%arg15 : memref<!tpu.dma_semaphore, #tpu.memory_space<semaphore_mem>>)
          %gt3A_73 = arith.constant 0 : i32
          %gt3A_74 = arith.cmpi sgt, %scan3A_57, %gt3A_73 : i32
          %convert_element_type3A_75 = arith.extui %gt3A_74 : i1 to i32
          %cond3A_76 = arith.constant 0 : i32
          %cond3A_77 = arith.cmpi ne, %convert_element_type3A_75, %cond3A_76 : i32
          scf.if %cond3A_77 {
            %dma_wait3A_203 = arith.constant 0 : i32
            %dma_wait3A_204 = arith.constant 0 : i32
            %dma_wait3A_205 = tpu.memref_slice %arg14[%dma_wait3A_203, %dma_wait3A_204] : memref<10016x128xf32, #tpu.memory_space<vmem_shared>> -> memref<64x128xf32, #tpu.memory_space<vmem_shared>>
            %dma_wait3A_206 = arith.constant 0 : i32
            %dma_wait3A_207 = arith.constant 0 : i32
            %dma_wait3A_208 = tpu.memref_slice %arg14[%dma_wait3A_206, %dma_wait3A_207] : memref<10016x128xf32, #tpu.memory_space<vmem_shared>> -> memref<64x128xf32, #tpu.memory_space<vmem_shared>>
            tpu.wait_dma2 semaphore(%arg20 : memref<!tpu.dma_semaphore, #tpu.memory_space<semaphore_mem>>) src(%arg11 : memref<64x128xf32, #tpu.memory_space<vmem>>) dst(%dma_wait3A_208 : memref<64x128xf32, #tpu.memory_space<vmem_shared>>)
          } else {
          }
          %mul3A_78 = arith.constant 4 : i32
          %mul3A_79 = arith.muli %mul3A_78, %scan3A_57 : i32
          %add3A_80 = arith.constant 1 : i32
          %add3A_81 = arith.addi %mul3A_79, %add3A_80 : i32
          %dma_start3A_82 = arith.constant 0 : i32
          %dma_start3A_83 = tpu.memref_slice %arg8[%add3A_81, %dma_start3A_82] : memref<40x64xi32, #tpu.memory_space<vmem>> -> memref<1x64xi32, #tpu.memory_space<vmem>>
          %dma_start3A_84 = tpu.memref_squeeze %dma_start3A_83 : memref<1x64xi32, #tpu.memory_space<vmem>> -> memref<64xi32, #tpu.memory_space<vmem>>
          %dma_start3A_85 = arith.constant 0 : i32
          %dma_start3A_86 = arith.constant 0 : i32
          %dma_start3A_87 = tpu.memref_slice %arg2[%dma_start3A_85, %dma_start3A_86] : memref<10000x256xf32, #tpu.memory_space<hbm>> -> memref<10000x128xf32, #tpu.memory_space<hbm>>
          %dma_start3A_88 = arith.constant 0 : i32
          %dma_start3A_89 = arith.constant 0 : i32
          %dma_start3A_90 = tpu.memref_slice %dma_start3A_87[%dma_start3A_88, %dma_start3A_89] : memref<10000x128xf32, #tpu.memory_space<hbm>> -> memref<10000x128xf32, #tpu.memory_space<hbm>>
          tpu.enqueue_indirect_dma source(%dma_start3A_90 : memref<10000x128xf32, #tpu.memory_space<hbm>>) target(%arg11 : memref<64x128xf32, #tpu.memory_space<vmem>>) offsets(%dma_start3A_84 : memref<64xi32, #tpu.memory_space<vmem>>) semaphore(%arg16 : memref<!tpu.dma_semaphore, #tpu.memory_space<semaphore_mem>>)
          %gt3A_91 = arith.constant 0 : i32
          %gt3A_92 = arith.cmpi sgt, %scan3A_57, %gt3A_91 : i32
          %convert_element_type3A_93 = arith.extui %gt3A_92 : i1 to i32
          %cond3A_94 = arith.constant 0 : i32
          %cond3A_95 = arith.cmpi ne, %convert_element_type3A_93, %cond3A_94 : i32
          scf.if %cond3A_95 {
            %dma_wait3A_203 = arith.constant 0 : i32
            %dma_wait3A_204 = arith.constant 0 : i32
            %dma_wait3A_205 = tpu.memref_slice %arg14[%dma_wait3A_203, %dma_wait3A_204] : memref<10016x128xf32, #tpu.memory_space<vmem_shared>> -> memref<64x128xf32, #tpu.memory_space<vmem_shared>>
            %dma_wait3A_206 = arith.constant 0 : i32
            %dma_wait3A_207 = arith.constant 0 : i32
            %dma_wait3A_208 = tpu.memref_slice %arg14[%dma_wait3A_206, %dma_wait3A_207] : memref<10016x128xf32, #tpu.memory_space<vmem_shared>> -> memref<64x128xf32, #tpu.memory_space<vmem_shared>>
            tpu.wait_dma2 semaphore(%arg21 : memref<!tpu.dma_semaphore, #tpu.memory_space<semaphore_mem>>) src(%arg12 : memref<64x128xf32, #tpu.memory_space<vmem>>) dst(%dma_wait3A_208 : memref<64x128xf32, #tpu.memory_space<vmem_shared>>)
          } else {
          }
          %mul3A_96 = arith.constant 4 : i32
          %mul3A_97 = arith.muli %mul3A_96, %scan3A_57 : i32
          %add3A_98 = arith.constant 2 : i32
          %add3A_99 = arith.addi %mul3A_97, %add3A_98 : i32
          %dma_start3A_100 = arith.constant 0 : i32
          %dma_start3A_101 = tpu.memref_slice %arg8[%add3A_99, %dma_start3A_100] : memref<40x64xi32, #tpu.memory_space<vmem>> -> memref<1x64xi32, #tpu.memory_space<vmem>>
          %dma_start3A_102 = tpu.memref_squeeze %dma_start3A_101 : memref<1x64xi32, #tpu.memory_space<vmem>> -> memref<64xi32, #tpu.memory_space<vmem>>
          %dma_start3A_103 = arith.constant 0 : i32
          %dma_start3A_104 = arith.constant 0 : i32
          %dma_start3A_105 = tpu.memref_slice %arg2[%dma_start3A_103, %dma_start3A_104] : memref<10000x256xf32, #tpu.memory_space<hbm>> -> memref<10000x128xf32, #tpu.memory_space<hbm>>
          %dma_start3A_106 = arith.constant 0 : i32
          %dma_start3A_107 = arith.constant 0 : i32
          %dma_start3A_108 = tpu.memref_slice %dma_start3A_105[%dma_start3A_106, %dma_start3A_107] : memref<10000x128xf32, #tpu.memory_space<hbm>> -> memref<10000x128xf32, #tpu.memory_space<hbm>>
          tpu.enqueue_indirect_dma source(%dma_start3A_108 : memref<10000x128xf32, #tpu.memory_space<hbm>>) target(%arg12 : memref<64x128xf32, #tpu.memory_space<vmem>>) offsets(%dma_start3A_102 : memref<64xi32, #tpu.memory_space<vmem>>) semaphore(%arg17 : memref<!tpu.dma_semaphore, #tpu.memory_space<semaphore_mem>>)
          %gt3A_109 = arith.constant 0 : i32
          %gt3A_110 = arith.cmpi sgt, %scan3A_57, %gt3A_109 : i32
          %convert_element_type3A_111 = arith.extui %gt3A_110 : i1 to i32
          %cond3A_112 = arith.constant 0 : i32
          %cond3A_113 = arith.cmpi ne, %convert_element_type3A_111, %cond3A_112 : i32
          scf.if %cond3A_113 {
            %dma_wait3A_203 = arith.constant 0 : i32
            %dma_wait3A_204 = arith.constant 0 : i32
            %dma_wait3A_205 = tpu.memref_slice %arg14[%dma_wait3A_203, %dma_wait3A_204] : memref<10016x128xf32, #tpu.memory_space<vmem_shared>> -> memref<64x128xf32, #tpu.memory_space<vmem_shared>>
            %dma_wait3A_206 = arith.constant 0 : i32
            %dma_wait3A_207 = arith.constant 0 : i32
            %dma_wait3A_208 = tpu.memref_slice %arg14[%dma_wait3A_206, %dma_wait3A_207] : memref<10016x128xf32, #tpu.memory_space<vmem_shared>> -> memref<64x128xf32, #tpu.memory_space<vmem_shared>>
            tpu.wait_dma2 semaphore(%arg22 : memref<!tpu.dma_semaphore, #tpu.memory_space<semaphore_mem>>) src(%arg13 : memref<64x128xf32, #tpu.memory_space<vmem>>) dst(%dma_wait3A_208 : memref<64x128xf32, #tpu.memory_space<vmem_shared>>)
          } else {
          }
          %mul3A_114 = arith.constant 4 : i32
          %mul3A_115 = arith.muli %mul3A_114, %scan3A_57 : i32
          %add3A_116 = arith.constant 3 : i32
          %add3A_117 = arith.addi %mul3A_115, %add3A_116 : i32
          %dma_start3A_118 = arith.constant 0 : i32
          %dma_start3A_119 = tpu.memref_slice %arg8[%add3A_117, %dma_start3A_118] : memref<40x64xi32, #tpu.memory_space<vmem>> -> memref<1x64xi32, #tpu.memory_space<vmem>>
          %dma_start3A_120 = tpu.memref_squeeze %dma_start3A_119 : memref<1x64xi32, #tpu.memory_space<vmem>> -> memref<64xi32, #tpu.memory_space<vmem>>
          %dma_start3A_121 = arith.constant 0 : i32
          %dma_start3A_122 = arith.constant 0 : i32
          %dma_start3A_123 = tpu.memref_slice %arg2[%dma_start3A_121, %dma_start3A_122] : memref<10000x256xf32, #tpu.memory_space<hbm>> -> memref<10000x128xf32, #tpu.memory_space<hbm>>
          %dma_start3A_124 = arith.constant 0 : i32
          %dma_start3A_125 = arith.constant 0 : i32
          %dma_start3A_126 = tpu.memref_slice %dma_start3A_123[%dma_start3A_124, %dma_start3A_125] : memref<10000x128xf32, #tpu.memory_space<hbm>> -> memref<10000x128xf32, #tpu.memory_space<hbm>>
          tpu.enqueue_indirect_dma source(%dma_start3A_126 : memref<10000x128xf32, #tpu.memory_space<hbm>>) target(%arg13 : memref<64x128xf32, #tpu.memory_space<vmem>>) offsets(%dma_start3A_120 : memref<64xi32, #tpu.memory_space<vmem>>) semaphore(%arg18 : memref<!tpu.dma_semaphore, #tpu.memory_space<semaphore_mem>>)
          %dma_wait3A_127 = arith.constant 0 : i32
          %dma_wait3A_128 = tpu.memref_slice %arg8[%add3A_64, %dma_wait3A_127] : memref<40x64xi32, #tpu.memory_space<vmem>> -> memref<1x64xi32, #tpu.memory_space<vmem>>
          %dma_wait3A_129 = tpu.memref_squeeze %dma_wait3A_128 : memref<1x64xi32, #tpu.memory_space<vmem>> -> memref<64xi32, #tpu.memory_space<vmem>>
          %dma_wait3A_130 = arith.constant 0 : i32
          %dma_wait3A_131 = arith.constant 0 : i32
          %dma_wait3A_132 = tpu.memref_slice %arg2[%dma_wait3A_130, %dma_wait3A_131] : memref<10000x256xf32, #tpu.memory_space<hbm>> -> memref<10000x128xf32, #tpu.memory_space<hbm>>
          %dma_wait3A_133 = arith.constant 0 : i32
          %dma_wait3A_134 = arith.constant 0 : i32
          %dma_wait3A_135 = tpu.memref_slice %dma_wait3A_132[%dma_wait3A_133, %dma_wait3A_134] : memref<10000x128xf32, #tpu.memory_space<hbm>> -> memref<10000x128xf32, #tpu.memory_space<hbm>>
          tpu.wait_indirect_dma semaphore(%arg15 : memref<!tpu.dma_semaphore, #tpu.memory_space<semaphore_mem>>) src(%dma_wait3A_135 : memref<10000x128xf32, #tpu.memory_space<hbm>>) dst(%arg10 : memref<64x128xf32, #tpu.memory_space<vmem>>)
          %mul3A_136 = arith.constant 4 : i32
          %mul3A_137 = arith.muli %mul3A_136, %scan3A_57 : i32
          %add3A_138 = arith.constant 0 : i32
          %add3A_139 = arith.addi %mul3A_137, %add3A_138 : i32
          %dma_start3A_140 = arith.constant 0 : i32
          %dma_start3A_141 = tpu.memref_slice %arg9[%add3A_139, %dma_start3A_140] : memref<40x64xi32, #tpu.memory_space<vmem>> -> memref<1x64xi32, #tpu.memory_space<vmem>>
          %dma_start3A_142 = tpu.memref_squeeze %dma_start3A_141 : memref<1x64xi32, #tpu.memory_space<vmem>> -> memref<64xi32, #tpu.memory_space<vmem>>
          %dma_start3A_143 = arith.constant 0 : i32
          %dma_start3A_144 = arith.constant 0 : i32
          %dma_start3A_145 = tpu.memref_slice %arg14[%dma_start3A_143, %dma_start3A_144] : memref<10016x128xf32, #tpu.memory_space<vmem_shared>> -> memref<10016x128xf32, #tpu.memory_space<vmem_shared>>
          tpu.enqueue_indirect_dma source(%arg10 : memref<64x128xf32, #tpu.memory_space<vmem>>) target(%dma_start3A_145 : memref<10016x128xf32, #tpu.memory_space<vmem_shared>>) offsets(%dma_start3A_142 : memref<64xi32, #tpu.memory_space<vmem>>) semaphore(%arg19 : memref<!tpu.dma_semaphore, #tpu.memory_space<semaphore_mem>>) {add = true}
          %dma_wait3A_146 = arith.constant 0 : i32
          %dma_wait3A_147 = tpu.memref_slice %arg8[%add3A_81, %dma_wait3A_146] : memref<40x64xi32, #tpu.memory_space<vmem>> -> memref<1x64xi32, #tpu.memory_space<vmem>>
          %dma_wait3A_148 = tpu.memref_squeeze %dma_wait3A_147 : memref<1x64xi32, #tpu.memory_space<vmem>> -> memref<64xi32, #tpu.memory_space<vmem>>
          %dma_wait3A_149 = arith.constant 0 : i32
          %dma_wait3A_150 = arith.constant 0 : i32
          %dma_wait3A_151 = tpu.memref_slice %arg2[%dma_wait3A_149, %dma_wait3A_150] : memref<10000x256xf32, #tpu.memory_space<hbm>> -> memref<10000x128xf32, #tpu.memory_space<hbm>>
          %dma_wait3A_152 = arith.constant 0 : i32
          %dma_wait3A_153 = arith.constant 0 : i32
          %dma_wait3A_154 = tpu.memref_slice %dma_wait3A_151[%dma_wait3A_152, %dma_wait3A_153] : memref<10000x128xf32, #tpu.memory_space<hbm>> -> memref<10000x128xf32, #tpu.memory_space<hbm>>
          tpu.wait_indirect_dma semaphore(%arg16 : memref<!tpu.dma_semaphore, #tpu.memory_space<semaphore_mem>>) src(%dma_wait3A_154 : memref<10000x128xf32, #tpu.memory_space<hbm>>) dst(%arg11 : memref<64x128xf32, #tpu.memory_space<vmem>>)
          %mul3A_155 = arith.constant 4 : i32
          %mul3A_156 = arith.muli %mul3A_155, %scan3A_57 : i32
          %add3A_157 = arith.constant 1 : i32
          %add3A_158 = arith.addi %mul3A_156, %add3A_157 : i32
          %dma_start3A_159 = arith.constant 0 : i32
          %dma_start3A_160 = tpu.memref_slice %arg9[%add3A_158, %dma_start3A_159] : memref<40x64xi32, #tpu.memory_space<vmem>> -> memref<1x64xi32, #tpu.memory_space<vmem>>
          %dma_start3A_161 = tpu.memref_squeeze %dma_start3A_160 : memref<1x64xi32, #tpu.memory_space<vmem>> -> memref<64xi32, #tpu.memory_space<vmem>>
          %dma_start3A_162 = arith.constant 0 : i32
          %dma_start3A_163 = arith.constant 0 : i32
          %dma_start3A_164 = tpu.memref_slice %arg14[%dma_start3A_162, %dma_start3A_163] : memref<10016x128xf32, #tpu.memory_space<vmem_shared>> -> memref<10016x128xf32, #tpu.memory_space<vmem_shared>>
          tpu.enqueue_indirect_dma source(%arg11 : memref<64x128xf32, #tpu.memory_space<vmem>>) target(%dma_start3A_164 : memref<10016x128xf32, #tpu.memory_space<vmem_shared>>) offsets(%dma_start3A_161 : memref<64xi32, #tpu.memory_space<vmem>>) semaphore(%arg20 : memref<!tpu.dma_semaphore, #tpu.memory_space<semaphore_mem>>) {add = true}
          %dma_wait3A_165 = arith.constant 0 : i32
          %dma_wait3A_166 = tpu.memref_slice %arg8[%add3A_99, %dma_wait3A_165] : memref<40x64xi32, #tpu.memory_space<vmem>> -> memref<1x64xi32, #tpu.memory_space<vmem>>
          %dma_wait3A_167 = tpu.memref_squeeze %dma_wait3A_166 : memref<1x64xi32, #tpu.memory_space<vmem>> -> memref<64xi32, #tpu.memory_space<vmem>>
          %dma_wait3A_168 = arith.constant 0 : i32
          %dma_wait3A_169 = arith.constant 0 : i32
          %dma_wait3A_170 = tpu.memref_slice %arg2[%dma_wait3A_168, %dma_wait3A_169] : memref<10000x256xf32, #tpu.memory_space<hbm>> -> memref<10000x128xf32, #tpu.memory_space<hbm>>
          %dma_wait3A_171 = arith.constant 0 : i32
          %dma_wait3A_172 = arith.constant 0 : i32
          %dma_wait3A_173 = tpu.memref_slice %dma_wait3A_170[%dma_wait3A_171, %dma_wait3A_172] : memref<10000x128xf32, #tpu.memory_space<hbm>> -> memref<10000x128xf32, #tpu.memory_space<hbm>>
          tpu.wait_indirect_dma semaphore(%arg17 : memref<!tpu.dma_semaphore, #tpu.memory_space<semaphore_mem>>) src(%dma_wait3A_173 : memref<10000x128xf32, #tpu.memory_space<hbm>>) dst(%arg12 : memref<64x128xf32, #tpu.memory_space<vmem>>)
          %mul3A_174 = arith.constant 4 : i32
          %mul3A_175 = arith.muli %mul3A_174, %scan3A_57 : i32
          %add3A_176 = arith.constant 2 : i32
          %add3A_177 = arith.addi %mul3A_175, %add3A_176 : i32
          %dma_start3A_178 = arith.constant 0 : i32
          %dma_start3A_179 = tpu.memref_slice %arg9[%add3A_177, %dma_start3A_178] : memref<40x64xi32, #tpu.memory_space<vmem>> -> memref<1x64xi32, #tpu.memory_space<vmem>>
          %dma_start3A_180 = tpu.memref_squeeze %dma_start3A_179 : memref<1x64xi32, #tpu.memory_space<vmem>> -> memref<64xi32, #tpu.memory_space<vmem>>
          %dma_start3A_181 = arith.constant 0 : i32
          %dma_start3A_182 = arith.constant 0 : i32
          %dma_start3A_183 = tpu.memref_slice %arg14[%dma_start3A_181, %dma_start3A_182] : memref<10016x128xf32, #tpu.memory_space<vmem_shared>> -> memref<10016x128xf32, #tpu.memory_space<vmem_shared>>
          tpu.enqueue_indirect_dma source(%arg12 : memref<64x128xf32, #tpu.memory_space<vmem>>) target(%dma_start3A_183 : memref<10016x128xf32, #tpu.memory_space<vmem_shared>>) offsets(%dma_start3A_180 : memref<64xi32, #tpu.memory_space<vmem>>) semaphore(%arg21 : memref<!tpu.dma_semaphore, #tpu.memory_space<semaphore_mem>>) {add = true}
          %dma_wait3A_184 = arith.constant 0 : i32
          %dma_wait3A_185 = tpu.memref_slice %arg8[%add3A_117, %dma_wait3A_184] : memref<40x64xi32, #tpu.memory_space<vmem>> -> memref<1x64xi32, #tpu.memory_space<vmem>>
          %dma_wait3A_186 = tpu.memref_squeeze %dma_wait3A_185 : memref<1x64xi32, #tpu.memory_space<vmem>> -> memref<64xi32, #tpu.memory_space<vmem>>
          %dma_wait3A_187 = arith.constant 0 : i32
          %dma_wait3A_188 = arith.constant 0 : i32
          %dma_wait3A_189 = tpu.memref_slice %arg2[%dma_wait3A_187, %dma_wait3A_188] : memref<10000x256xf32, #tpu.memory_space<hbm>> -> memref<10000x128xf32, #tpu.memory_space<hbm>>
          %dma_wait3A_190 = arith.constant 0 : i32
          %dma_wait3A_191 = arith.constant 0 : i32
          %dma_wait3A_192 = tpu.memref_slice %dma_wait3A_189[%dma_wait3A_190, %dma_wait3A_191] : memref<10000x128xf32, #tpu.memory_space<hbm>> -> memref<10000x128xf32, #tpu.memory_space<hbm>>
          tpu.wait_indirect_dma semaphore(%arg18 : memref<!tpu.dma_semaphore, #tpu.memory_space<semaphore_mem>>) src(%dma_wait3A_192 : memref<10000x128xf32, #tpu.memory_space<hbm>>) dst(%arg13 : memref<64x128xf32, #tpu.memory_space<vmem>>)
          %mul3A_193 = arith.constant 4 : i32
          %mul3A_194 = arith.muli %mul3A_193, %scan3A_57 : i32
          %add3A_195 = arith.constant 3 : i32
          %add3A_196 = arith.addi %mul3A_194, %add3A_195 : i32
          %dma_start3A_197 = arith.constant 0 : i32
          %dma_start3A_198 = tpu.memref_slice %arg9[%add3A_196, %dma_start3A_197] : memref<40x64xi32, #tpu.memory_space<vmem>> -> memref<1x64xi32, #tpu.memory_space<vmem>>
          %dma_start3A_199 = tpu.memref_squeeze %dma_start3A_198 : memref<1x64xi32, #tpu.memory_space<vmem>> -> memref<64xi32, #tpu.memory_space<vmem>>
          %dma_start3A_200 = arith.constant 0 : i32
          %dma_start3A_201 = arith.constant 0 : i32
          %dma_start3A_202 = tpu.memref_slice %arg14[%dma_start3A_200, %dma_start3A_201] : memref<10016x128xf32, #tpu.memory_space<vmem_shared>> -> memref<10016x128xf32, #tpu.memory_space<vmem_shared>>
          tpu.enqueue_indirect_dma source(%arg13 : memref<64x128xf32, #tpu.memory_space<vmem>>) target(%dma_start3A_202 : memref<10016x128xf32, #tpu.memory_space<vmem_shared>>) offsets(%dma_start3A_199 : memref<64xi32, #tpu.memory_space<vmem>>) semaphore(%arg22 : memref<!tpu.dma_semaphore, #tpu.memory_space<semaphore_mem>>) {add = true}
        }
        %scan3A_33 = arith.constant 10 : i32
        %dma_wait3A = arith.constant 0 : i32
        %dma_wait3A_34 = arith.constant 0 : i32
        %dma_wait3A_35 = tpu.memref_slice %arg14[%dma_wait3A, %dma_wait3A_34] : memref<10016x128xf32, #tpu.memory_space<vmem_shared>> -> memref<64x128xf32, #tpu.memory_space<vmem_shared>>
        %dma_wait3A_36 = arith.constant 0 : i32
        %dma_wait3A_37 = arith.constant 0 : i32
        %dma_wait3A_38 = tpu.memref_slice %arg14[%dma_wait3A_36, %dma_wait3A_37] : memref<10016x128xf32, #tpu.memory_space<vmem_shared>> -> memref<64x128xf32, #tpu.memory_space<vmem_shared>>
        tpu.wait_dma2 semaphore(%arg19 : memref<!tpu.dma_semaphore, #tpu.memory_space<semaphore_mem>>) src(%arg10 : memref<64x128xf32, #tpu.memory_space<vmem>>) dst(%dma_wait3A_38 : memref<64x128xf32, #tpu.memory_space<vmem_shared>>)
        %dma_wait3A_39 = arith.constant 0 : i32
        %dma_wait3A_40 = arith.constant 0 : i32
        %dma_wait3A_41 = tpu.memref_slice %arg14[%dma_wait3A_39, %dma_wait3A_40] : memref<10016x128xf32, #tpu.memory_space<vmem_shared>> -> memref<64x128xf32, #tpu.memory_space<vmem_shared>>
        %dma_wait3A_42 = arith.constant 0 : i32
        %dma_wait3A_43 = arith.constant 0 : i32
        %dma_wait3A_44 = tpu.memref_slice %arg14[%dma_wait3A_42, %dma_wait3A_43] : memref<10016x128xf32, #tpu.memory_space<vmem_shared>> -> memref<64x128xf32, #tpu.memory_space<vmem_shared>>
        tpu.wait_dma2 semaphore(%arg20 : memref<!tpu.dma_semaphore, #tpu.memory_space<semaphore_mem>>) src(%arg11 : memref<64x128xf32, #tpu.memory_space<vmem>>) dst(%dma_wait3A_44 : memref<64x128xf32, #tpu.memory_space<vmem_shared>>)
        %dma_wait3A_45 = arith.constant 0 : i32
        %dma_wait3A_46 = arith.constant 0 : i32
        %dma_wait3A_47 = tpu.memref_slice %arg14[%dma_wait3A_45, %dma_wait3A_46] : memref<10016x128xf32, #tpu.memory_space<vmem_shared>> -> memref<64x128xf32, #tpu.memory_space<vmem_shared>>
        %dma_wait3A_48 = arith.constant 0 : i32
        %dma_wait3A_49 = arith.constant 0 : i32
        %dma_wait3A_50 = tpu.memref_slice %arg14[%dma_wait3A_48, %dma_wait3A_49] : memref<10016x128xf32, #tpu.memory_space<vmem_shared>> -> memref<64x128xf32, #tpu.memory_space<vmem_shared>>
        tpu.wait_dma2 semaphore(%arg21 : memref<!tpu.dma_semaphore, #tpu.memory_space<semaphore_mem>>) src(%arg12 : memref<64x128xf32, #tpu.memory_space<vmem>>) dst(%dma_wait3A_50 : memref<64x128xf32, #tpu.memory_space<vmem_shared>>)
        %dma_wait3A_51 = arith.constant 0 : i32
        %dma_wait3A_52 = arith.constant 0 : i32
        %dma_wait3A_53 = tpu.memref_slice %arg14[%dma_wait3A_51, %dma_wait3A_52] : memref<10016x128xf32, #tpu.memory_space<vmem_shared>> -> memref<64x128xf32, #tpu.memory_space<vmem_shared>>
        %dma_wait3A_54 = arith.constant 0 : i32
        %dma_wait3A_55 = arith.constant 0 : i32
        %dma_wait3A_56 = tpu.memref_slice %arg14[%dma_wait3A_54, %dma_wait3A_55] : memref<10016x128xf32, #tpu.memory_space<vmem_shared>> -> memref<64x128xf32, #tpu.memory_space<vmem_shared>>
        tpu.wait_dma2 semaphore(%arg22 : memref<!tpu.dma_semaphore, #tpu.memory_space<semaphore_mem>>) src(%arg13 : memref<64x128xf32, #tpu.memory_space<vmem>>) dst(%dma_wait3A_56 : memref<64x128xf32, #tpu.memory_space<vmem_shared>>)
      }
      %scan3A_22 = arith.constant 4 : i32
    } else {
    }
    %eq3A_3 = arith.constant 1 : i32
    %eq3A_4 = arith.cmpi eq, %arg0, %eq3A_3 : i32
    %convert_element_type3A_5 = arith.extui %eq3A_4 : i1 to i32
    %cond3A_6 = arith.constant 0 : i32
    %cond3A_7 = arith.cmpi ne, %convert_element_type3A_5, %cond3A_6 : i32
    scf.if %cond3A_7 {
      %scan3A = arith.constant 0 : i32
      %scan3A_18 = arith.constant 0 : i32
      %scan3A_19 = arith.constant 4 : i32
      %scan3A_20 = arith.addi %scan3A_18, %scan3A_19 : i32
      %scan3A_21 = arith.constant 1 : i32
      scf.for %scan3A_23 = %scan3A_18 to %scan3A_20 step %scan3A_21  : i32 {
        %mul3A_24 = arith.constant 40 : i32
        %mul3A_25 = arith.muli %scan3A_23, %mul3A_24 : i32
        "tpu.region"() ({
          %run_scoped3A = tpu.sem_alloc : memref<!tpu.dma_semaphore, #tpu.memory_space<semaphore_mem>>
          %dma_start3A = arith.constant 0 : i32
          %dma_start3A_57 = tpu.memref_slice %arg3[%arg1, %mul3A_25, %dma_start3A] : memref<16x160x64xi32, #tpu.memory_space<hbm>> -> memref<1x40x64xi32, #tpu.memory_space<hbm>>
          %dma_start3A_58 = tpu.memref_squeeze %dma_start3A_57 : memref<1x40x64xi32, #tpu.memory_space<hbm>> -> memref<40x64xi32, #tpu.memory_space<hbm>>
          %dma_start3A_59 = arith.constant 0 : i32
          %dma_start3A_60 = tpu.memref_slice %arg3[%arg1, %mul3A_25, %dma_start3A_59] : memref<16x160x64xi32, #tpu.memory_space<hbm>> -> memref<1x40x64xi32, #tpu.memory_space<hbm>>
          %dma_start3A_61 = tpu.memref_squeeze %dma_start3A_60 : memref<1x40x64xi32, #tpu.memory_space<hbm>> -> memref<40x64xi32, #tpu.memory_space<hbm>>
          tpu.enqueue_dma source(%dma_start3A_61 : memref<40x64xi32, #tpu.memory_space<hbm>>) target(%arg8 : memref<40x64xi32, #tpu.memory_space<vmem>>) target_semaphore(%run_scoped3A : memref<!tpu.dma_semaphore, #tpu.memory_space<semaphore_mem>>)
          %dma_wait3A_62 = arith.constant 0 : i32
          %dma_wait3A_63 = tpu.memref_slice %arg3[%arg1, %mul3A_25, %dma_wait3A_62] : memref<16x160x64xi32, #tpu.memory_space<hbm>> -> memref<1x40x64xi32, #tpu.memory_space<hbm>>
          %dma_wait3A_64 = tpu.memref_squeeze %dma_wait3A_63 : memref<1x40x64xi32, #tpu.memory_space<hbm>> -> memref<40x64xi32, #tpu.memory_space<hbm>>
          %dma_wait3A_65 = arith.constant 0 : i32
          %dma_wait3A_66 = tpu.memref_slice %arg3[%arg1, %mul3A_25, %dma_wait3A_65] : memref<16x160x64xi32, #tpu.memory_space<hbm>> -> memref<1x40x64xi32, #tpu.memory_space<hbm>>
          %dma_wait3A_67 = tpu.memref_squeeze %dma_wait3A_66 : memref<1x40x64xi32, #tpu.memory_space<hbm>> -> memref<40x64xi32, #tpu.memory_space<hbm>>
          tpu.wait_dma2 semaphore(%run_scoped3A : memref<!tpu.dma_semaphore, #tpu.memory_space<semaphore_mem>>) src(%dma_wait3A_67 : memref<40x64xi32, #tpu.memory_space<hbm>>) dst(%arg8 : memref<40x64xi32, #tpu.memory_space<vmem>>)
          tpu.yield
        }) : () -> ()
        %mul3A_26 = arith.constant 40 : i32
        %mul3A_27 = arith.muli %scan3A_23, %mul3A_26 : i32
        "tpu.region"() ({
          %run_scoped3A = tpu.sem_alloc : memref<!tpu.dma_semaphore, #tpu.memory_space<semaphore_mem>>
          %dma_start3A = arith.constant 0 : i32
          %dma_start3A_57 = tpu.memref_slice %arg4[%arg1, %mul3A_27, %dma_start3A] : memref<16x160x64xi32, #tpu.memory_space<hbm>> -> memref<1x40x64xi32, #tpu.memory_space<hbm>>
          %dma_start3A_58 = tpu.memref_squeeze %dma_start3A_57 : memref<1x40x64xi32, #tpu.memory_space<hbm>> -> memref<40x64xi32, #tpu.memory_space<hbm>>
          %dma_start3A_59 = arith.constant 0 : i32
          %dma_start3A_60 = tpu.memref_slice %arg4[%arg1, %mul3A_27, %dma_start3A_59] : memref<16x160x64xi32, #tpu.memory_space<hbm>> -> memref<1x40x64xi32, #tpu.memory_space<hbm>>
          %dma_start3A_61 = tpu.memref_squeeze %dma_start3A_60 : memref<1x40x64xi32, #tpu.memory_space<hbm>> -> memref<40x64xi32, #tpu.memory_space<hbm>>
          tpu.enqueue_dma source(%dma_start3A_61 : memref<40x64xi32, #tpu.memory_space<hbm>>) target(%arg9 : memref<40x64xi32, #tpu.memory_space<vmem>>) target_semaphore(%run_scoped3A : memref<!tpu.dma_semaphore, #tpu.memory_space<semaphore_mem>>)
          %dma_wait3A_62 = arith.constant 0 : i32
          %dma_wait3A_63 = tpu.memref_slice %arg4[%arg1, %mul3A_27, %dma_wait3A_62] : memref<16x160x64xi32, #tpu.memory_space<hbm>> -> memref<1x40x64xi32, #tpu.memory_space<hbm>>
          %dma_wait3A_64 = tpu.memref_squeeze %dma_wait3A_63 : memref<1x40x64xi32, #tpu.memory_space<hbm>> -> memref<40x64xi32, #tpu.memory_space<hbm>>
          %dma_wait3A_65 = arith.constant 0 : i32
          %dma_wait3A_66 = tpu.memref_slice %arg4[%arg1, %mul3A_27, %dma_wait3A_65] : memref<16x160x64xi32, #tpu.memory_space<hbm>> -> memref<1x40x64xi32, #tpu.memory_space<hbm>>
          %dma_wait3A_67 = tpu.memref_squeeze %dma_wait3A_66 : memref<1x40x64xi32, #tpu.memory_space<hbm>> -> memref<40x64xi32, #tpu.memory_space<hbm>>
          tpu.wait_dma2 semaphore(%run_scoped3A : memref<!tpu.dma_semaphore, #tpu.memory_space<semaphore_mem>>) src(%dma_wait3A_67 : memref<40x64xi32, #tpu.memory_space<hbm>>) dst(%arg9 : memref<40x64xi32, #tpu.memory_space<vmem>>)
          tpu.yield
        }) : () -> ()
        %scan3A_28 = arith.constant 0 : i32
        %scan3A_29 = arith.constant 0 : i32
        %scan3A_30 = arith.constant 10 : i32
        %scan3A_31 = arith.addi %scan3A_29, %scan3A_30 : i32
        %scan3A_32 = arith.constant 1 : i32
        scf.for %scan3A_57 = %scan3A_29 to %scan3A_31 step %scan3A_32  : i32 {
          %gt3A = arith.constant 0 : i32
          %gt3A_58 = arith.cmpi sgt, %scan3A_57, %gt3A : i32
          %convert_element_type3A_59 = arith.extui %gt3A_58 : i1 to i32
          %cond3A_60 = arith.constant 0 : i32
          %cond3A_61 = arith.cmpi ne, %convert_element_type3A_59, %cond3A_60 : i32
          scf.if %cond3A_61 {
            %dma_wait3A_203 = arith.constant 0 : i32
            %dma_wait3A_204 = arith.constant 0 : i32
            %dma_wait3A_205 = tpu.memref_slice %arg14[%dma_wait3A_203, %dma_wait3A_204] : memref<10016x128xf32, #tpu.memory_space<vmem_shared>> -> memref<64x128xf32, #tpu.memory_space<vmem_shared>>
            %dma_wait3A_206 = arith.constant 0 : i32
            %dma_wait3A_207 = arith.constant 0 : i32
            %dma_wait3A_208 = tpu.memref_slice %arg14[%dma_wait3A_206, %dma_wait3A_207] : memref<10016x128xf32, #tpu.memory_space<vmem_shared>> -> memref<64x128xf32, #tpu.memory_space<vmem_shared>>
            tpu.wait_dma2 semaphore(%arg19 : memref<!tpu.dma_semaphore, #tpu.memory_space<semaphore_mem>>) src(%arg10 : memref<64x128xf32, #tpu.memory_space<vmem>>) dst(%dma_wait3A_208 : memref<64x128xf32, #tpu.memory_space<vmem_shared>>)
          } else {
          }
          %mul3A_62 = arith.constant 4 : i32
          %mul3A_63 = arith.muli %mul3A_62, %scan3A_57 : i32
          %add3A = arith.constant 0 : i32
          %add3A_64 = arith.addi %mul3A_63, %add3A : i32
          %dma_start3A = arith.constant 0 : i32
          %dma_start3A_65 = tpu.memref_slice %arg8[%add3A_64, %dma_start3A] : memref<40x64xi32, #tpu.memory_space<vmem>> -> memref<1x64xi32, #tpu.memory_space<vmem>>
          %dma_start3A_66 = tpu.memref_squeeze %dma_start3A_65 : memref<1x64xi32, #tpu.memory_space<vmem>> -> memref<64xi32, #tpu.memory_space<vmem>>
          %dma_start3A_67 = arith.constant 0 : i32
          %dma_start3A_68 = arith.constant 128 : i32
          %dma_start3A_69 = tpu.memref_slice %arg2[%dma_start3A_67, %dma_start3A_68] : memref<10000x256xf32, #tpu.memory_space<hbm>> -> memref<10000x128xf32, #tpu.memory_space<hbm>>
          %dma_start3A_70 = arith.constant 0 : i32
          %dma_start3A_71 = arith.constant 0 : i32
          %dma_start3A_72 = tpu.memref_slice %dma_start3A_69[%dma_start3A_70, %dma_start3A_71] : memref<10000x128xf32, #tpu.memory_space<hbm>> -> memref<10000x128xf32, #tpu.memory_space<hbm>>
          tpu.enqueue_indirect_dma source(%dma_start3A_72 : memref<10000x128xf32, #tpu.memory_space<hbm>>) target(%arg10 : memref<64x128xf32, #tpu.memory_space<vmem>>) offsets(%dma_start3A_66 : memref<64xi32, #tpu.memory_space<vmem>>) semaphore(%arg15 : memref<!tpu.dma_semaphore, #tpu.memory_space<semaphore_mem>>)
          %gt3A_73 = arith.constant 0 : i32
          %gt3A_74 = arith.cmpi sgt, %scan3A_57, %gt3A_73 : i32
          %convert_element_type3A_75 = arith.extui %gt3A_74 : i1 to i32
          %cond3A_76 = arith.constant 0 : i32
          %cond3A_77 = arith.cmpi ne, %convert_element_type3A_75, %cond3A_76 : i32
          scf.if %cond3A_77 {
            %dma_wait3A_203 = arith.constant 0 : i32
            %dma_wait3A_204 = arith.constant 0 : i32
            %dma_wait3A_205 = tpu.memref_slice %arg14[%dma_wait3A_203, %dma_wait3A_204] : memref<10016x128xf32, #tpu.memory_space<vmem_shared>> -> memref<64x128xf32, #tpu.memory_space<vmem_shared>>
            %dma_wait3A_206 = arith.constant 0 : i32
            %dma_wait3A_207 = arith.constant 0 : i32
            %dma_wait3A_208 = tpu.memref_slice %arg14[%dma_wait3A_206, %dma_wait3A_207] : memref<10016x128xf32, #tpu.memory_space<vmem_shared>> -> memref<64x128xf32, #tpu.memory_space<vmem_shared>>
            tpu.wait_dma2 semaphore(%arg20 : memref<!tpu.dma_semaphore, #tpu.memory_space<semaphore_mem>>) src(%arg11 : memref<64x128xf32, #tpu.memory_space<vmem>>) dst(%dma_wait3A_208 : memref<64x128xf32, #tpu.memory_space<vmem_shared>>)
          } else {
          }
          %mul3A_78 = arith.constant 4 : i32
          %mul3A_79 = arith.muli %mul3A_78, %scan3A_57 : i32
          %add3A_80 = arith.constant 1 : i32
          %add3A_81 = arith.addi %mul3A_79, %add3A_80 : i32
          %dma_start3A_82 = arith.constant 0 : i32
          %dma_start3A_83 = tpu.memref_slice %arg8[%add3A_81, %dma_start3A_82] : memref<40x64xi32, #tpu.memory_space<vmem>> -> memref<1x64xi32, #tpu.memory_space<vmem>>
          %dma_start3A_84 = tpu.memref_squeeze %dma_start3A_83 : memref<1x64xi32, #tpu.memory_space<vmem>> -> memref<64xi32, #tpu.memory_space<vmem>>
          %dma_start3A_85 = arith.constant 0 : i32
          %dma_start3A_86 = arith.constant 128 : i32
          %dma_start3A_87 = tpu.memref_slice %arg2[%dma_start3A_85, %dma_start3A_86] : memref<10000x256xf32, #tpu.memory_space<hbm>> -> memref<10000x128xf32, #tpu.memory_space<hbm>>
          %dma_start3A_88 = arith.constant 0 : i32
          %dma_start3A_89 = arith.constant 0 : i32
          %dma_start3A_90 = tpu.memref_slice %dma_start3A_87[%dma_start3A_88, %dma_start3A_89] : memref<10000x128xf32, #tpu.memory_space<hbm>> -> memref<10000x128xf32, #tpu.memory_space<hbm>>
          tpu.enqueue_indirect_dma source(%dma_start3A_90 : memref<10000x128xf32, #tpu.memory_space<hbm>>) target(%arg11 : memref<64x128xf32, #tpu.memory_space<vmem>>) offsets(%dma_start3A_84 : memref<64xi32, #tpu.memory_space<vmem>>) semaphore(%arg16 : memref<!tpu.dma_semaphore, #tpu.memory_space<semaphore_mem>>)
          %gt3A_91 = arith.constant 0 : i32
          %gt3A_92 = arith.cmpi sgt, %scan3A_57, %gt3A_91 : i32
          %convert_element_type3A_93 = arith.extui %gt3A_92 : i1 to i32
          %cond3A_94 = arith.constant 0 : i32
          %cond3A_95 = arith.cmpi ne, %convert_element_type3A_93, %cond3A_94 : i32
          scf.if %cond3A_95 {
            %dma_wait3A_203 = arith.constant 0 : i32
            %dma_wait3A_204 = arith.constant 0 : i32
            %dma_wait3A_205 = tpu.memref_slice %arg14[%dma_wait3A_203, %dma_wait3A_204] : memref<10016x128xf32, #tpu.memory_space<vmem_shared>> -> memref<64x128xf32, #tpu.memory_space<vmem_shared>>
            %dma_wait3A_206 = arith.constant 0 : i32
            %dma_wait3A_207 = arith.constant 0 : i32
            %dma_wait3A_208 = tpu.memref_slice %arg14[%dma_wait3A_206, %dma_wait3A_207] : memref<10016x128xf32, #tpu.memory_space<vmem_shared>> -> memref<64x128xf32, #tpu.memory_space<vmem_shared>>
            tpu.wait_dma2 semaphore(%arg21 : memref<!tpu.dma_semaphore, #tpu.memory_space<semaphore_mem>>) src(%arg12 : memref<64x128xf32, #tpu.memory_space<vmem>>) dst(%dma_wait3A_208 : memref<64x128xf32, #tpu.memory_space<vmem_shared>>)
          } else {
          }
          %mul3A_96 = arith.constant 4 : i32
          %mul3A_97 = arith.muli %mul3A_96, %scan3A_57 : i32
          %add3A_98 = arith.constant 2 : i32
          %add3A_99 = arith.addi %mul3A_97, %add3A_98 : i32
          %dma_start3A_100 = arith.constant 0 : i32
          %dma_start3A_101 = tpu.memref_slice %arg8[%add3A_99, %dma_start3A_100] : memref<40x64xi32, #tpu.memory_space<vmem>> -> memref<1x64xi32, #tpu.memory_space<vmem>>
          %dma_start3A_102 = tpu.memref_squeeze %dma_start3A_101 : memref<1x64xi32, #tpu.memory_space<vmem>> -> memref<64xi32, #tpu.memory_space<vmem>>
          %dma_start3A_103 = arith.constant 0 : i32
          %dma_start3A_104 = arith.constant 128 : i32
          %dma_start3A_105 = tpu.memref_slice %arg2[%dma_start3A_103, %dma_start3A_104] : memref<10000x256xf32, #tpu.memory_space<hbm>> -> memref<10000x128xf32, #tpu.memory_space<hbm>>
          %dma_start3A_106 = arith.constant 0 : i32
          %dma_start3A_107 = arith.constant 0 : i32
          %dma_start3A_108 = tpu.memref_slice %dma_start3A_105[%dma_start3A_106, %dma_start3A_107] : memref<10000x128xf32, #tpu.memory_space<hbm>> -> memref<10000x128xf32, #tpu.memory_space<hbm>>
          tpu.enqueue_indirect_dma source(%dma_start3A_108 : memref<10000x128xf32, #tpu.memory_space<hbm>>) target(%arg12 : memref<64x128xf32, #tpu.memory_space<vmem>>) offsets(%dma_start3A_102 : memref<64xi32, #tpu.memory_space<vmem>>) semaphore(%arg17 : memref<!tpu.dma_semaphore, #tpu.memory_space<semaphore_mem>>)
          %gt3A_109 = arith.constant 0 : i32
          %gt3A_110 = arith.cmpi sgt, %scan3A_57, %gt3A_109 : i32
          %convert_element_type3A_111 = arith.extui %gt3A_110 : i1 to i32
          %cond3A_112 = arith.constant 0 : i32
          %cond3A_113 = arith.cmpi ne, %convert_element_type3A_111, %cond3A_112 : i32
          scf.if %cond3A_113 {
            %dma_wait3A_203 = arith.constant 0 : i32
            %dma_wait3A_204 = arith.constant 0 : i32
            %dma_wait3A_205 = tpu.memref_slice %arg14[%dma_wait3A_203, %dma_wait3A_204] : memref<10016x128xf32, #tpu.memory_space<vmem_shared>> -> memref<64x128xf32, #tpu.memory_space<vmem_shared>>
            %dma_wait3A_206 = arith.constant 0 : i32
            %dma_wait3A_207 = arith.constant 0 : i32
            %dma_wait3A_208 = tpu.memref_slice %arg14[%dma_wait3A_206, %dma_wait3A_207] : memref<10016x128xf32, #tpu.memory_space<vmem_shared>> -> memref<64x128xf32, #tpu.memory_space<vmem_shared>>
            tpu.wait_dma2 semaphore(%arg22 : memref<!tpu.dma_semaphore, #tpu.memory_space<semaphore_mem>>) src(%arg13 : memref<64x128xf32, #tpu.memory_space<vmem>>) dst(%dma_wait3A_208 : memref<64x128xf32, #tpu.memory_space<vmem_shared>>)
          } else {
          }
          %mul3A_114 = arith.constant 4 : i32
          %mul3A_115 = arith.muli %mul3A_114, %scan3A_57 : i32
          %add3A_116 = arith.constant 3 : i32
          %add3A_117 = arith.addi %mul3A_115, %add3A_116 : i32
          %dma_start3A_118 = arith.constant 0 : i32
          %dma_start3A_119 = tpu.memref_slice %arg8[%add3A_117, %dma_start3A_118] : memref<40x64xi32, #tpu.memory_space<vmem>> -> memref<1x64xi32, #tpu.memory_space<vmem>>
          %dma_start3A_120 = tpu.memref_squeeze %dma_start3A_119 : memref<1x64xi32, #tpu.memory_space<vmem>> -> memref<64xi32, #tpu.memory_space<vmem>>
          %dma_start3A_121 = arith.constant 0 : i32
          %dma_start3A_122 = arith.constant 128 : i32
          %dma_start3A_123 = tpu.memref_slice %arg2[%dma_start3A_121, %dma_start3A_122] : memref<10000x256xf32, #tpu.memory_space<hbm>> -> memref<10000x128xf32, #tpu.memory_space<hbm>>
          %dma_start3A_124 = arith.constant 0 : i32
          %dma_start3A_125 = arith.constant 0 : i32
          %dma_start3A_126 = tpu.memref_slice %dma_start3A_123[%dma_start3A_124, %dma_start3A_125] : memref<10000x128xf32, #tpu.memory_space<hbm>> -> memref<10000x128xf32, #tpu.memory_space<hbm>>
          tpu.enqueue_indirect_dma source(%dma_start3A_126 : memref<10000x128xf32, #tpu.memory_space<hbm>>) target(%arg13 : memref<64x128xf32, #tpu.memory_space<vmem>>) offsets(%dma_start3A_120 : memref<64xi32, #tpu.memory_space<vmem>>) semaphore(%arg18 : memref<!tpu.dma_semaphore, #tpu.memory_space<semaphore_mem>>)
          %dma_wait3A_127 = arith.constant 0 : i32
          %dma_wait3A_128 = tpu.memref_slice %arg8[%add3A_64, %dma_wait3A_127] : memref<40x64xi32, #tpu.memory_space<vmem>> -> memref<1x64xi32, #tpu.memory_space<vmem>>
          %dma_wait3A_129 = tpu.memref_squeeze %dma_wait3A_128 : memref<1x64xi32, #tpu.memory_space<vmem>> -> memref<64xi32, #tpu.memory_space<vmem>>
          %dma_wait3A_130 = arith.constant 0 : i32
          %dma_wait3A_131 = arith.constant 128 : i32
          %dma_wait3A_132 = tpu.memref_slice %arg2[%dma_wait3A_130, %dma_wait3A_131] : memref<10000x256xf32, #tpu.memory_space<hbm>> -> memref<10000x128xf32, #tpu.memory_space<hbm>>
          %dma_wait3A_133 = arith.constant 0 : i32
          %dma_wait3A_134 = arith.constant 0 : i32
          %dma_wait3A_135 = tpu.memref_slice %dma_wait3A_132[%dma_wait3A_133, %dma_wait3A_134] : memref<10000x128xf32, #tpu.memory_space<hbm>> -> memref<10000x128xf32, #tpu.memory_space<hbm>>
          tpu.wait_indirect_dma semaphore(%arg15 : memref<!tpu.dma_semaphore, #tpu.memory_space<semaphore_mem>>) src(%dma_wait3A_135 : memref<10000x128xf32, #tpu.memory_space<hbm>>) dst(%arg10 : memref<64x128xf32, #tpu.memory_space<vmem>>)
          %mul3A_136 = arith.constant 4 : i32
          %mul3A_137 = arith.muli %mul3A_136, %scan3A_57 : i32
          %add3A_138 = arith.constant 0 : i32
          %add3A_139 = arith.addi %mul3A_137, %add3A_138 : i32
          %dma_start3A_140 = arith.constant 0 : i32
          %dma_start3A_141 = tpu.memref_slice %arg9[%add3A_139, %dma_start3A_140] : memref<40x64xi32, #tpu.memory_space<vmem>> -> memref<1x64xi32, #tpu.memory_space<vmem>>
          %dma_start3A_142 = tpu.memref_squeeze %dma_start3A_141 : memref<1x64xi32, #tpu.memory_space<vmem>> -> memref<64xi32, #tpu.memory_space<vmem>>
          %dma_start3A_143 = arith.constant 0 : i32
          %dma_start3A_144 = arith.constant 0 : i32
          %dma_start3A_145 = tpu.memref_slice %arg14[%dma_start3A_143, %dma_start3A_144] : memref<10016x128xf32, #tpu.memory_space<vmem_shared>> -> memref<10016x128xf32, #tpu.memory_space<vmem_shared>>
          tpu.enqueue_indirect_dma source(%arg10 : memref<64x128xf32, #tpu.memory_space<vmem>>) target(%dma_start3A_145 : memref<10016x128xf32, #tpu.memory_space<vmem_shared>>) offsets(%dma_start3A_142 : memref<64xi32, #tpu.memory_space<vmem>>) semaphore(%arg19 : memref<!tpu.dma_semaphore, #tpu.memory_space<semaphore_mem>>) {add = true}
          %dma_wait3A_146 = arith.constant 0 : i32
          %dma_wait3A_147 = tpu.memref_slice %arg8[%add3A_81, %dma_wait3A_146] : memref<40x64xi32, #tpu.memory_space<vmem>> -> memref<1x64xi32, #tpu.memory_space<vmem>>
          %dma_wait3A_148 = tpu.memref_squeeze %dma_wait3A_147 : memref<1x64xi32, #tpu.memory_space<vmem>> -> memref<64xi32, #tpu.memory_space<vmem>>
          %dma_wait3A_149 = arith.constant 0 : i32
          %dma_wait3A_150 = arith.constant 128 : i32
          %dma_wait3A_151 = tpu.memref_slice %arg2[%dma_wait3A_149, %dma_wait3A_150] : memref<10000x256xf32, #tpu.memory_space<hbm>> -> memref<10000x128xf32, #tpu.memory_space<hbm>>
          %dma_wait3A_152 = arith.constant 0 : i32
          %dma_wait3A_153 = arith.constant 0 : i32
          %dma_wait3A_154 = tpu.memref_slice %dma_wait3A_151[%dma_wait3A_152, %dma_wait3A_153] : memref<10000x128xf32, #tpu.memory_space<hbm>> -> memref<10000x128xf32, #tpu.memory_space<hbm>>
          tpu.wait_indirect_dma semaphore(%arg16 : memref<!tpu.dma_semaphore, #tpu.memory_space<semaphore_mem>>) src(%dma_wait3A_154 : memref<10000x128xf32, #tpu.memory_space<hbm>>) dst(%arg11 : memref<64x128xf32, #tpu.memory_space<vmem>>)
          %mul3A_155 = arith.constant 4 : i32
          %mul3A_156 = arith.muli %mul3A_155, %scan3A_57 : i32
          %add3A_157 = arith.constant 1 : i32
          %add3A_158 = arith.addi %mul3A_156, %add3A_157 : i32
          %dma_start3A_159 = arith.constant 0 : i32
          %dma_start3A_160 = tpu.memref_slice %arg9[%add3A_158, %dma_start3A_159] : memref<40x64xi32, #tpu.memory_space<vmem>> -> memref<1x64xi32, #tpu.memory_space<vmem>>
          %dma_start3A_161 = tpu.memref_squeeze %dma_start3A_160 : memref<1x64xi32, #tpu.memory_space<vmem>> -> memref<64xi32, #tpu.memory_space<vmem>>
          %dma_start3A_162 = arith.constant 0 : i32
          %dma_start3A_163 = arith.constant 0 : i32
          %dma_start3A_164 = tpu.memref_slice %arg14[%dma_start3A_162, %dma_start3A_163] : memref<10016x128xf32, #tpu.memory_space<vmem_shared>> -> memref<10016x128xf32, #tpu.memory_space<vmem_shared>>
          tpu.enqueue_indirect_dma source(%arg11 : memref<64x128xf32, #tpu.memory_space<vmem>>) target(%dma_start3A_164 : memref<10016x128xf32, #tpu.memory_space<vmem_shared>>) offsets(%dma_start3A_161 : memref<64xi32, #tpu.memory_space<vmem>>) semaphore(%arg20 : memref<!tpu.dma_semaphore, #tpu.memory_space<semaphore_mem>>) {add = true}
          %dma_wait3A_165 = arith.constant 0 : i32
          %dma_wait3A_166 = tpu.memref_slice %arg8[%add3A_99, %dma_wait3A_165] : memref<40x64xi32, #tpu.memory_space<vmem>> -> memref<1x64xi32, #tpu.memory_space<vmem>>
          %dma_wait3A_167 = tpu.memref_squeeze %dma_wait3A_166 : memref<1x64xi32, #tpu.memory_space<vmem>> -> memref<64xi32, #tpu.memory_space<vmem>>
          %dma_wait3A_168 = arith.constant 0 : i32
          %dma_wait3A_169 = arith.constant 128 : i32
          %dma_wait3A_170 = tpu.memref_slice %arg2[%dma_wait3A_168, %dma_wait3A_169] : memref<10000x256xf32, #tpu.memory_space<hbm>> -> memref<10000x128xf32, #tpu.memory_space<hbm>>
          %dma_wait3A_171 = arith.constant 0 : i32
          %dma_wait3A_172 = arith.constant 0 : i32
          %dma_wait3A_173 = tpu.memref_slice %dma_wait3A_170[%dma_wait3A_171, %dma_wait3A_172] : memref<10000x128xf32, #tpu.memory_space<hbm>> -> memref<10000x128xf32, #tpu.memory_space<hbm>>
          tpu.wait_indirect_dma semaphore(%arg17 : memref<!tpu.dma_semaphore, #tpu.memory_space<semaphore_mem>>) src(%dma_wait3A_173 : memref<10000x128xf32, #tpu.memory_space<hbm>>) dst(%arg12 : memref<64x128xf32, #tpu.memory_space<vmem>>)
          %mul3A_174 = arith.constant 4 : i32
          %mul3A_175 = arith.muli %mul3A_174, %scan3A_57 : i32
          %add3A_176 = arith.constant 2 : i32
          %add3A_177 = arith.addi %mul3A_175, %add3A_176 : i32
          %dma_start3A_178 = arith.constant 0 : i32
          %dma_start3A_179 = tpu.memref_slice %arg9[%add3A_177, %dma_start3A_178] : memref<40x64xi32, #tpu.memory_space<vmem>> -> memref<1x64xi32, #tpu.memory_space<vmem>>
          %dma_start3A_180 = tpu.memref_squeeze %dma_start3A_179 : memref<1x64xi32, #tpu.memory_space<vmem>> -> memref<64xi32, #tpu.memory_space<vmem>>
          %dma_start3A_181 = arith.constant 0 : i32
          %dma_start3A_182 = arith.constant 0 : i32
          %dma_start3A_183 = tpu.memref_slice %arg14[%dma_start3A_181, %dma_start3A_182] : memref<10016x128xf32, #tpu.memory_space<vmem_shared>> -> memref<10016x128xf32, #tpu.memory_space<vmem_shared>>
          tpu.enqueue_indirect_dma source(%arg12 : memref<64x128xf32, #tpu.memory_space<vmem>>) target(%dma_start3A_183 : memref<10016x128xf32, #tpu.memory_space<vmem_shared>>) offsets(%dma_start3A_180 : memref<64xi32, #tpu.memory_space<vmem>>) semaphore(%arg21 : memref<!tpu.dma_semaphore, #tpu.memory_space<semaphore_mem>>) {add = true}
          %dma_wait3A_184 = arith.constant 0 : i32
          %dma_wait3A_185 = tpu.memref_slice %arg8[%add3A_117, %dma_wait3A_184] : memref<40x64xi32, #tpu.memory_space<vmem>> -> memref<1x64xi32, #tpu.memory_space<vmem>>
          %dma_wait3A_186 = tpu.memref_squeeze %dma_wait3A_185 : memref<1x64xi32, #tpu.memory_space<vmem>> -> memref<64xi32, #tpu.memory_space<vmem>>
          %dma_wait3A_187 = arith.constant 0 : i32
          %dma_wait3A_188 = arith.constant 128 : i32
          %dma_wait3A_189 = tpu.memref_slice %arg2[%dma_wait3A_187, %dma_wait3A_188] : memref<10000x256xf32, #tpu.memory_space<hbm>> -> memref<10000x128xf32, #tpu.memory_space<hbm>>
          %dma_wait3A_190 = arith.constant 0 : i32
          %dma_wait3A_191 = arith.constant 0 : i32
          %dma_wait3A_192 = tpu.memref_slice %dma_wait3A_189[%dma_wait3A_190, %dma_wait3A_191] : memref<10000x128xf32, #tpu.memory_space<hbm>> -> memref<10000x128xf32, #tpu.memory_space<hbm>>
          tpu.wait_indirect_dma semaphore(%arg18 : memref<!tpu.dma_semaphore, #tpu.memory_space<semaphore_mem>>) src(%dma_wait3A_192 : memref<10000x128xf32, #tpu.memory_space<hbm>>) dst(%arg13 : memref<64x128xf32, #tpu.memory_space<vmem>>)
          %mul3A_193 = arith.constant 4 : i32
          %mul3A_194 = arith.muli %mul3A_193, %scan3A_57 : i32
          %add3A_195 = arith.constant 3 : i32
          %add3A_196 = arith.addi %mul3A_194, %add3A_195 : i32
          %dma_start3A_197 = arith.constant 0 : i32
          %dma_start3A_198 = tpu.memref_slice %arg9[%add3A_196, %dma_start3A_197] : memref<40x64xi32, #tpu.memory_space<vmem>> -> memref<1x64xi32, #tpu.memory_space<vmem>>
          %dma_start3A_199 = tpu.memref_squeeze %dma_start3A_198 : memref<1x64xi32, #tpu.memory_space<vmem>> -> memref<64xi32, #tpu.memory_space<vmem>>
          %dma_start3A_200 = arith.constant 0 : i32
          %dma_start3A_201 = arith.constant 0 : i32
          %dma_start3A_202 = tpu.memref_slice %arg14[%dma_start3A_200, %dma_start3A_201] : memref<10016x128xf32, #tpu.memory_space<vmem_shared>> -> memref<10016x128xf32, #tpu.memory_space<vmem_shared>>
          tpu.enqueue_indirect_dma source(%arg13 : memref<64x128xf32, #tpu.memory_space<vmem>>) target(%dma_start3A_202 : memref<10016x128xf32, #tpu.memory_space<vmem_shared>>) offsets(%dma_start3A_199 : memref<64xi32, #tpu.memory_space<vmem>>) semaphore(%arg22 : memref<!tpu.dma_semaphore, #tpu.memory_space<semaphore_mem>>) {add = true}
        }
        %scan3A_33 = arith.constant 10 : i32
        %dma_wait3A = arith.constant 0 : i32
        %dma_wait3A_34 = arith.constant 0 : i32
        %dma_wait3A_35 = tpu.memref_slice %arg14[%dma_wait3A, %dma_wait3A_34] : memref<10016x128xf32, #tpu.memory_space<vmem_shared>> -> memref<64x128xf32, #tpu.memory_space<vmem_shared>>
        %dma_wait3A_36 = arith.constant 0 : i32
        %dma_wait3A_37 = arith.constant 0 : i32
        %dma_wait3A_38 = tpu.memref_slice %arg14[%dma_wait3A_36, %dma_wait3A_37] : memref<10016x128xf32, #tpu.memory_space<vmem_shared>> -> memref<64x128xf32, #tpu.memory_space<vmem_shared>>
        tpu.wait_dma2 semaphore(%arg19 : memref<!tpu.dma_semaphore, #tpu.memory_space<semaphore_mem>>) src(%arg10 : memref<64x128xf32, #tpu.memory_space<vmem>>) dst(%dma_wait3A_38 : memref<64x128xf32, #tpu.memory_space<vmem_shared>>)
        %dma_wait3A_39 = arith.constant 0 : i32
        %dma_wait3A_40 = arith.constant 0 : i32
        %dma_wait3A_41 = tpu.memref_slice %arg14[%dma_wait3A_39, %dma_wait3A_40] : memref<10016x128xf32, #tpu.memory_space<vmem_shared>> -> memref<64x128xf32, #tpu.memory_space<vmem_shared>>
        %dma_wait3A_42 = arith.constant 0 : i32
        %dma_wait3A_43 = arith.constant 0 : i32
        %dma_wait3A_44 = tpu.memref_slice %arg14[%dma_wait3A_42, %dma_wait3A_43] : memref<10016x128xf32, #tpu.memory_space<vmem_shared>> -> memref<64x128xf32, #tpu.memory_space<vmem_shared>>
        tpu.wait_dma2 semaphore(%arg20 : memref<!tpu.dma_semaphore, #tpu.memory_space<semaphore_mem>>) src(%arg11 : memref<64x128xf32, #tpu.memory_space<vmem>>) dst(%dma_wait3A_44 : memref<64x128xf32, #tpu.memory_space<vmem_shared>>)
        %dma_wait3A_45 = arith.constant 0 : i32
        %dma_wait3A_46 = arith.constant 0 : i32
        %dma_wait3A_47 = tpu.memref_slice %arg14[%dma_wait3A_45, %dma_wait3A_46] : memref<10016x128xf32, #tpu.memory_space<vmem_shared>> -> memref<64x128xf32, #tpu.memory_space<vmem_shared>>
        %dma_wait3A_48 = arith.constant 0 : i32
        %dma_wait3A_49 = arith.constant 0 : i32
        %dma_wait3A_50 = tpu.memref_slice %arg14[%dma_wait3A_48, %dma_wait3A_49] : memref<10016x128xf32, #tpu.memory_space<vmem_shared>> -> memref<64x128xf32, #tpu.memory_space<vmem_shared>>
        tpu.wait_dma2 semaphore(%arg21 : memref<!tpu.dma_semaphore, #tpu.memory_space<semaphore_mem>>) src(%arg12 : memref<64x128xf32, #tpu.memory_space<vmem>>) dst(%dma_wait3A_50 : memref<64x128xf32, #tpu.memory_space<vmem_shared>>)
        %dma_wait3A_51 = arith.constant 0 : i32
        %dma_wait3A_52 = arith.constant 0 : i32
        %dma_wait3A_53 = tpu.memref_slice %arg14[%dma_wait3A_51, %dma_wait3A_52] : memref<10016x128xf32, #tpu.memory_space<vmem_shared>> -> memref<64x128xf32, #tpu.memory_space<vmem_shared>>
        %dma_wait3A_54 = arith.constant 0 : i32
        %dma_wait3A_55 = arith.constant 0 : i32
        %dma_wait3A_56 = tpu.memref_slice %arg14[%dma_wait3A_54, %dma_wait3A_55] : memref<10016x128xf32, #tpu.memory_space<vmem_shared>> -> memref<64x128xf32, #tpu.memory_space<vmem_shared>>
        tpu.wait_dma2 semaphore(%arg22 : memref<!tpu.dma_semaphore, #tpu.memory_space<semaphore_mem>>) src(%arg13 : memref<64x128xf32, #tpu.memory_space<vmem>>) dst(%dma_wait3A_56 : memref<64x128xf32, #tpu.memory_space<vmem_shared>>)
      }
      %scan3A_22 = arith.constant 4 : i32
    } else {
    }
    %barrier3A_8 = arith.constant 0 : index
    tpu.barrier barrier_id(%barrier3A_8)
    %lt3A = arith.constant 15 : i32
    %lt3A_9 = arith.cmpi slt, %arg1, %lt3A : i32
    %convert_element_type3A_10 = arith.extui %lt3A_9 : i1 to i32
    %cond3A_11 = arith.constant 0 : i32
    %cond3A_12 = arith.cmpi ne, %convert_element_type3A_10, %cond3A_11 : i32
    scf.if %cond3A_12 {
      %mul3A_18 = arith.constant 624 : i32
      %mul3A_19 = arith.muli %arg1, %mul3A_18 : i32
      %eq3A_20 = arith.constant 0 : i32
      %eq3A_21 = arith.cmpi eq, %arg0, %eq3A_20 : i32
      %convert_element_type3A_22 = arith.extui %eq3A_21 : i1 to i32
      %cond3A_23 = arith.constant 0 : i32
      %cond3A_24 = arith.cmpi ne, %convert_element_type3A_22, %cond3A_23 : i32
      scf.if %cond3A_24 {
        "tpu.region"() ({
          %run_scoped3A = tpu.sem_alloc : memref<!tpu.dma_semaphore, #tpu.memory_space<semaphore_mem>>
          %dma_start3A = arith.constant 0 : i32
          %dma_start3A_30 = tpu.memref_slice %arg6[%mul3A_19, %dma_start3A] : memref<10000x128xf32, #tpu.memory_space<hbm>> -> memref<624x128xf32, #tpu.memory_space<hbm>>
          %dma_start3A_31 = arith.constant 0 : i32
          %dma_start3A_32 = tpu.memref_slice %arg14[%mul3A_19, %dma_start3A_31] : memref<10016x128xf32, #tpu.memory_space<vmem_shared>> -> memref<624x128xf32, #tpu.memory_space<vmem_shared>>
          tpu.enqueue_dma source(%dma_start3A_32 : memref<624x128xf32, #tpu.memory_space<vmem_shared>>) target(%dma_start3A_30 : memref<624x128xf32, #tpu.memory_space<hbm>>) target_semaphore(%run_scoped3A : memref<!tpu.dma_semaphore, #tpu.memory_space<semaphore_mem>>)
          %dma_wait3A = arith.constant 0 : i32
          %dma_wait3A_33 = tpu.memref_slice %arg6[%mul3A_19, %dma_wait3A] : memref<10000x128xf32, #tpu.memory_space<hbm>> -> memref<624x128xf32, #tpu.memory_space<hbm>>
          %dma_wait3A_34 = arith.constant 0 : i32
          %dma_wait3A_35 = tpu.memref_slice %arg14[%mul3A_19, %dma_wait3A_34] : memref<10016x128xf32, #tpu.memory_space<vmem_shared>> -> memref<624x128xf32, #tpu.memory_space<vmem_shared>>
          tpu.wait_dma2 semaphore(%run_scoped3A : memref<!tpu.dma_semaphore, #tpu.memory_space<semaphore_mem>>) src(%dma_wait3A_35 : memref<624x128xf32, #tpu.memory_space<vmem_shared>>) dst(%dma_wait3A_33 : memref<624x128xf32, #tpu.memory_space<hbm>>)
          tpu.yield
        }) : () -> ()
      } else {
      }
      %eq3A_25 = arith.constant 1 : i32
      %eq3A_26 = arith.cmpi eq, %arg0, %eq3A_25 : i32
      %convert_element_type3A_27 = arith.extui %eq3A_26 : i1 to i32
      %cond3A_28 = arith.constant 0 : i32
      %cond3A_29 = arith.cmpi ne, %convert_element_type3A_27, %cond3A_28 : i32
      scf.if %cond3A_29 {
        "tpu.region"() ({
          %run_scoped3A = tpu.sem_alloc : memref<!tpu.dma_semaphore, #tpu.memory_space<semaphore_mem>>
          %dma_start3A = arith.constant 0 : i32
          %dma_start3A_30 = tpu.memref_slice %arg7[%mul3A_19, %dma_start3A] : memref<10000x128xf32, #tpu.memory_space<hbm>> -> memref<624x128xf32, #tpu.memory_space<hbm>>
          %dma_start3A_31 = arith.constant 0 : i32
          %dma_start3A_32 = tpu.memref_slice %arg14[%mul3A_19, %dma_start3A_31] : memref<10016x128xf32, #tpu.memory_space<vmem_shared>> -> memref<624x128xf32, #tpu.memory_space<vmem_shared>>
          tpu.enqueue_dma source(%dma_start3A_32 : memref<624x128xf32, #tpu.memory_space<vmem_shared>>) target(%dma_start3A_30 : memref<624x128xf32, #tpu.memory_space<hbm>>) target_semaphore(%run_scoped3A : memref<!tpu.dma_semaphore, #tpu.memory_space<semaphore_mem>>)
          %dma_wait3A = arith.constant 0 : i32
          %dma_wait3A_33 = tpu.memref_slice %arg7[%mul3A_19, %dma_wait3A] : memref<10000x128xf32, #tpu.memory_space<hbm>> -> memref<624x128xf32, #tpu.memory_space<hbm>>
          %dma_wait3A_34 = arith.constant 0 : i32
          %dma_wait3A_35 = tpu.memref_slice %arg14[%mul3A_19, %dma_wait3A_34] : memref<10016x128xf32, #tpu.memory_space<vmem_shared>> -> memref<624x128xf32, #tpu.memory_space<vmem_shared>>
          tpu.wait_dma2 semaphore(%run_scoped3A : memref<!tpu.dma_semaphore, #tpu.memory_space<semaphore_mem>>) src(%dma_wait3A_35 : memref<624x128xf32, #tpu.memory_space<vmem_shared>>) dst(%dma_wait3A_33 : memref<624x128xf32, #tpu.memory_space<hbm>>)
          tpu.yield
        }) : () -> ()
      } else {
      }
    } else {
    }
    %eq3A_13 = arith.constant 15 : i32
    %eq3A_14 = arith.cmpi eq, %arg1, %eq3A_13 : i32
    %convert_element_type3A_15 = arith.extui %eq3A_14 : i1 to i32
    %cond3A_16 = arith.constant 0 : i32
    %cond3A_17 = arith.cmpi ne, %convert_element_type3A_15, %cond3A_16 : i32
    scf.if %cond3A_17 {
      %mul3A_18 = arith.constant 624 : i32
      %mul3A_19 = arith.muli %arg1, %mul3A_18 : i32
      %eq3A_20 = arith.constant 0 : i32
      %eq3A_21 = arith.cmpi eq, %arg0, %eq3A_20 : i32
      %convert_element_type3A_22 = arith.extui %eq3A_21 : i1 to i32
      %cond3A_23 = arith.constant 0 : i32
      %cond3A_24 = arith.cmpi ne, %convert_element_type3A_22, %cond3A_23 : i32
      scf.if %cond3A_24 {
        "tpu.region"() ({
          %run_scoped3A = tpu.sem_alloc : memref<!tpu.dma_semaphore, #tpu.memory_space<semaphore_mem>>
          %dma_start3A = arith.constant 0 : i32
          %dma_start3A_30 = tpu.memref_slice %arg6[%mul3A_19, %dma_start3A] : memref<10000x128xf32, #tpu.memory_space<hbm>> -> memref<640x128xf32, #tpu.memory_space<hbm>>
          %dma_start3A_31 = arith.constant 0 : i32
          %dma_start3A_32 = tpu.memref_slice %arg14[%mul3A_19, %dma_start3A_31] : memref<10016x128xf32, #tpu.memory_space<vmem_shared>> -> memref<640x128xf32, #tpu.memory_space<vmem_shared>>
          tpu.enqueue_dma source(%dma_start3A_32 : memref<640x128xf32, #tpu.memory_space<vmem_shared>>) target(%dma_start3A_30 : memref<640x128xf32, #tpu.memory_space<hbm>>) target_semaphore(%run_scoped3A : memref<!tpu.dma_semaphore, #tpu.memory_space<semaphore_mem>>)
          %dma_wait3A = arith.constant 0 : i32
          %dma_wait3A_33 = tpu.memref_slice %arg6[%mul3A_19, %dma_wait3A] : memref<10000x128xf32, #tpu.memory_space<hbm>> -> memref<640x128xf32, #tpu.memory_space<hbm>>
          %dma_wait3A_34 = arith.constant 0 : i32
          %dma_wait3A_35 = tpu.memref_slice %arg14[%mul3A_19, %dma_wait3A_34] : memref<10016x128xf32, #tpu.memory_space<vmem_shared>> -> memref<640x128xf32, #tpu.memory_space<vmem_shared>>
          tpu.wait_dma2 semaphore(%run_scoped3A : memref<!tpu.dma_semaphore, #tpu.memory_space<semaphore_mem>>) src(%dma_wait3A_35 : memref<640x128xf32, #tpu.memory_space<vmem_shared>>) dst(%dma_wait3A_33 : memref<640x128xf32, #tpu.memory_space<hbm>>)
          tpu.yield
        }) : () -> ()
      } else {
      }
      %eq3A_25 = arith.constant 1 : i32
      %eq3A_26 = arith.cmpi eq, %arg0, %eq3A_25 : i32
      %convert_element_type3A_27 = arith.extui %eq3A_26 : i1 to i32
      %cond3A_28 = arith.constant 0 : i32
      %cond3A_29 = arith.cmpi ne, %convert_element_type3A_27, %cond3A_28 : i32
      scf.if %cond3A_29 {
        "tpu.region"() ({
          %run_scoped3A = tpu.sem_alloc : memref<!tpu.dma_semaphore, #tpu.memory_space<semaphore_mem>>
          %dma_start3A = arith.constant 0 : i32
          %dma_start3A_30 = tpu.memref_slice %arg7[%mul3A_19, %dma_start3A] : memref<10000x128xf32, #tpu.memory_space<hbm>> -> memref<640x128xf32, #tpu.memory_space<hbm>>
          %dma_start3A_31 = arith.constant 0 : i32
          %dma_start3A_32 = tpu.memref_slice %arg14[%mul3A_19, %dma_start3A_31] : memref<10016x128xf32, #tpu.memory_space<vmem_shared>> -> memref<640x128xf32, #tpu.memory_space<vmem_shared>>
          tpu.enqueue_dma source(%dma_start3A_32 : memref<640x128xf32, #tpu.memory_space<vmem_shared>>) target(%dma_start3A_30 : memref<640x128xf32, #tpu.memory_space<hbm>>) target_semaphore(%run_scoped3A : memref<!tpu.dma_semaphore, #tpu.memory_space<semaphore_mem>>)
          %dma_wait3A = arith.constant 0 : i32
          %dma_wait3A_33 = tpu.memref_slice %arg7[%mul3A_19, %dma_wait3A] : memref<10000x128xf32, #tpu.memory_space<hbm>> -> memref<640x128xf32, #tpu.memory_space<hbm>>
          %dma_wait3A_34 = arith.constant 0 : i32
          %dma_wait3A_35 = tpu.memref_slice %arg14[%mul3A_19, %dma_wait3A_34] : memref<10016x128xf32, #tpu.memory_space<vmem_shared>> -> memref<640x128xf32, #tpu.memory_space<vmem_shared>>
          tpu.wait_dma2 semaphore(%run_scoped3A : memref<!tpu.dma_semaphore, #tpu.memory_space<semaphore_mem>>) src(%dma_wait3A_35 : memref<640x128xf32, #tpu.memory_space<vmem_shared>>) dst(%dma_wait3A_33 : memref<640x128xf32, #tpu.memory_space<hbm>>)
          tpu.yield
        }) : () -> ()
      } else {
      }
    } else {
    }
    return
  }
}

module attributes {stable_mosaic.version = 14 : i64} {
  func.func @_dense_body(%arg0: i32, %arg1: memref<2000x256xf32, #tpu.memory_space<vmem>>, %arg2: memref<2000x128xf32, #tpu.memory_space<vmem>>, %arg3: memref<2000x128xf32, #tpu.memory_space<vmem>>, %arg4: memref<2000x1xf32, #tpu.memory_space<vmem>>, %arg5: memref<128x64xf32, #tpu.memory_space<vmem>>, %arg6: memref<128x64xf32, #tpu.memory_space<vmem>>, %arg7: memref<256x1024xf32, #tpu.memory_space<vmem>>, %arg8: memref<128x1024xf32, #tpu.memory_space<vmem>>, %arg9: memref<128x1024xf32, #tpu.memory_space<vmem>>, %arg10: memref<2000x16xf32, #tpu.memory_space<vmem>>) attributes {dimension_semantics = [#tpu.dimension_semantics<arbitrary>], iteration_bounds = array<i64: 5>, scalar_prefetch = 0 : i64, scratch_operands = 0 : i64, tpu.core_type = #tpu.core_type<tc>, window_params = [{transform_indices = @transform_0, window_bounds = array<i64: 2000, 256>}, {transform_indices = @transform_1, window_bounds = array<i64: 2000, 128>}, {transform_indices = @transform_2, window_bounds = array<i64: 2000, 128>}, {transform_indices = @transform_3, window_bounds = array<i64: 2000, 1>}, {pipeline_mode = #tpu.pipeline_mode<synchronous>, transform_indices = @transform_4, window_bounds = array<i64: 128, 64>}, {pipeline_mode = #tpu.pipeline_mode<synchronous>, transform_indices = @transform_5, window_bounds = array<i64: 128, 64>}, {pipeline_mode = #tpu.pipeline_mode<synchronous>, transform_indices = @transform_6, window_bounds = array<i64: 256, 1024>}, {pipeline_mode = #tpu.pipeline_mode<synchronous>, transform_indices = @transform_7, window_bounds = array<i64: 128, 1024>}, {pipeline_mode = #tpu.pipeline_mode<synchronous>, transform_indices = @transform_8, window_bounds = array<i64: 128, 1024>}, {transform_indices = @transform_9, window_bounds = array<i64: 2000, 16>}]} {
    %get3A = arith.constant 0 : index
    %get3A_0 = arith.constant 0 : index
    %get3A_1 = vector.load %arg4[%get3A, %get3A_0] : memref<2000x1xf32, #tpu.memory_space<vmem>>, vector<2000x1xf32>
    %add3A = arith.constant 1.000000e+00 : f32
    %add3A_2 = vector.broadcast %add3A : f32 to vector<2000x1xf32>
    %add3A_3 = arith.addf %get3A_1, %add3A_2 : vector<2000x1xf32>
    %get3A_4 = arith.constant 0 : index
    %get3A_5 = arith.constant 0 : index
    %get3A_6 = vector.load %arg1[%get3A_4, %get3A_5] : memref<2000x256xf32, #tpu.memory_space<vmem>>, vector<2000x256xf32>
    %slice3A = vector.extract_strided_slice %get3A_6 {offsets = [0, 0], sizes = [2000, 128], strides = [1, 1]} : vector<2000x256xf32> to vector<2000x128xf32>
    %slice3A_7 = vector.extract_strided_slice %get3A_6 {offsets = [0, 128], sizes = [2000, 128], strides = [1, 1]} : vector<2000x256xf32> to vector<2000x128xf32>
    %get3A_8 = arith.constant 0 : index
    %get3A_9 = arith.constant 0 : index
    %get3A_10 = vector.load %arg2[%get3A_8, %get3A_9] : memref<2000x128xf32, #tpu.memory_space<vmem>>, vector<2000x128xf32>
    %add3A_11 = arith.addf %get3A_10, %slice3A : vector<2000x128xf32>
    %div3A = vector.broadcast %add3A_3 : vector<2000x1xf32> to vector<2000x128xf32>
    %div3A_12 = arith.divf %add3A_11, %div3A : vector<2000x128xf32>
    %get3A_13 = arith.constant 0 : index
    %get3A_14 = arith.constant 0 : index
    %get3A_15 = vector.load %arg3[%get3A_13, %get3A_14] : memref<2000x128xf32, #tpu.memory_space<vmem>>, vector<2000x128xf32>
    %add3A_16 = arith.addf %get3A_15, %slice3A_7 : vector<2000x128xf32>
    %div3A_17 = vector.broadcast %add3A_3 : vector<2000x1xf32> to vector<2000x128xf32>
    %div3A_18 = arith.divf %add3A_16, %div3A_17 : vector<2000x128xf32>
    %get3A_19 = arith.constant 0 : index
    %get3A_20 = arith.constant 0 : index
    %get3A_21 = vector.load %arg5[%get3A_19, %get3A_20] : memref<128x64xf32, #tpu.memory_space<vmem>>, vector<128x64xf32>
    %dot_general3A = arith.constant dense<0.000000e+00> : vector<2000x64xf32>
    %dot_general3A_22 = tpu.matmul %div3A_12, %get3A_21, %dot_general3A {dimension_numbers = #tpu.dot_dimension_numbers<[1], [0], [0], [1], [0, 0, 1, 1], [], []>, transpose_lhs_hint = false} : vector<2000x128xf32>, vector<128x64xf32>, vector<2000x64xf32> -> vector<2000x64xf32>
    %get3A_23 = arith.constant 0 : index
    %get3A_24 = arith.constant 0 : index
    %get3A_25 = vector.load %arg6[%get3A_23, %get3A_24] : memref<128x64xf32, #tpu.memory_space<vmem>>, vector<128x64xf32>
    %dot_general3A_26 = arith.constant dense<0.000000e+00> : vector<2000x64xf32>
    %dot_general3A_27 = tpu.matmul %div3A_18, %get3A_25, %dot_general3A_26 {dimension_numbers = #tpu.dot_dimension_numbers<[1], [0], [0], [1], [0, 0, 1, 1], [], []>, transpose_lhs_hint = false} : vector<2000x128xf32>, vector<128x64xf32>, vector<2000x64xf32> -> vector<2000x64xf32>
    %add3A_28 = arith.addf %dot_general3A_22, %dot_general3A_27 : vector<2000x64xf32>
    %reduce_max3A = arith.constant dense<0xFF800000> : vector<2000xf32>
    %reduce_max3A_29 = vector.multi_reduction <maximumf>, %add3A_28, %reduce_max3A [1] : vector<2000x64xf32> to vector<2000xf32>
    %broadcast_in_dim3A = vector.shape_cast %reduce_max3A_29 : vector<2000xf32> to vector<2000x1xf32>
    %iota3A = tpu.iota {dimensions = array<i32: 1>} : vector<2000x64xi32>
    %eq3A = vector.broadcast %broadcast_in_dim3A : vector<2000x1xf32> to vector<2000x64xf32>
    %eq3A_30 = arith.cmpf oeq, %add3A_28, %eq3A : vector<2000x64xf32>
    %jit3A = arith.constant 64 : i32
    %broadcast_in_dim3A_31 = vector.broadcast %jit3A : i32 to vector<2000x64xi32>
    %select_n3A = arith.select %eq3A_30, %iota3A, %broadcast_in_dim3A_31 : vector<2000x64xi1>, vector<2000x64xi32>
    %reduce_min3A = arith.constant dense<2147483647> : vector<2000xi32>
    %reduce_min3A_32 = vector.multi_reduction <minsi>, %select_n3A, %reduce_min3A [1] : vector<2000x64xi32> to vector<2000xi32>
    %broadcast_in_dim3A_33 = vector.shape_cast %reduce_min3A_32 : vector<2000xi32> to vector<2000x1xi32>
    %get3A_34 = arith.constant 0 : index
    %get3A_35 = arith.constant 0 : index
    %get3A_36 = vector.load %arg7[%get3A_34, %get3A_35] : memref<256x1024xf32, #tpu.memory_space<vmem>>, vector<256x1024xf32>
    %dot_general3A_37 = arith.constant dense<0.000000e+00> : vector<2000x1024xf32>
    %dot_general3A_38 = tpu.matmul %get3A_6, %get3A_36, %dot_general3A_37 {dimension_numbers = #tpu.dot_dimension_numbers<[1], [0], [0], [1], [0, 0, 1, 1], [], []>, transpose_lhs_hint = false} : vector<2000x256xf32>, vector<256x1024xf32>, vector<2000x1024xf32> -> vector<2000x1024xf32>
    %get3A_39 = arith.constant 0 : index
    %get3A_40 = arith.constant 0 : index
    %get3A_41 = vector.load %arg8[%get3A_39, %get3A_40] : memref<128x1024xf32, #tpu.memory_space<vmem>>, vector<128x1024xf32>
    %dot_general3A_42 = arith.constant dense<0.000000e+00> : vector<2000x1024xf32>
    %dot_general3A_43 = tpu.matmul %div3A_12, %get3A_41, %dot_general3A_42 {dimension_numbers = #tpu.dot_dimension_numbers<[1], [0], [0], [1], [0, 0, 1, 1], [], []>, transpose_lhs_hint = false} : vector<2000x128xf32>, vector<128x1024xf32>, vector<2000x1024xf32> -> vector<2000x1024xf32>
    %add3A_44 = arith.addf %dot_general3A_38, %dot_general3A_43 : vector<2000x1024xf32>
    %get3A_45 = arith.constant 0 : index
    %get3A_46 = arith.constant 0 : index
    %get3A_47 = vector.load %arg9[%get3A_45, %get3A_46] : memref<128x1024xf32, #tpu.memory_space<vmem>>, vector<128x1024xf32>
    %dot_general3A_48 = arith.constant dense<0.000000e+00> : vector<2000x1024xf32>
    %dot_general3A_49 = tpu.matmul %div3A_18, %get3A_47, %dot_general3A_48 {dimension_numbers = #tpu.dot_dimension_numbers<[1], [0], [0], [1], [0, 0, 1, 1], [], []>, transpose_lhs_hint = false} : vector<2000x128xf32>, vector<128x1024xf32>, vector<2000x1024xf32> -> vector<2000x1024xf32>
    %add3A_50 = arith.addf %add3A_44, %dot_general3A_49 : vector<2000x1024xf32>
    %iota3A_51 = tpu.iota {dimensions = array<i32: 1>} : vector<2000x1024xi32>
    %jit3A_52 = arith.constant 16 : i32
    %div3A_53 = vector.broadcast %jit3A_52 : i32 to vector<2000x1024xi32>
    %div3A_54 = arith.divsi %iota3A_51, %div3A_53 : vector<2000x1024xi32>
    %sign3A = arith.constant 0 : i32
    %sign3A_55 = vector.broadcast %sign3A : i32 to vector<2000x1024xi32>
    %sign3A_56 = arith.cmpi sgt, %iota3A_51, %sign3A_55 : vector<2000x1024xi32>
    %sign3A_57 = arith.extui %sign3A_56 : vector<2000x1024xi1> to vector<2000x1024xi32>
    %sign3A_58 = arith.constant 0 : i32
    %sign3A_59 = vector.broadcast %sign3A_58 : i32 to vector<2000x1024xi32>
    %sign3A_60 = arith.cmpi slt, %iota3A_51, %sign3A_59 : vector<2000x1024xi32>
    %sign3A_61 = arith.extui %sign3A_60 : vector<2000x1024xi1> to vector<2000x1024xi32>
    %sign3A_62 = arith.subi %sign3A_57, %sign3A_61 : vector<2000x1024xi32>
    %sign3A_63 = arith.constant 0 : i32
    %sign3A_64 = arith.cmpi sgt, %jit3A_52, %sign3A_63 : i32
    %sign3A_65 = arith.extui %sign3A_64 : i1 to i32
    %sign3A_66 = arith.constant 0 : i32
    %sign3A_67 = arith.cmpi slt, %jit3A_52, %sign3A_66 : i32
    %sign3A_68 = arith.extui %sign3A_67 : i1 to i32
    %sign3A_69 = arith.subi %sign3A_65, %sign3A_68 : i32
    %ne3A = vector.broadcast %sign3A_69 : i32 to vector<2000x1024xi32>
    %ne3A_70 = arith.cmpi ne, %sign3A_62, %ne3A : vector<2000x1024xi32>
    %rem3A = vector.broadcast %jit3A_52 : i32 to vector<2000x1024xi32>
    %rem3A_71 = arith.remsi %iota3A_51, %rem3A : vector<2000x1024xi32>
    %ne3A_72 = arith.constant 0 : i32
    %ne3A_73 = vector.broadcast %ne3A_72 : i32 to vector<2000x1024xi32>
    %ne3A_74 = arith.cmpi ne, %rem3A_71, %ne3A_73 : vector<2000x1024xi32>
    %and3A = arith.andi %ne3A_70, %ne3A_74 : vector<2000x1024xi1>
    %sub3A = arith.constant 1 : i32
    %sub3A_75 = vector.broadcast %sub3A : i32 to vector<2000x1024xi32>
    %sub3A_76 = arith.subi %div3A_54, %sub3A_75 : vector<2000x1024xi32>
    %select_n3A_77 = arith.select %and3A, %sub3A_76, %div3A_54 : vector<2000x1024xi1>, vector<2000x1024xi32>
    %eq3A_78 = vector.broadcast %broadcast_in_dim3A_33 : vector<2000x1xi32> to vector<2000x1024xi32>
    %eq3A_79 = arith.cmpi eq, %select_n3A_77, %eq3A_78 : vector<2000x1024xi32>
    %jit3A_80 = arith.constant 0.000000e+00 : f32
    %broadcast_in_dim3A_81 = vector.broadcast %jit3A_80 : f32 to vector<2000x1024xf32>
    %select_n3A_82 = arith.select %eq3A_79, %add3A_50, %broadcast_in_dim3A_81 : vector<2000x1024xi1>, vector<2000x1024xf32>
    %slice3A_83 = vector.extract_strided_slice %select_n3A_82 {offsets = [0, 0], sizes = [2000, 512], strides = [1, 1]} : vector<2000x1024xf32> to vector<2000x512xf32>
    %slice3A_84 = vector.extract_strided_slice %select_n3A_82 {offsets = [0, 512], sizes = [2000, 512], strides = [1, 1]} : vector<2000x1024xf32> to vector<2000x512xf32>
    %add3A_85 = arith.addf %slice3A_83, %slice3A_84 : vector<2000x512xf32>
    %slice3A_86 = vector.extract_strided_slice %add3A_85 {offsets = [0, 0], sizes = [2000, 256], strides = [1, 1]} : vector<2000x512xf32> to vector<2000x256xf32>
    %slice3A_87 = vector.extract_strided_slice %add3A_85 {offsets = [0, 256], sizes = [2000, 256], strides = [1, 1]} : vector<2000x512xf32> to vector<2000x256xf32>
    %add3A_88 = arith.addf %slice3A_86, %slice3A_87 : vector<2000x256xf32>
    %slice3A_89 = vector.extract_strided_slice %add3A_88 {offsets = [0, 0], sizes = [2000, 128], strides = [1, 1]} : vector<2000x256xf32> to vector<2000x128xf32>
    %slice3A_90 = vector.extract_strided_slice %add3A_88 {offsets = [0, 128], sizes = [2000, 128], strides = [1, 1]} : vector<2000x256xf32> to vector<2000x128xf32>
    %add3A_91 = arith.addf %slice3A_89, %slice3A_90 : vector<2000x128xf32>
    %slice3A_92 = vector.extract_strided_slice %add3A_91 {offsets = [0, 0], sizes = [2000, 64], strides = [1, 1]} : vector<2000x128xf32> to vector<2000x64xf32>
    %slice3A_93 = vector.extract_strided_slice %add3A_91 {offsets = [0, 64], sizes = [2000, 64], strides = [1, 1]} : vector<2000x128xf32> to vector<2000x64xf32>
    %add3A_94 = arith.addf %slice3A_92, %slice3A_93 : vector<2000x64xf32>
    %slice3A_95 = vector.extract_strided_slice %add3A_94 {offsets = [0, 0], sizes = [2000, 32], strides = [1, 1]} : vector<2000x64xf32> to vector<2000x32xf32>
    %slice3A_96 = vector.extract_strided_slice %add3A_94 {offsets = [0, 32], sizes = [2000, 32], strides = [1, 1]} : vector<2000x64xf32> to vector<2000x32xf32>
    %add3A_97 = arith.addf %slice3A_95, %slice3A_96 : vector<2000x32xf32>
    %slice3A_98 = vector.extract_strided_slice %add3A_97 {offsets = [0, 0], sizes = [2000, 16], strides = [1, 1]} : vector<2000x32xf32> to vector<2000x16xf32>
    %slice3A_99 = vector.extract_strided_slice %add3A_97 {offsets = [0, 16], sizes = [2000, 16], strides = [1, 1]} : vector<2000x32xf32> to vector<2000x16xf32>
    %add3A_100 = arith.addf %slice3A_98, %slice3A_99 : vector<2000x16xf32>
    %swap3A = arith.constant 0 : index
    %swap3A_101 = arith.constant 0 : index
    %swap3A_102 = vector.load %arg10[%swap3A, %swap3A_101] : memref<2000x16xf32, #tpu.memory_space<vmem>>, vector<2000x16xf32>
    tpu.vector_store %arg10[%swap3A, %swap3A_101], %add3A_100 {strides = array<i32>} : memref<2000x16xf32, #tpu.memory_space<vmem>>, vector<2000x16xf32>,
    return
  }
  func.func @transform_0(%arg0: i32) -> (i32, i32) {
    %c0_i32 = arith.constant 0 : i32
    %c0_i32_0 = arith.constant 0 : i32
    return %arg0, %c0_i32 : i32, i32
  }
  func.func @transform_1(%arg0: i32) -> (i32, i32) {
    %c0_i32 = arith.constant 0 : i32
    %c0_i32_0 = arith.constant 0 : i32
    return %arg0, %c0_i32 : i32, i32
  }
  func.func @transform_2(%arg0: i32) -> (i32, i32) {
    %c0_i32 = arith.constant 0 : i32
    %c0_i32_0 = arith.constant 0 : i32
    return %arg0, %c0_i32 : i32, i32
  }
  func.func @transform_3(%arg0: i32) -> (i32, i32) {
    %c0_i32 = arith.constant 0 : i32
    %c0_i32_0 = arith.constant 0 : i32
    return %arg0, %c0_i32 : i32, i32
  }
  func.func @transform_4(%arg0: i32) -> (i32, i32) {
    %c0_i32 = arith.constant 0 : i32
    %c0_i32_0 = arith.constant 0 : i32
    %c0_i32_1 = arith.constant 0 : i32
    return %c0_i32, %c0_i32_0 : i32, i32
  }
  func.func @transform_5(%arg0: i32) -> (i32, i32) {
    %c0_i32 = arith.constant 0 : i32
    %c0_i32_0 = arith.constant 0 : i32
    %c0_i32_1 = arith.constant 0 : i32
    return %c0_i32, %c0_i32_0 : i32, i32
  }
  func.func @transform_6(%arg0: i32) -> (i32, i32) {
    %c0_i32 = arith.constant 0 : i32
    %c0_i32_0 = arith.constant 0 : i32
    %c0_i32_1 = arith.constant 0 : i32
    return %c0_i32, %c0_i32_0 : i32, i32
  }
  func.func @transform_7(%arg0: i32) -> (i32, i32) {
    %c0_i32 = arith.constant 0 : i32
    %c0_i32_0 = arith.constant 0 : i32
    %c0_i32_1 = arith.constant 0 : i32
    return %c0_i32, %c0_i32_0 : i32, i32
  }
  func.func @transform_8(%arg0: i32) -> (i32, i32) {
    %c0_i32 = arith.constant 0 : i32
    %c0_i32_0 = arith.constant 0 : i32
    %c0_i32_1 = arith.constant 0 : i32
    return %c0_i32, %c0_i32_0 : i32, i32
  }
  func.func @transform_9(%arg0: i32) -> (i32, i32) {
    %c0_i32 = arith.constant 0 : i32
    %c0_i32_0 = arith.constant 0 : i32
    return %arg0, %c0_i32 : i32, i32
  }
}

module attributes {stable_mosaic.version = 14 : i64} {
  func.func @_cnt_body(%arg0: i32, %arg1: memref<1x1x16000xi32, #tpu.memory_space<vmem>>, %arg2: memref<80x128xf32, #tpu.memory_space<vmem>>) attributes {dimension_semantics = [#tpu.dimension_semantics<arbitrary>], iteration_bounds = array<i64: 10>, scalar_prefetch = 0 : i64, scratch_operands = 0 : i64, tpu.core_type = #tpu.core_type<tc>, window_params = [{transform_indices = @transform_0, window_bounds = array<i64: 1, 1, 16000>}, {pipeline_mode = #tpu.pipeline_mode<synchronous>, transform_indices = @transform_1, window_bounds = array<i64: 80, 128>}]} {
    %eq3A = arith.constant 0 : i32
    %eq3A_0 = arith.cmpi eq, %arg0, %eq3A : i32
    %convert_element_type3A = arith.extui %eq3A_0 : i1 to i32
    %cond3A = arith.constant 0 : i32
    %cond3A_1 = arith.cmpi ne, %convert_element_type3A, %cond3A : i32
    scf.if %cond3A_1 {
      %broadcast_in_dim3A = arith.constant 0.000000e+00 : f32
      %broadcast_in_dim3A_25 = vector.broadcast %broadcast_in_dim3A : f32 to vector<80x128xf32>
      %swap3A_26 = arith.constant 0 : index
      %swap3A_27 = arith.constant 0 : index
      %swap3A_28 = vector.load %arg2[%swap3A_26, %swap3A_27] : memref<80x128xf32, #tpu.memory_space<vmem>>, vector<80x128xf32>
      tpu.vector_store %arg2[%swap3A_26, %swap3A_27], %broadcast_in_dim3A_25 {strides = array<i32>} : memref<80x128xf32, #tpu.memory_space<vmem>>, vector<80x128xf32>,
    } else {
    }
    %get3A = arith.constant 0 : index
    %get3A_2 = arith.constant 0 : index
    %get3A_3 = arith.constant 0 : index
    %get3A_4 = vector.load %arg1[%get3A, %get3A_2, %get3A_3] : memref<1x1x16000xi32, #tpu.memory_space<vmem>>, vector<1x1x16000xi32>
    %reshape3A = vector.shape_cast %get3A_4 : vector<1x1x16000xi32> to vector<1x16000xi32>
    %shift_right_arithmetic3A = arith.constant 7 : i32
    %shift_right_arithmetic3A_5 = vector.broadcast %shift_right_arithmetic3A : i32 to vector<1x16000xi32>
    %shift_right_arithmetic3A_6 = arith.shrsi %reshape3A, %shift_right_arithmetic3A_5 : vector<1x16000xi32>
    %and3A = arith.constant 127 : i32
    %and3A_7 = vector.broadcast %and3A : i32 to vector<1x16000xi32>
    %and3A_8 = arith.andi %reshape3A, %and3A_7 : vector<1x16000xi32>
    %iota3A = tpu.iota {dimensions = array<i32: 0>} : vector<80x16000xi32>
    %eq3A_9 = vector.broadcast %shift_right_arithmetic3A_6 : vector<1x16000xi32> to vector<80x16000xi32>
    %eq3A_10 = arith.cmpi eq, %iota3A, %eq3A_9 : vector<80x16000xi32>
    %convert_element_type3A_11 = arith.extui %eq3A_10 : vector<80x16000xi1> to vector<80x16000xi32>
    %convert_element_type3A_12 = arith.sitofp %convert_element_type3A_11 : vector<80x16000xi32> to vector<80x16000xf32>
    %reshape3A_13 = vector.shape_cast %and3A_8 : vector<1x16000xi32> to vector<16000x1xi32>
    %iota3A_14 = tpu.iota {dimensions = array<i32: 1>} : vector<16000x128xi32>
    %eq3A_15 = vector.broadcast %reshape3A_13 : vector<16000x1xi32> to vector<16000x128xi32>
    %eq3A_16 = arith.cmpi eq, %eq3A_15, %iota3A_14 : vector<16000x128xi32>
    %convert_element_type3A_17 = arith.extui %eq3A_16 : vector<16000x128xi1> to vector<16000x128xi32>
    %convert_element_type3A_18 = arith.sitofp %convert_element_type3A_17 : vector<16000x128xi32> to vector<16000x128xf32>
    %get3A_19 = arith.constant 0 : index
    %get3A_20 = arith.constant 0 : index
    %get3A_21 = vector.load %arg2[%get3A_19, %get3A_20] : memref<80x128xf32, #tpu.memory_space<vmem>>, vector<80x128xf32>
    %dot_general3A = arith.constant dense<0.000000e+00> : vector<80x128xf32>
    %dot_general3A_22 = tpu.matmul %convert_element_type3A_12, %convert_element_type3A_18, %dot_general3A {dimension_numbers = #tpu.dot_dimension_numbers<[1], [0], [0], [1], [0, 0, 1, 1], [], []>, transpose_lhs_hint = false} : vector<80x16000xf32>, vector<16000x128xf32>, vector<80x128xf32> -> vector<80x128xf32>
    %add3A = arith.addf %get3A_21, %dot_general3A_22 : vector<80x128xf32>
    %swap3A = arith.constant 0 : index
    %swap3A_23 = arith.constant 0 : index
    %swap3A_24 = vector.load %arg2[%swap3A, %swap3A_23] : memref<80x128xf32, #tpu.memory_space<vmem>>, vector<80x128xf32>
    tpu.vector_store %arg2[%swap3A, %swap3A_23], %add3A {strides = array<i32>} : memref<80x128xf32, #tpu.memory_space<vmem>>, vector<80x128xf32>,
    return
  }
  func.func @transform_0(%arg0: i32) -> (i32, i32, i32) {
    %c0_i32 = arith.constant 0 : i32
    %c0_i32_0 = arith.constant 0 : i32
    %c0_i32_1 = arith.constant 0 : i32
    return %arg0, %c0_i32, %c0_i32_0 : i32, i32, i32
  }
  func.func @transform_1(%arg0: i32) -> (i32, i32) {
    %c0_i32 = arith.constant 0 : i32
    %c0_i32_0 = arith.constant 0 : i32
    %c0_i32_1 = arith.constant 0 : i32
    return %c0_i32, %c0_i32_0 : i32, i32
  }
}

</mosaic_0001>

<sc_bundles>
// kernel: kernel.5.cloned.1.call-start
scs
__scs_entry_jumppad:
0x0: {  	(pc) =	sbr.rel $0x88, $3  }
0x1: {  	(tag) =	ssettag $0x0;
	lr =	simm.s32 $0x1  }
0x2: {  	[smem:$0x3F9D] =	sst lr;
	_ =	strace $0xD0000000  }
0x3: {  	_ = 	snop  }
0x4: {  	_ = 	snop  }
0x5: {  	_ = 	snop  }
0x6: {  	_ = 	snop  }
0x7: {  	_ = 	snop  }
__scs_overlays_trampoline_lowered:
0x8: {  	[smem:$0x3FAC] =	sst s0  }
0x9: {  	[smem:$0x3FAD] =	sst s1  }
0xa: {  	[smem:$0x3FAE] =	sst s2  }
0xb: {  	[smem:$0x3FAF] =	sst s3  }
0xc: {  	[smem:$0x3FB0] =	sst s4  }
0xd: {  	[smem:$0x3FB1] =	sst s5  }
0xe: {  	[smem:$0x3FB2] =	sst s6  }
0xf: {  	[smem:$0x3FB3] =	sst s7  }
0x10: {  	[smem:$0x3FB4] =	sst s8  }
0x11: {  	[smem:$0x3FB5] =	sst s9;
	s0 =	simm.s32 @!p0 $0x0  }
0x12: {  	s1 =	sld [smem:$0x3F9B];
	s0 =	simm.s32 @p0 $0x1  }
0x13: {  	[smem:$0x3FB6] =	sst s0;
	s0 =	simm.s32 @!p1 $0x0  }
0x14: {  	s2 =	sld [smem:$0x3F9A];
	s0 =	simm.s32 @p1 $0x1  }
0x15: {  	[smem:$0x3FB7] =	sst s0;
	s0 =	simm.s32 @!p2 $0x0  }
0x16: {  	s3 =	sld [smem:$0x3FDB];
	s0 =	simm.s32 @p2 $0x1  }
0x17: {  	s4 =	simm.s32 $0x1BF5;
	[smem:$0x3FB9] =	sst s0  }
0x18: {  	s0 =	sld [smem:$0x3F9C];
	_ =	swait.ge [sflag:s4], $0x0  }
0x19: {  	s7 =	sld [smem:$0x3F9D]  }
0x1a: {  	s8 =	sadd.s32 $0xFFFFE003, lr  }
0x1b: {  	s9 =	sadd.s32 $0xFFFFFEF7, lr;
	s5 =	simm.s32 $0xFFFFFFFF;
	p2 =	slt.u32 s8, $0xFFFFF086  }
0x1c: {  	p1 =	slt.u32 s9, $0xF7A;
	s5 =	simm.s32 @!p2 $0x0  }
0x1d: {  	s5 =	simm.s32 @p1 $0x1;
	p0 =	seq.s32 s7, s2  }
0x1e: {  	s7 =	smul.u32 @!p0 $0xF7A, s2;
	p2 =	seq.s32 @!p0 s5, $0x0  }
0x1f: {  	s9 =	smul.u32 $0xF7A, s1;
	s8 =	simm.s32 @!p0 $0x1BF5;
	p2 =	por !p2, p0  }
0x20: {  	[sflag:s8] =	ssyncset.s32 @!p0 $0xFFFFF086;
	s6 =	sadd.s32 @!p0 s3, s7;
	s7 =	simm.s32 @!p0 $0x108  }
0x21: {  	s3 =	sadd.s32 s3, s9;
	s6 =	sadd.s32 @!p0 $0x88, s6;
	s7 =	simm.s32 @p2 $0x1082  }
0x22: {  	[simem:s7], [sflag:s8] =	dma.local @!p0 [hbm:s6], $0xF7A  }
0x23: {  	s9 =	sor.u32 $0xD0000000, s2;
	s6 =	simm.s32 $0x108;
	_ =	swait.ge @!p0 [sflag:s8], $0x0  }
0x24: {  	s3 =	sadd.s32 $0x88, s3;
	s6 =	simm.s32 @!p1 $0x1082;
	[sflag:s4] =	ssyncset.s32 $0xFFFFF086  }
0x25: {  	[simem:s6], [sflag:s4] =	dma.local [hbm:s3], $0xF7A  }
0x26: {  	[smem:$0x3F9D] =	sst s1;
	(tag) =	ssettag s2;
	_ =	strace s9  }
0x27: {  	s1 =	sld [smem:$0x3FAD]  }
0x28: {  	s2 =	sld [smem:$0x3FAE]  }
0x29: {  	s4 =	sld [smem:$0x3FB0]  }
0x2a: {  	p0 =	seq.s32 s5, $0x0;
	s5 =	sld [smem:$0x3FB1]  }
0x2b: {  	s6 =	sld [smem:$0x3FB2]  }
0x2c: {  	s7 =	sld [smem:$0x3FB3]  }
0x2d: {  	s3 =	simm.s32 $0x108;
	s8 =	sld [smem:$0x3FB4]  }
0x2e: {  	s3 =	simm.s32 @!p0 $0x1082;
	s9 =	sld [smem:$0x3FB5]  }
0x2f: {  	lr =	sadd.s32 s0, s3;
	s0 =	sld [smem:$0x3FAC]  }
0x30: {  	s3 =	sld [smem:$0x3FAF]  }
0x31: {  	[smem:$0x3FB8] =	sst s10  }
0x32: {  	s10 =	sld [smem:$0x3FB6];
	_ =	sdelay $0x3  }
0x33: {  	p0 =	seq.s32 s10, $0x1;
	s10 =	sld [smem:$0x3FB8];
	_ =	sdelay $0x3  }
0x34: {  	[smem:$0x3FB8] =	sst s10  }
0x35: {  	s10 =	sld [smem:$0x3FB7];
	_ =	sdelay $0x3  }
0x36: {  	p1 =	seq.s32 s10, $0x1;
	s10 =	sld [smem:$0x3FB8];
	_ =	sdelay $0x3  }
0x37: {  	[smem:$0x3FB8] =	sst s10  }
0x38: {  	s10 =	sld [smem:$0x3FB9]  }
0x39: {  	_ = 	snop;
	(pc) =	sbr.ind lr, $3  }
0x3a: {  	_ = 	snop  }
0x3b: {  	_ = 	snop  }
0x3c: {  	p2 =	seq.s32 s10, $0x1;
	s10 =	sld [smem:$0x3FB8]  }
0x3d: {  	_ =	shalt  }
0x3e: {  	_ =	shalt  }
0x3f: {  	_ =	shalt  }
0x40: {  	_ =	shalt  }
0x41: {  	_ =	shalt  }
0x42: {  	_ =	shalt  }
0x43: {  	_ =	shalt  }
0x44: {  	_ =	shalt  }
0x45: {  	_ =	shalt  }
0x46: {  	_ =	shalt  }
0x47: {  	_ =	shalt  }
0x48: {  	_ =	shalt  }
0x49: {  	_ =	shalt  }
0x4a: {  	_ =	shalt  }
0x4b: {  	_ =	shalt  }
0x4c: {  	_ =	shalt  }
0x4d: {  	_ =	shalt  }
0x4e: {  	_ =	shalt  }
0x4f: {  	_ =	shalt  }
0x50: {  	_ =	shalt  }
0x51: {  	_ =	shalt  }
0x52: {  	_ =	shalt  }
0x53: {  	_ =	shalt  }
0x54: {  	_ =	shalt  }
0x55: {  	_ =	shalt  }
0x56: {  	_ =	shalt  }
0x57: {  	_ =	shalt  }
0x58: {  	_ =	shalt  }
0x59: {  	_ =	shalt  }
0x5a: {  	_ =	shalt  }
0x5b: {  	_ =	shalt  }
0x5c: {  	_ =	shalt  }
0x5d: {  	_ =	shalt  }
0x5e: {  	_ =	shalt  }
0x5f: {  	_ =	shalt  }
0x60: {  	_ =	shalt  }
0x61: {  	_ =	shalt  }
0x62: {  	_ =	shalt  }
0x63: {  	_ =	shalt  }
0x64: {  	_ =	shalt  }
0x65: {  	_ =	shalt  }
0x66: {  	_ =	shalt  }
0x67: {  	_ =	shalt  }
0x68: {  	_ =	shalt  }
0x69: {  	_ =	shalt  }
0x6a: {  	_ =	shalt  }
0x6b: {  	_ =	shalt  }
0x6c: {  	_ =	shalt  }
0x6d: {  	_ =	shalt  }
0x6e: {  	_ =	shalt  }
0x6f: {  	_ =	shalt  }
0x70: {  	_ =	shalt  }
0x71: {  	_ =	shalt  }
0x72: {  	_ =	shalt  }
0x73: {  	_ =	shalt  }
0x74: {  	_ =	shalt  }
0x75: {  	_ =	shalt  }
0x76: {  	_ =	shalt  }
0x77: {  	_ =	shalt  }
0x78: {  	_ =	shalt  }
0x79: {  	_ =	shalt  }
0x7a: {  	_ =	shalt  }
0x7b: {  	_ =	shalt  }
0x7c: {  	_ =	shalt  }
0x7d: {  	_ =	shalt  }
0x7e: {  	_ =	shalt  }
0x7f: {  	_ =	shalt  }
0x80: {  	_ =	shalt  }
0x81: {  	_ =	shalt  }
0x82: {  	_ =	shalt  }
0x83: {  	_ =	shalt  }
0x84: {  	_ =	shalt  }
0x85: {  	_ =	shalt  }
0x86: {  	_ =	shalt  }
0x87: {  	_ =	shalt  }
.Lfunc_end0:
.L_simem_size_0:
called_computation_lowered:
.L_overlay_start_0:
0x88: {  	s2 =	sld [smem:$0x3FD9]  }
0x89: {  	s3 =	sld [smem:$0x3FFE];
	_ =	sdelay $0x1  }
0x8a: {  	s1 =	srdreg.scid  }
0x8b: {  	s0 =	sand.u32 $0x1, s1  }
0x8c: {  	s17 =	sshll.u32 s0, $0xA;
	s2 =	sadd.s32 s3, s2  }
0x8d: {  	s2 =	sadd.s32 s2, s17  }
0x8e: {  	[smem:$0x3FC4] =	sst s2  }
0x8f: {  	_ = 	snop  }
0x90: {  	s2 =	sld [smem:$0x3FC9]  }
0x91: {  	s18 =	sld [smem:$0x3FD0];
	(tm) =	ssettm $0x1  }
0x92: {  	s4 =	sld [smem:$0x3FFB];
	_ =	sdelay $0x3  }
0x93: {  	_ =	strace s4  }
0x94: {  	s4 =	sld [smem:$0x3FFC];
	_ =	sdelay $0x3  }
0x95: {  	_ =	strace s4  }
0x96: {  	s4 =	sld [smem:$0x3FFD];
	_ =	sdelay $0x3  }
0x97: {  	_ =	strace s4  }
0x98: {  	_ =	strace $0x8FFFFFFF  }
0x99: {  	s19 =	sld [smem:$0x3FDB];
	_ =	sdelay $0x1  }
0x9a: {  	s5 =	simm.s32 $_scs_section_size  }
0x9b: {  	s6 =	simm.s32 $_size__tile_overlayer_lowered;
	s7 =	simm.s32 $_tile_overlayer_lowered  }
0x9c: {  	s22 =	simm.s32 $0x1BFF;
	s21 =	sshll.u32 s7, $0x1;
	s4 =	sadd.s32 s5, s19  }
0x9d: {  	s8 =	simm.s32 $0x0;
	s20 =	sshll.u32 s6, $0x1;
	s6 =	sadd.s32 s21, s4  }
0x9e: {  	[timem:s8], [sflag:s22] =	dma.local [hbm:s6], s20  }
0x9f: {  	_ =	swait.ge [sflag:s22], s20  }
0xa0: {  	s5 =	ssub.s32 $0x0, s20;
	[sflag:s22] =	ssyncset.done $0x0  }
0xa1: {  	[sflag:s22] =	ssyncadd.s32 s5;
	_ =	sdelay $0x1  }
0xa2: {  	s23 =	simm.s32 $0x1B8B  }
0xa3: {  	_ =	swait.ge [sflag:s23], $0x1  }
0xa4: {  	[sflag:s23] =	ssyncset.done $0x0  }
0xa5: {  	s25 =	simm.s32 $0x1B8E;
	s24 =	sld [smem:$0x3FFE];
	[sflag:s23] =	ssyncadd.s32 $0xFFFFFFFF  }
0xa6: {  	s26 =	simm.s32 $execute0_lowered;
	[smem:$0x3FD2] =	sst s25  }
0xa7: {  	s6 =	sshll.u32 s26, $0x1;
	_ =	strace $0x80000046;
	[dreg:$0x1] =	wrdreg $0xFFFFFFFF  }
0xa8: {  	s28 =	simm.s32 $_size_execute0_lowered;
	s4 =	sadd.s32 s4, s6;
	[dreg:$0x0] =	wrdreg $0x0  }
0xa9: {  	s6 =	sshll.u32 s28, $0x1;
	[dreg:$0x2] =	wrdreg s4  }
0xaa: {  	[dreg:$0x3] =	wrdreg s6  }
0xab: {  	[dreg:$0x4] =	wrdreg $0xC0  }
0xac: {  	_ =	task [dreg:s8], $0x5FFFF  }
0xad: {  	[dreg:$0x1] =	wrdreg $0xFFFFFFFF  }
0xae: {  	[dreg:$0x0] =	wrdreg $0x60  }
0xaf: {  	[dreg:$0x2] =	wrdreg s2  }
0xb0: {  	[dreg:$0x3] =	wrdreg s24  }
0xb1: {  	[dreg:$0x4] =	wrdreg s18  }
0xb2: {  	[dreg:$0x5] =	wrdreg $0xA8000  }
0xb3: {  	[dreg:$0x6] =	wrdreg $0x9  }
0xb4: {  	_ =	task.clear_ibuf [dreg:s8], $0x7FFFF;
	_ =	strace $0x90000046  }
0xb5: {  	s29 =	simm.s32 $0x9;
	_ =	strace $0x80000048  }
0xb6: {  	_ =	swait.ge [sflag:s29], $0x1  }
0xb7: {  	[sflag:s29] =	ssyncadd.s32 $0xFFFFFFFF  }
0xb8: {  	_ =	strace $0x90000048  }
0xb9: {  	_ =	sfence  }
0xba: {  	s30 =	sld [smem:$0x0];
	_ =	sdelay $0x2  }
0xbb: {  	s31 =	sshll.u32 s1, $0xD;
	s1 =	sshrl.u32 s1, $0x2  }
0xbc: {  	s3 =	sand.u32 $0x4000, s31;
	s1 =	sadd.s32 s1, s30  }
0xbd: {  	s0 =	sor.u32 s3, s0;
	s1 =	sshll.u32 s1, $0x11  }
0xbe: {  	s0 =	sor.u32 s1, s0  }
0xbf: {  	s0 =	sadd.s32 $0x8F2B, s0  }
0xc0: {  	[sflag:s0] =	ssyncadd.remote.s32 $0x1  }
0xc1: {  	_ =	sfence.sel $0xFFFF  }
0xc2: {  	[dreg:$0x0] =	wrdreg $0xFFFFFFFF;
	(pc) =	sbr.abs _section_cstart, $3  }
0xc3: {  	[dreg:$0x1] =	wrdreg $0xFFFFFFFF  }
0xc4: {  	_ =	task.clear_ibuf [dreg:s8], $0x2FFFF;
	_ =	strace $0x9FFFFFFF  }
0xc5: {  	(tm) =	ssettm $0x7FFFFFFF  }
tec
execute0_lowered:
.L_overlay_start_1:
0x0: {  	(tag) =	ssettag $0x1  }
0x1: {  	s1 =	rddreg [dreg:$0x0]  }
0x2: {  	s0 =	rddreg [dreg:$0x1]  }
0x3: {  	s4 =	rddreg [dreg:$0x3];
	s5 =	simm.s32 $0x0  }
0x4: {  	s11 =	stileid.u32;
	s3 =	srdreg.scid;
	s19 =	simm.s32 $0x6800  }
0x5: {  	s18 =	simm.s32 $0x4;
	s20 =	simm.s32 $0x3;
	s2 =	smul.u32 $0x2700, s11  }
0x6: {  	[smem:$0x7FF] =	sst s5;
	s6 =	sadd.s32 $0xC00, s0;
	s21 =	smul.u32 $0x4E400, s11  }
0x7: {  	s3 =	sand.u32 $0x1, s3;
	s7 =	sadd.s32 $0xAC00, s0;
	s9 =	smul.u32 $0x4E000, s11  }
0x8: {  	s23 =	sshll.u32 s11, $0x6;
	s24 =	smul.u32 $0x5000, s11;
	s10 =	sadd.s32 $0x80, s1  }
0x9: {  	s28 =	sadd.s32 $0x124800, s4;
	_ =	strace $0x80000047;
	[dreg:$0x5] =	wrdreg s6  }
0xa: {  	s29 =	sadd.s32 $0x60700, s0;
	p1 =	seq.s32 s11, $0xF;
	[dreg:$0x6] =	wrdreg s7  }
0xb: {  	s11 =	simm.s32 $0x8800;
	s22 =	ssub.s32 $0x2, s3;
	[dreg:$0xb] =	wrdreg s28  }
0xc: {  	s16 =	sor.u32 $0x1C09, s23;
	[dreg:$0xc] =	wrdreg s29;
	p0 =	sne.s32 s3, $0x0  }
0xd: {  	s2 =	sadd.s32 s2, s0;
	s8 =	sshrl.u32 s22, $0x1;
	s6 =	sshrl.u32 s21, $0x2  }
0xe: {  	[dreg:$0x8] =	wrdreg s24;
	s25 =	sshrl.u32 s9, $0x2;
	s0 =	sadd.s32 $0x39500, s0  }
0xf: {  	v0 =	vimm.s32 $0x7;
	s21 =	simm.s32 $0x2800;
	s9 =	simm.s32 $0x40;
	[dreg:$0x7] =	wrdreg s16  }
0x10: {  	v1 =	vimm.s32 $0x1;
	v2 =	vimm.s32 $0x0;
	v3 =	vlaneseq.u32;
	s7 =	ssub.s32 s22, s8;
	s8 =	sadd.s32 s25, s4;
	[dreg:$0xe] =	wrdreg s0  }
.Ltmp0:
0x11: {  	vm0 =	vmmov $0x1;
	v4 =	vimm.s32 $0x2;
	v5 =	vimm.s32 $0x3;
	s26 =	sadd.s32 $0x3BE00, s2;
	[dreg:$0x9] =	wrdreg s8;
	(pc) =	sbr.rel .LBB2_1-.Ltmp0, $4  }
0x12: {  	v6 =	vimm.s32 $0x4;
	v7 =	vimm.s32 $0x5;
	v8 =	vimm.s32 $0x6;
	s6 =	sadd.s32 s6, s4;
	s2 =	sadd.s32 $0x14C00, s2;
	[dreg:$0xa] =	wrdreg s26  }
0x13: {  	v9 =	vimm.s32 $0x8;
	v10 =	vimm.s32 $0x9;
	v11 =	vimm.s32 $0xA;
	s0 =	simm.s32 $0x0;
	[dreg:$0xd] =	wrdreg s2;
	s30 =	smax.u32 s7, $0x1  }
0x14: {  	v12 =	vimm.s32 $0xB;
	v13 =	vimm.s32 $0xC;
	v14 =	vimm.s32 $0xD;
	s31 =	sshrl.u32 s6, $0x3;
	s2 =	simm.s32 $0x4800;
	[dreg:$0xf] =	wrdreg s30  }
0x15: {  	v15 =	vimm.s32 $0xE;
	v16 =	vimm.s32 $0xF;
	v3 =	vmul.u32 $0x8, v3;
	s6 =	simm.s32 $0x2;
	s7 =	simm.s32 $0x1;
	[dreg:$0x10] =	wrdreg s31  }
.LBB2_10:
0x16: {  	s0 =	sadd.s32 $0x1, s0;
	s13 =	rddreg [dreg:$0xf]  }
0x17: {  	p2 =	sne.s32 s0, s13  }
.Ltmp1:
0x18: {  	_ = 	snop;
	(pc) =	sbr.rel @!p2 .LBB2_11-.Ltmp1, $1  }
0x19: {  	_ =	sdelay $0x3  }
.LBB2_1:
0x1a: {  	[dreg:$0x11] =	wrdreg s0  }
0x1b: {  	s13 =	rddreg [dreg:$0x2]  }
0x1c: {  	s17 =	rddreg [dreg:$0x10];
	s31 =	simm.s32 $0x9  }
0x1d: {  	[spmem:s17], [sflag:s16] =	dma.local [hbm:s13], $0x2720  }
0x1e: {  	_ =	swait.ge [sflag:s31], $0x2720  }
0x1f: {  	[sflag:s31] =	ssyncset.done $0x0  }
0x20: {  	[sflag:s31] =	ssyncadd.s32 $0xFFFFD8E0  }
.Ltmp2:
0x21: {  	[bflag:$0x0] =	sbarrier.arrive $0xFFFF;
	(pc) =	sbr.rel @p0 .LBB2_6-.Ltmp2, $4  }
0x22: {  	s13 =	rddreg [dreg:$0xb]  }
0x23: {  	s0 =	sshrl.u32 @p1 s13, $0x3;
	s13 =	rddreg [dreg:$0x9]  }
0x24: {  	[dreg:$0x13] =	wrdreg s0;
	s0 =	sshrl.u32 @!p1 s13, $0x3  }
0x25: {  	s3 =	simm.s32 $0x0;
	s8 =	simm.s32 $0x0;
	[dreg:$0x12] =	wrdreg s0  }
.LBB2_2:
0x26: {  	[dreg:$0x14] =	wrdreg s3  }
0x27: {  	s13 =	smul.u32 $0x1400, s3;
	s16 =	rddreg [dreg:$0x8]  }
0x28: {  	s24 =	rddreg [dreg:$0x5];
	s8 =	simm.s32 $0x9;
	s26 =	simm.s32 $0x1400  }
0x29: {  	s28 =	simm.s32 $0x9600;
	s29 =	simm.s32 $0x9680;
	s13 =	sadd.s32 s16, s13  }
0x2a: {  	s30 =	simm.s32 $0x9700;
	s31 =	simm.s32 $0x9780;
	s13 =	sshrl.u32 s13, $0x3  }
0x2b: {  	s0 =	simm.s32 $0x9800;
	s16 =	simm.s32 $0x0;
	s17 =	sadd.s32 s24, s13  }
0x2c: {  	[tilespmem:s16], [sflag:$0x9] =	stream.linear.gather [hbm4b:s17+s16], $0x1400, $0x38;
	[tilespmem:$0x1E100] =	vst v63  }
0x2d: {  	s3 =	simm.s32 $0x9880;
	s12 =	simm.s32 $0x9900;
	_ =	swait.ge [sflag:s8], $0x1400  }
0x2e: {  	s14 =	simm.s32 $0x9980;
	[sflag:s8] =	ssyncset.done $0x0;
	s25 =	rddreg [dreg:$0x6]  }
0x2f: {  	s15 =	simm.s32 $0x9A00;
	[sflag:s8] =	ssyncadd.s32 $0xFFFFEC00;
	s13 =	sadd.s32 s25, s13  }
0x30: {  	[tilespmem:s26], [sflag:$0x9] =	stream.linear.gather [hbm4b:s13+s16], $0x1400, $0x38;
	[tilespmem:$0x1E100] =	vst v63  }
0x31: {  	s22 =	simm.s32 $0x9B00;
	s23 =	simm.s32 $0x9B80;
	_ =	swait.ge [sflag:s8], $0x1400  }
0x32: {  	s24 =	simm.s32 $0x9C00;
	s25 =	simm.s32 $0x9500;
	[sflag:s8] =	ssyncset.done $0x0  }
0x33: {  	s26 =	simm.s32 $0x9580;
	[sflag:s8] =	ssyncadd.s32 $0xFFFFEC00;
	s8 =	simm.s32 $0x9A80  }
.LBB2_3:
0x34: {  	p2 =	seq.s32 s16, $0x0  }
0x35: {  	s13 =	simm.s32 @!p2 $0x5  }
0x36: {  	_ =	swait.ge @!p2 [sflag:s13], $0x2000  }
0x37: {  	[sflag:s13] =	ssyncset.done @!p2 $0x0  }
0x38: {  	[sflag:s13] =	ssyncadd.s32 @!p2 $0xFFFFE000;
	s13 =	sshra.s32 s16, $0x2  }
0x39: {  	v17 =	vld [tilespmem:s13+$0x0];
	_ =	sdelay $0x4  }
0x3a: {  	v18 =	vshll.u32 v17, $0x1  }
0x3b: {  	v17 =	vand.u32 $0x7, v17;
	v18 =	vand.u32 $0xFFFFFFF0, v18  }
0x3c: {  	v17 =	vor.u32 v17, v18  }
0x3d: {  	v18 =	vperm.xlane v17, v2;
	_ =	sdelay $0x1  }
0x3e: {  	v19 =	vperm.xlane v17, v1;
	v18 =	vadd.s32 v3, v18;
	_ =	sdelay $0x1  }
0x3f: {  	v20 =	vperm.xlane v17, v4;
	v19 =	vadd.s32 v3, v19;
	_ =	sdelay $0x1  }
0x40: {  	v21 =	vperm.xlane v17, v5;
	v20 =	vadd.s32 v3, v20  }
0x41: {  	[tilespmem:s21], [sflag:$0x1] =	stream.indirect_vreg.gather [hbm4b:s1+s5], $0x80, v18, vm0, $0xb8;
	[tilespmem:$0x1E100] =	vst v63  }
0x42: {  	s17 =	simm.s32 $0x2880;
	v34 =	vperm.xlane v17, v6;
	v18 =	vadd.s32 v3, v21  }
0x43: {  	[tilespmem:s17], [sflag:$0x1] =	stream.indirect_vreg.gather [hbm4b:s1+s5], $0x80, v19, vm0, $0xb8;
	[tilespmem:$0x1E100] =	vst v63  }
0x44: {  	v35 =	vperm.xlane v17, v7;
	v19 =	vadd.s32 v3, v34;
	s17 =	simm.s32 $0x2900  }
0x45: {  	[tilespmem:s17], [sflag:$0x1] =	stream.indirect_vreg.gather [hbm4b:s1+s5], $0x80, v20, vm0, $0xb8;
	[tilespmem:$0x1E100] =	vst v63  }
0x46: {  	v37 =	vperm.xlane v17, v8;
	v36 =	vadd.s32 v3, v35;
	s17 =	simm.s32 $0x2980  }
0x47: {  	[tilespmem:s17], [sflag:$0x1] =	stream.indirect_vreg.gather [hbm4b:s1+s5], $0x80, v18, vm0, $0xb8;
	[tilespmem:$0x1E100] =	vst v63  }
0x48: {  	v38 =	vperm.xlane v17, v0;
	v18 =	vadd.s32 v3, v37;
	s17 =	simm.s32 $0x2A00  }
0x49: {  	[tilespmem:s17], [sflag:$0x1] =	stream.indirect_vreg.gather [hbm4b:s1+s5], $0x80, v19, vm0, $0xb8;
	[tilespmem:$0x1E100] =	vst v63  }
0x4a: {  	v39 =	vperm.xlane v17, v9;
	v19 =	vadd.s32 v3, v38;
	s17 =	simm.s32 $0x2A80  }
0x4b: {  	[tilespmem:s17], [sflag:$0x1] =	stream.indirect_vreg.gather [hbm4b:s1+s5], $0x80, v36, vm0, $0xb8;
	[tilespmem:$0x1E100] =	vst v63  }
0x4c: {  	v41 =	vperm.xlane v17, v10;
	v40 =	vadd.s32 v3, v39;
	s17 =	simm.s32 $0x2B00  }
0x4d: {  	[tilespmem:s17], [sflag:$0x1] =	stream.indirect_vreg.gather [hbm4b:s1+s5], $0x80, v18, vm0, $0xb8;
	[tilespmem:$0x1E100] =	vst v63  }
0x4e: {  	v42 =	vperm.xlane v17, v11;
	v18 =	vadd.s32 v3, v41;
	s17 =	simm.s32 $0x2B80  }
0x4f: {  	[tilespmem:s17], [sflag:$0x1] =	stream.indirect_vreg.gather [hbm4b:s1+s5], $0x80, v19, vm0, $0xb8;
	[tilespmem:$0x1E100] =	vst v63  }
0x50: {  	v43 =	vperm.xlane v17, v12;
	v19 =	vadd.s32 v3, v42;
	s17 =	simm.s32 $0x2C00  }
0x51: {  	[tilespmem:s17], [sflag:$0x1] =	stream.indirect_vreg.gather [hbm4b:s1+s5], $0x80, v40, vm0, $0xb8;
	[tilespmem:$0x1E100] =	vst v63  }
0x52: {  	v45 =	vperm.xlane v17, v13;
	v44 =	vadd.s32 v3, v43;
	s17 =	simm.s32 $0x2C80  }
0x53: {  	[tilespmem:s17], [sflag:$0x1] =	stream.indirect_vreg.gather [hbm4b:s1+s5], $0x80, v18, vm0, $0xb8;
	[tilespmem:$0x1E100] =	vst v63  }
0x54: {  	v46 =	vperm.xlane v17, v14;
	v18 =	vadd.s32 v3, v45;
	s17 =	simm.s32 $0x2D00  }
0x55: {  	[tilespmem:s17], [sflag:$0x1] =	stream.indirect_vreg.gather [hbm4b:s1+s5], $0x80, v19, vm0, $0xb8;
	[tilespmem:$0x1E100] =	vst v63  }
0x56: {  	v47 =	vperm.xlane v17, v15;
	v19 =	vadd.s32 v3, v46;
	s17 =	simm.s32 $0x2D80  }
0x57: {  	[tilespmem:s17], [sflag:$0x1] =	stream.indirect_vreg.gather [hbm4b:s1+s5], $0x80, v44, vm0, $0xb8;
	[tilespmem:$0x1E100] =	vst v63  }
0x58: {  	v17 =	vperm.xlane v17, v16;
	v48 =	vadd.s32 v3, v47;
	s17 =	simm.s32 $0x2E00  }
0x59: {  	[tilespmem:s17], [sflag:$0x1] =	stream.indirect_vreg.gather [hbm4b:s1+s5], $0x80, v18, vm0, $0xb8;
	[tilespmem:$0x1E100] =	vst v63  }
0x5a: {  	v17 =	vadd.s32 v3, v17;
	s17 =	simm.s32 $0x2E80  }
0x5b: {  	[tilespmem:s17], [sflag:$0x1] =	stream.indirect_vreg.gather [hbm4b:s1+s5], $0x80, v19, vm0, $0xb8;
	[tilespmem:$0x1E100] =	vst v63  }
0x5c: {  	s17 =	simm.s32 $0x2F00  }
0x5d: {  	[tilespmem:s17], [sflag:$0x1] =	stream.indirect_vreg.gather [hbm4b:s1+s5], $0x80, v48, vm0, $0xb8;
	[tilespmem:$0x1E100] =	vst v63  }
0x5e: {  	s17 =	simm.s32 $0x2F80  }
0x5f: {  	[tilespmem:s17], [sflag:$0x1] =	stream.indirect_vreg.gather [hbm4b:s1+s5], $0x80, v17, vm0, $0xb8;
	[tilespmem:$0x1E100] =	vst v63  }
0x60: {  	v17 =	vld [tilespmem:s13+$0x10];
	_ =	sdelay $0x4  }
0x61: {  	v18 =	vshll.u32 v17, $0x1  }
0x62: {  	v17 =	vand.u32 $0x7, v17;
	v18 =	vand.u32 $0xFFFFFFF0, v18  }
0x63: {  	v17 =	vor.u32 v17, v18  }
0x64: {  	v18 =	vperm.xlane v17, v2;
	_ =	sdelay $0x1  }
0x65: {  	v19 =	vperm.xlane v17, v1;
	v18 =	vadd.s32 v3, v18;
	_ =	sdelay $0x1  }
0x66: {  	v49 =	vperm.xlane v17, v4;
	v19 =	vadd.s32 v3, v19;
	_ =	sdelay $0x1  }
0x67: {  	s17 =	simm.s32 $0x3000;
	v50 =	vperm.xlane v17, v5;
	v20 =	vadd.s32 v3, v49  }
0x68: {  	[tilespmem:s17], [sflag:$0x1] =	stream.indirect_vreg.gather [hbm4b:s1+s5], $0x80, v18, vm0, $0xb8;
	[tilespmem:$0x1E100] =	vst v63  }
0x69: {  	v51 =	vperm.xlane v17, v6;
	v18 =	vadd.s32 v3, v50;
	s17 =	simm.s32 $0x3080  }
0x6a: {  	[tilespmem:s17], [sflag:$0x1] =	stream.indirect_vreg.gather [hbm4b:s1+s5], $0x80, v19, vm0, $0xb8;
	[tilespmem:$0x1E100] =	vst v63  }
0x6b: {  	v52 =	vperm.xlane v17, v7;
	v19 =	vadd.s32 v3, v51;
	s17 =	simm.s32 $0x3100  }
0x6c: {  	[tilespmem:s17], [sflag:$0x1] =	stream.indirect_vreg.gather [hbm4b:s1+s5], $0x80, v20, vm0, $0xb8;
	[tilespmem:$0x1E100] =	vst v63  }
0x6d: {  	v54 =	vperm.xlane v17, v8;
	v53 =	vadd.s32 v3, v52;
	s17 =	simm.s32 $0x3180  }
0x6e: {  	[tilespmem:s17], [sflag:$0x1] =	stream.indirect_vreg.gather [hbm4b:s1+s5], $0x80, v18, vm0, $0xb8;
	[tilespmem:$0x1E100] =	vst v63  }
0x6f: {  	v55 =	vperm.xlane v17, v0;
	v18 =	vadd.s32 v3, v54;
	s17 =	simm.s32 $0x3200  }
0x70: {  	[tilespmem:s17], [sflag:$0x1] =	stream.indirect_vreg.gather [hbm4b:s1+s5], $0x80, v19, vm0, $0xb8;
	[tilespmem:$0x1E100] =	vst v63  }
0x71: {  	v56 =	vperm.xlane v17, v9;
	v19 =	vadd.s32 v3, v55;
	s17 =	simm.s32 $0x3280  }
0x72: {  	[tilespmem:s17], [sflag:$0x1] =	stream.indirect_vreg.gather [hbm4b:s1+s5], $0x80, v53, vm0, $0xb8;
	[tilespmem:$0x1E100] =	vst v63  }
0x73: {  	v58 =	vperm.xlane v17, v10;
	v57 =	vadd.s32 v3, v56;
	s17 =	simm.s32 $0x3300  }
0x74: {  	[tilespmem:s17], [sflag:$0x1] =	stream.indirect_vreg.gather [hbm4b:s1+s5], $0x80, v18, vm0, $0xb8;
	[tilespmem:$0x1E100] =	vst v63  }
0x75: {  	v59 =	vperm.xlane v17, v11;
	v18 =	vadd.s32 v3, v58;
	s17 =	simm.s32 $0x3380  }
0x76: {  	[tilespmem:s17], [sflag:$0x1] =	stream.indirect_vreg.gather [hbm4b:s1+s5], $0x80, v19, vm0, $0xb8;
	[tilespmem:$0x1E100] =	vst v63  }
0x77: {  	v60 =	vperm.xlane v17, v12;
	v19 =	vadd.s32 v3, v59;
	s17 =	simm.s32 $0x3400  }
0x78: {  	[tilespmem:s17], [sflag:$0x1] =	stream.indirect_vreg.gather [hbm4b:s1+s5], $0x80, v57, vm0, $0xb8;
	[tilespmem:$0x1E100] =	vst v63  }
0x79: {  	v62 =	vperm.xlane v17, v13;
	v61 =	vadd.s32 v3, v60;
	s17 =	simm.s32 $0x3480  }
0x7a: {  	[tilespmem:s17], [sflag:$0x1] =	stream.indirect_vreg.gather [hbm4b:s1+s5], $0x80, v18, vm0, $0xb8;
	[tilespmem:$0x1E100] =	vst v63  }
0x7b: {  	v63 =	vperm.xlane v17, v14;
	v18 =	vadd.s32 v3, v62;
	s17 =	simm.s32 $0x3500  }
0x7c: {  	[tilespmem:s17], [sflag:$0x1] =	stream.indirect_vreg.gather [hbm4b:s1+s5], $0x80, v19, vm0, $0xb8;
	[tilespmem:$0x1E100] =	vst v63  }
0x7d: {  	v24 =	vperm.xlane v17, v15;
	v19 =	vadd.s32 v3, v63;
	s17 =	simm.s32 $0x3580  }
0x7e: {  	[tilespmem:s17], [sflag:$0x1] =	stream.indirect_vreg.gather [hbm4b:s1+s5], $0x80, v61, vm0, $0xb8;
	[tilespmem:$0x1E100] =	vst v63  }
0x7f: {  	v17 =	vperm.xlane v17, v16;
	v25 =	vadd.s32 v3, v24;
	s17 =	simm.s32 $0x3600  }
0x80: {  	[tilespmem:s17], [sflag:$0x1] =	stream.indirect_vreg.gather [hbm4b:s1+s5], $0x80, v18, vm0, $0xb8;
	[tilespmem:$0x1E100] =	vst v63  }
0x81: {  	v17 =	vadd.s32 v3, v17;
	s17 =	simm.s32 $0x3680  }
0x82: {  	[tilespmem:s17], [sflag:$0x1] =	stream.indirect_vreg.gather [hbm4b:s1+s5], $0x80, v19, vm0, $0xb8;
	[tilespmem:$0x1E100] =	vst v63  }
0x83: {  	s17 =	simm.s32 $0x3700  }
0x84: {  	[tilespmem:s17], [sflag:$0x1] =	stream.indirect_vreg.gather [hbm4b:s1+s5], $0x80, v25, vm0, $0xb8;
	[tilespmem:$0x1E100] =	vst v63  }
0x85: {  	s17 =	simm.s32 $0x3780  }
0x86: {  	[tilespmem:s17], [sflag:$0x1] =	stream.indirect_vreg.gather [hbm4b:s1+s5], $0x80, v17, vm0, $0xb8;
	[tilespmem:$0x1E100] =	vst v63  }
0x87: {  	v17 =	vld [tilespmem:s13+$0x20];
	_ =	sdelay $0x4  }
0x88: {  	v18 =	vshll.u32 v17, $0x1  }
0x89: {  	v17 =	vand.u32 $0x7, v17;
	v18 =	vand.u32 $0xFFFFFFF0, v18  }
0x8a: {  	v17 =	vor.u32 v17, v18  }
0x8b: {  	v18 =	vperm.xlane v17, v2;
	_ =	sdelay $0x1  }
0x8c: {  	v19 =	vperm.xlane v17, v1;
	v18 =	vadd.s32 v3, v18;
	_ =	sdelay $0x1  }
0x8d: {  	v26 =	vperm.xlane v17, v4;
	v19 =	vadd.s32 v3, v19;
	_ =	sdelay $0x1  }
0x8e: {  	s17 =	simm.s32 $0x3800;
	v27 =	vperm.xlane v17, v5;
	v20 =	vadd.s32 v3, v26  }
0x8f: {  	[tilespmem:s17], [sflag:$0x1] =	stream.indirect_vreg.gather [hbm4b:s1+s5], $0x80, v18, vm0, $0xb8;
	[tilespmem:$0x1E100] =	vst v63  }
0x90: {  	v28 =	vperm.xlane v17, v6;
	v18 =	vadd.s32 v3, v27;
	s17 =	simm.s32 $0x3880  }
0x91: {  	[tilespmem:s17], [sflag:$0x1] =	stream.indirect_vreg.gather [hbm4b:s1+s5], $0x80, v19, vm0, $0xb8;
	[tilespmem:$0x1E100] =	vst v63  }
0x92: {  	v29 =	vperm.xlane v17, v7;
	v19 =	vadd.s32 v3, v28;
	s17 =	simm.s32 $0x3900  }
0x93: {  	[tilespmem:s17], [sflag:$0x1] =	stream.indirect_vreg.gather [hbm4b:s1+s5], $0x80, v20, vm0, $0xb8;
	[tilespmem:$0x1E100] =	vst v63  }
0x94: {  	v31 =	vperm.xlane v17, v8;
	v30 =	vadd.s32 v3, v29;
	s17 =	simm.s32 $0x3980  }
0x95: {  	[tilespmem:s17], [sflag:$0x1] =	stream.indirect_vreg.gather [hbm4b:s1+s5], $0x80, v18, vm0, $0xb8;
	[tilespmem:$0x1E100] =	vst v63  }
0x96: {  	v32 =	vperm.xlane v17, v0;
	v18 =	vadd.s32 v3, v31;
	s17 =	simm.s32 $0x3A00  }
0x97: {  	[tilespmem:s17], [sflag:$0x1] =	stream.indirect_vreg.gather [hbm4b:s1+s5], $0x80, v19, vm0, $0xb8;
	[tilespmem:$0x1E100] =	vst v63  }
0x98: {  	v33 =	vperm.xlane v17, v9;
	v19 =	vadd.s32 v3, v32;
	s17 =	simm.s32 $0x3A80  }
0x99: {  	[tilespmem:s17], [sflag:$0x1] =	stream.indirect_vreg.gather [hbm4b:s1+s5], $0x80, v30, vm0, $0xb8;
	[tilespmem:$0x1E100] =	vst v63  }
0x9a: {  	v35 =	vperm.xlane v17, v10;
	v34 =	vadd.s32 v3, v33;
	s17 =	simm.s32 $0x3B00  }
0x9b: {  	[tilespmem:s17], [sflag:$0x1] =	stream.indirect_vreg.gather [hbm4b:s1+s5], $0x80, v18, vm0, $0xb8;
	[tilespmem:$0x1E100] =	vst v63  }
0x9c: {  	v36 =	vperm.xlane v17, v11;
	v18 =	vadd.s32 v3, v35;
	s17 =	simm.s32 $0x3B80  }
0x9d: {  	[tilespmem:s17], [sflag:$0x1] =	stream.indirect_vreg.gather [hbm4b:s1+s5], $0x80, v19, vm0, $0xb8;
	[tilespmem:$0x1E100] =	vst v63  }
0x9e: {  	v37 =	vperm.xlane v17, v12;
	v19 =	vadd.s32 v3, v36;
	s17 =	simm.s32 $0x3C00  }
0x9f: {  	[tilespmem:s17], [sflag:$0x1] =	stream.indirect_vreg.gather [hbm4b:s1+s5], $0x80, v34, vm0, $0xb8;
	[tilespmem:$0x1E100] =	vst v63  }
0xa0: {  	v39 =	vperm.xlane v17, v13;
	v38 =	vadd.s32 v3, v37;
	s17 =	simm.s32 $0x3C80  }
0xa1: {  	[tilespmem:s17], [sflag:$0x1] =	stream.indirect_vreg.gather [hbm4b:s1+s5], $0x80, v18, vm0, $0xb8;
	[tilespmem:$0x1E100] =	vst v63  }
0xa2: {  	v40 =	vperm.xlane v17, v14;
	v18 =	vadd.s32 v3, v39;
	s17 =	simm.s32 $0x3D00  }
0xa3: {  	[tilespmem:s17], [sflag:$0x1] =	stream.indirect_vreg.gather [hbm4b:s1+s5], $0x80, v19, vm0, $0xb8;
	[tilespmem:$0x1E100] =	vst v63  }
0xa4: {  	v41 =	vperm.xlane v17, v15;
	v19 =	vadd.s32 v3, v40;
	s17 =	simm.s32 $0x3D80  }
0xa5: {  	[tilespmem:s17], [sflag:$0x1] =	stream.indirect_vreg.gather [hbm4b:s1+s5], $0x80, v38, vm0, $0xb8;
	[tilespmem:$0x1E100] =	vst v63  }
0xa6: {  	v17 =	vperm.xlane v17, v16;
	v42 =	vadd.s32 v3, v41;
	s17 =	simm.s32 $0x3E00  }
0xa7: {  	[tilespmem:s17], [sflag:$0x1] =	stream.indirect_vreg.gather [hbm4b:s1+s5], $0x80, v18, vm0, $0xb8;
	[tilespmem:$0x1E100] =	vst v63  }
0xa8: {  	v17 =	vadd.s32 v3, v17;
	s17 =	simm.s32 $0x3E80  }
0xa9: {  	[tilespmem:s17], [sflag:$0x1] =	stream.indirect_vreg.gather [hbm4b:s1+s5], $0x80, v19, vm0, $0xb8;
	[tilespmem:$0x1E100] =	vst v63  }
0xaa: {  	s17 =	simm.s32 $0x3F00  }
0xab: {  	[tilespmem:s17], [sflag:$0x1] =	stream.indirect_vreg.gather [hbm4b:s1+s5], $0x80, v42, vm0, $0xb8;
	[tilespmem:$0x1E100] =	vst v63  }
0xac: {  	s17 =	simm.s32 $0x3F80  }
0xad: {  	[tilespmem:s17], [sflag:$0x1] =	stream.indirect_vreg.gather [hbm4b:s1+s5], $0x80, v17, vm0, $0xb8;
	[tilespmem:$0x1E100] =	vst v63  }
0xae: {  	v17 =	vld [tilespmem:s13+$0x30];
	_ =	sdelay $0x4  }
0xaf: {  	v18 =	vshll.u32 v17, $0x1  }
0xb0: {  	v17 =	vand.u32 $0x7, v17;
	v18 =	vand.u32 $0xFFFFFFF0, v18  }
0xb1: {  	v17 =	vor.u32 v17, v18  }
0xb2: {  	v18 =	vperm.xlane v17, v2;
	_ =	sdelay $0x1  }
0xb3: {  	v19 =	vperm.xlane v17, v1;
	v18 =	vadd.s32 v3, v18;
	_ =	sdelay $0x1  }
0xb4: {  	v43 =	vperm.xlane v17, v4;
	v19 =	vadd.s32 v3, v19;
	_ =	sdelay $0x1  }
0xb5: {  	s17 =	simm.s32 $0x4000;
	v44 =	vperm.xlane v17, v5;
	v20 =	vadd.s32 v3, v43  }
0xb6: {  	[tilespmem:s17], [sflag:$0x1] =	stream.indirect_vreg.gather [hbm4b:s1+s5], $0x80, v18, vm0, $0xb8;
	[tilespmem:$0x1E100] =	vst v63  }
0xb7: {  	v45 =	vperm.xlane v17, v6;
	v18 =	vadd.s32 v3, v44;
	s17 =	simm.s32 $0x4080  }
0xb8: {  	[tilespmem:s17], [sflag:$0x1] =	stream.indirect_vreg.gather [hbm4b:s1+s5], $0x80, v19, vm0, $0xb8;
	[tilespmem:$0x1E100] =	vst v63  }
0xb9: {  	v46 =	vperm.xlane v17, v7;
	v19 =	vadd.s32 v3, v45;
	s17 =	simm.s32 $0x4100  }
0xba: {  	[tilespmem:s17], [sflag:$0x1] =	stream.indirect_vreg.gather [hbm4b:s1+s5], $0x80, v20, vm0, $0xb8;
	[tilespmem:$0x1E100] =	vst v63  }
0xbb: {  	v48 =	vperm.xlane v17, v8;
	v47 =	vadd.s32 v3, v46;
	s17 =	simm.s32 $0x4180  }
0xbc: {  	[tilespmem:s17], [sflag:$0x1] =	stream.indirect_vreg.gather [hbm4b:s1+s5], $0x80, v18, vm0, $0xb8;
	[tilespmem:$0x1E100] =	vst v63  }
0xbd: {  	v49 =	vperm.xlane v17, v0;
	v18 =	vadd.s32 v3, v48;
	s17 =	simm.s32 $0x4200  }
0xbe: {  	[tilespmem:s17], [sflag:$0x1] =	stream.indirect_vreg.gather [hbm4b:s1+s5], $0x80, v19, vm0, $0xb8;
	[tilespmem:$0x1E100] =	vst v63  }
0xbf: {  	v50 =	vperm.xlane v17, v9;
	v19 =	vadd.s32 v3, v49;
	s17 =	simm.s32 $0x4280  }
0xc0: {  	[tilespmem:s17], [sflag:$0x1] =	stream.indirect_vreg.gather [hbm4b:s1+s5], $0x80, v47, vm0, $0xb8;
	[tilespmem:$0x1E100] =	vst v63  }
0xc1: {  	v52 =	vperm.xlane v17, v10;
	v51 =	vadd.s32 v3, v50;
	s17 =	simm.s32 $0x4300  }
0xc2: {  	[tilespmem:s17], [sflag:$0x1] =	stream.indirect_vreg.gather [hbm4b:s1+s5], $0x80, v18, vm0, $0xb8;
	[tilespmem:$0x1E100] =	vst v63  }
0xc3: {  	v53 =	vperm.xlane v17, v11;
	v18 =	vadd.s32 v3, v52;
	s17 =	simm.s32 $0x4380  }
0xc4: {  	[tilespmem:s17], [sflag:$0x1] =	stream.indirect_vreg.gather [hbm4b:s1+s5], $0x80, v19, vm0, $0xb8;
	[tilespmem:$0x1E100] =	vst v63  }
0xc5: {  	v54 =	vperm.xlane v17, v12;
	v19 =	vadd.s32 v3, v53;
	s17 =	simm.s32 $0x4400  }
0xc6: {  	[tilespmem:s17], [sflag:$0x1] =	stream.indirect_vreg.gather [hbm4b:s1+s5], $0x80, v51, vm0, $0xb8;
	[tilespmem:$0x1E100] =	vst v63  }
0xc7: {  	v56 =	vperm.xlane v17, v13;
	v55 =	vadd.s32 v3, v54;
	s17 =	simm.s32 $0x4480  }
0xc8: {  	[tilespmem:s17], [sflag:$0x1] =	stream.indirect_vreg.gather [hbm4b:s1+s5], $0x80, v18, vm0, $0xb8;
	[tilespmem:$0x1E100] =	vst v63  }
0xc9: {  	v57 =	vperm.xlane v17, v14;
	v18 =	vadd.s32 v3, v56;
	s17 =	simm.s32 $0x4500  }
0xca: {  	[tilespmem:s17], [sflag:$0x1] =	stream.indirect_vreg.gather [hbm4b:s1+s5], $0x80, v19, vm0, $0xb8;
	[tilespmem:$0x1E100] =	vst v63  }
0xcb: {  	v58 =	vperm.xlane v17, v15;
	v19 =	vadd.s32 v3, v57;
	s17 =	simm.s32 $0x4580  }
0xcc: {  	[tilespmem:s17], [sflag:$0x1] =	stream.indirect_vreg.gather [hbm4b:s1+s5], $0x80, v55, vm0, $0xb8;
	[tilespmem:$0x1E100] =	vst v63  }
0xcd: {  	v17 =	vperm.xlane v17, v16;
	v59 =	vadd.s32 v3, v58;
	s17 =	simm.s32 $0x4600  }
0xce: {  	[tilespmem:s17], [sflag:$0x1] =	stream.indirect_vreg.gather [hbm4b:s1+s5], $0x80, v18, vm0, $0xb8;
	[tilespmem:$0x1E100] =	vst v63  }
0xcf: {  	v17 =	vadd.s32 v3, v17;
	s17 =	simm.s32 $0x4680  }
0xd0: {  	[tilespmem:s17], [sflag:$0x1] =	stream.indirect_vreg.gather [hbm4b:s1+s5], $0x80, v19, vm0, $0xb8;
	[tilespmem:$0x1E100] =	vst v63  }
0xd1: {  	s17 =	simm.s32 $0x4700  }
0xd2: {  	[tilespmem:s17], [sflag:$0x1] =	stream.indirect_vreg.gather [hbm4b:s1+s5], $0x80, v59, vm0, $0xb8;
	[tilespmem:$0x1E100] =	vst v63  }
0xd3: {  	s17 =	simm.s32 $0x4780  }
0xd4: {  	[tilespmem:s17], [sflag:$0x1] =	stream.indirect_vreg.gather [hbm4b:s1+s5], $0x80, v17, vm0, $0xb8;
	[tilespmem:$0x1E100] =	vst v63  }
0xd5: {  	s17 =	simm.s32 @!p2 $0x6  }
0xd6: {  	_ =	swait.ge @!p2 [sflag:s17], $0x2000  }
0xd7: {  	[sflag:s17] =	ssyncset.done @!p2 $0x0  }
0xd8: {  	[sflag:s17] =	ssyncadd.s32 @!p2 $0xFFFFE000  }
0xd9: {  	v17 =	vld [tilespmem:s13+$0x80];
	_ =	sdelay $0x4  }
0xda: {  	v18 =	vshll.u32 v17, $0x1  }
0xdb: {  	v17 =	vand.u32 $0x7, v17;
	v18 =	vand.u32 $0xFFFFFFF0, v18  }
0xdc: {  	v17 =	vor.u32 v17, v18  }
0xdd: {  	v18 =	vperm.xlane v17, v2;
	_ =	sdelay $0x1  }
0xde: {  	v19 =	vperm.xlane v17, v1;
	v18 =	vadd.s32 v3, v18;
	_ =	sdelay $0x1  }
0xdf: {  	v60 =	vperm.xlane v17, v4;
	v19 =	vadd.s32 v3, v19;
	_ =	sdelay $0x1  }
0xe0: {  	v61 =	vperm.xlane v17, v5;
	v20 =	vadd.s32 v3, v60  }
0xe1: {  	[tilespmem:s2], [sflag:$0x2] =	stream.indirect_vreg.gather [hbm4b:s1+s5], $0x80, v18, vm0, $0xb8;
	[tilespmem:$0x1E100] =	vst v63  }
0xe2: {  	s17 =	simm.s32 $0x4880;
	v62 =	vperm.xlane v17, v6;
	v18 =	vadd.s32 v3, v61  }
0xe3: {  	[tilespmem:s17], [sflag:$0x2] =	stream.indirect_vreg.gather [hbm4b:s1+s5], $0x80, v19, vm0, $0xb8;
	[tilespmem:$0x1E100] =	vst v63  }
0xe4: {  	v63 =	vperm.xlane v17, v7;
	v19 =	vadd.s32 v3, v62;
	s17 =	simm.s32 $0x4900  }
0xe5: {  	[tilespmem:s17], [sflag:$0x2] =	stream.indirect_vreg.gather [hbm4b:s1+s5], $0x80, v20, vm0, $0xb8;
	[tilespmem:$0x1E100] =	vst v63  }
0xe6: {  	v25 =	vperm.xlane v17, v8;
	v24 =	vadd.s32 v3, v63;
	s17 =	simm.s32 $0x4980  }
0xe7: {  	[tilespmem:s17], [sflag:$0x2] =	stream.indirect_vreg.gather [hbm4b:s1+s5], $0x80, v18, vm0, $0xb8;
	[tilespmem:$0x1E100] =	vst v63  }
0xe8: {  	v26 =	vperm.xlane v17, v0;
	v18 =	vadd.s32 v3, v25;
	s17 =	simm.s32 $0x4A00  }
0xe9: {  	[tilespmem:s17], [sflag:$0x2] =	stream.indirect_vreg.gather [hbm4b:s1+s5], $0x80, v19, vm0, $0xb8;
	[tilespmem:$0x1E100] =	vst v63  }
0xea: {  	v27 =	vperm.xlane v17, v9;
	v19 =	vadd.s32 v3, v26;
	s17 =	simm.s32 $0x4A80  }
0xeb: {  	[tilespmem:s17], [sflag:$0x2] =	stream.indirect_vreg.gather [hbm4b:s1+s5], $0x80, v24, vm0, $0xb8;
	[tilespmem:$0x1E100] =	vst v63  }
0xec: {  	v29 =	vperm.xlane v17, v10;
	v28 =	vadd.s32 v3, v27;
	s17 =	simm.s32 $0x4B00  }
0xed: {  	[tilespmem:s17], [sflag:$0x2] =	stream.indirect_vreg.gather [hbm4b:s1+s5], $0x80, v18, vm0, $0xb8;
	[tilespmem:$0x1E100] =	vst v63  }
0xee: {  	v30 =	vperm.xlane v17, v11;
	v18 =	vadd.s32 v3, v29;
	s17 =	simm.s32 $0x4B80  }
0xef: {  	[tilespmem:s17], [sflag:$0x2] =	stream.indirect_vreg.gather [hbm4b:s1+s5], $0x80, v19, vm0, $0xb8;
	[tilespmem:$0x1E100] =	vst v63  }
0xf0: {  	v31 =	vperm.xlane v17, v12;
	v19 =	vadd.s32 v3, v30;
	s17 =	simm.s32 $0x4C00  }
0xf1: {  	[tilespmem:s17], [sflag:$0x2] =	stream.indirect_vreg.gather [hbm4b:s1+s5], $0x80, v28, vm0, $0xb8;
	[tilespmem:$0x1E100] =	vst v63  }
0xf2: {  	v33 =	vperm.xlane v17, v13;
	v32 =	vadd.s32 v3, v31;
	s17 =	simm.s32 $0x4C80  }
0xf3: {  	[tilespmem:s17], [sflag:$0x2] =	stream.indirect_vreg.gather [hbm4b:s1+s5], $0x80, v18, vm0, $0xb8;
	[tilespmem:$0x1E100] =	vst v63  }
0xf4: {  	v34 =	vperm.xlane v17, v14;
	v18 =	vadd.s32 v3, v33;
	s17 =	simm.s32 $0x4D00  }
0xf5: {  	[tilespmem:s17], [sflag:$0x2] =	stream.indirect_vreg.gather [hbm4b:s1+s5], $0x80, v19, vm0, $0xb8;
	[tilespmem:$0x1E100] =	vst v63  }
0xf6: {  	v35 =	vperm.xlane v17, v15;
	v19 =	vadd.s32 v3, v34;
	s17 =	simm.s32 $0x4D80  }
0xf7: {  	[tilespmem:s17], [sflag:$0x2] =	stream.indirect_vreg.gather [hbm4b:s1+s5], $0x80, v32, vm0, $0xb8;
	[tilespmem:$0x1E100] =	vst v63  }
0xf8: {  	v17 =	vperm.xlane v17, v16;
	v36 =	vadd.s32 v3, v35;
	s17 =	simm.s32 $0x4E00  }
0xf9: {  	[tilespmem:s17], [sflag:$0x2] =	stream.indirect_vreg.gather [hbm4b:s1+s5], $0x80, v18, vm0, $0xb8;
	[tilespmem:$0x1E100] =	vst v63  }
0xfa: {  	v17 =	vadd.s32 v3, v17;
	s17 =	simm.s32 $0x4E80  }
0xfb: {  	[tilespmem:s17], [sflag:$0x2] =	stream.indirect_vreg.gather [hbm4b:s1+s5], $0x80, v19, vm0, $0xb8;
	[tilespmem:$0x1E100] =	vst v63  }
0xfc: {  	s17 =	simm.s32 $0x4F00  }
0xfd: {  	[tilespmem:s17], [sflag:$0x2] =	stream.indirect_vreg.gather [hbm4b:s1+s5], $0x80, v36, vm0, $0xb8;
	[tilespmem:$0x1E100] =	vst v63  }
0xfe: {  	s17 =	simm.s32 $0x4F80  }
0xff: {  	[tilespmem:s17], [sflag:$0x2] =	stream.indirect_vreg.gather [hbm4b:s1+s5], $0x80, v17, vm0, $0xb8;
	[tilespmem:$0x1E100] =	vst v63  }
0x100: {  	v17 =	vld [tilespmem:s13+$0x90];
	_ =	sdelay $0x4  }
0x101: {  	v18 =	vshll.u32 v17, $0x1  }
0x102: {  	v17 =	vand.u32 $0x7, v17;
	v18 =	vand.u32 $0xFFFFFFF0, v18  }
0x103: {  	v17 =	vor.u32 v17, v18  }
0x104: {  	v18 =	vperm.xlane v17, v2;
	_ =	sdelay $0x1  }
0x105: {  	v19 =	vperm.xlane v17, v1;
	v18 =	vadd.s32 v3, v18;
	_ =	sdelay $0x1  }
0x106: {  	v37 =	vperm.xlane v17, v4;
	v19 =	vadd.s32 v3, v19;
	_ =	sdelay $0x1  }
0x107: {  	s17 =	simm.s32 $0x5000;
	v38 =	vperm.xlane v17, v5;
	v20 =	vadd.s32 v3, v37  }
0x108: {  	[tilespmem:s17], [sflag:$0x2] =	stream.indirect_vreg.gather [hbm4b:s1+s5], $0x80, v18, vm0, $0xb8;
	[tilespmem:$0x1E100] =	vst v63  }
0x109: {  	v39 =	vperm.xlane v17, v6;
	v18 =	vadd.s32 v3, v38;
	s17 =	simm.s32 $0x5080  }
0x10a: {  	[tilespmem:s17], [sflag:$0x2] =	stream.indirect_vreg.gather [hbm4b:s1+s5], $0x80, v19, vm0, $0xb8;
	[tilespmem:$0x1E100] =	vst v63  }
0x10b: {  	v40 =	vperm.xlane v17, v7;
	v19 =	vadd.s32 v3, v39;
	s17 =	simm.s32 $0x5100  }
0x10c: {  	[tilespmem:s17], [sflag:$0x2] =	stream.indirect_vreg.gather [hbm4b:s1+s5], $0x80, v20, vm0, $0xb8;
	[tilespmem:$0x1E100] =	vst v63  }
0x10d: {  	v42 =	vperm.xlane v17, v8;
	v41 =	vadd.s32 v3, v40;
	s17 =	simm.s32 $0x5180  }
0x10e: {  	[tilespmem:s17], [sflag:$0x2] =	stream.indirect_vreg.gather [hbm4b:s1+s5], $0x80, v18, vm0, $0xb8;
	[tilespmem:$0x1E100] =	vst v63  }
0x10f: {  	v43 =	vperm.xlane v17, v0;
	v18 =	vadd.s32 v3, v42;
	s17 =	simm.s32 $0x5200  }
0x110: {  	[tilespmem:s17], [sflag:$0x2] =	stream.indirect_vreg.gather [hbm4b:s1+s5], $0x80, v19, vm0, $0xb8;
	[tilespmem:$0x1E100] =	vst v63  }
0x111: {  	v44 =	vperm.xlane v17, v9;
	v19 =	vadd.s32 v3, v43;
	s17 =	simm.s32 $0x5280  }
0x112: {  	[tilespmem:s17], [sflag:$0x2] =	stream.indirect_vreg.gather [hbm4b:s1+s5], $0x80, v41, vm0, $0xb8;
	[tilespmem:$0x1E100] =	vst v63  }
0x113: {  	v46 =	vperm.xlane v17, v10;
	v45 =	vadd.s32 v3, v44;
	s17 =	simm.s32 $0x5300  }
0x114: {  	[tilespmem:s17], [sflag:$0x2] =	stream.indirect_vreg.gather [hbm4b:s1+s5], $0x80, v18, vm0, $0xb8;
	[tilespmem:$0x1E100] =	vst v63  }
0x115: {  	v47 =	vperm.xlane v17, v11;
	v18 =	vadd.s32 v3, v46;
	s17 =	simm.s32 $0x5380  }
0x116: {  	[tilespmem:s17], [sflag:$0x2] =	stream.indirect_vreg.gather [hbm4b:s1+s5], $0x80, v19, vm0, $0xb8;
	[tilespmem:$0x1E100] =	vst v63  }
0x117: {  	v48 =	vperm.xlane v17, v12;
	v19 =	vadd.s32 v3, v47;
	s17 =	simm.s32 $0x5400  }
0x118: {  	[tilespmem:s17], [sflag:$0x2] =	stream.indirect_vreg.gather [hbm4b:s1+s5], $0x80, v45, vm0, $0xb8;
	[tilespmem:$0x1E100] =	vst v63  }
0x119: {  	v50 =	vperm.xlane v17, v13;
	v49 =	vadd.s32 v3, v48;
	s17 =	simm.s32 $0x5480  }
0x11a: {  	[tilespmem:s17], [sflag:$0x2] =	stream.indirect_vreg.gather [hbm4b:s1+s5], $0x80, v18, vm0, $0xb8;
	[tilespmem:$0x1E100] =	vst v63  }
0x11b: {  	v51 =	vperm.xlane v17, v14;
	v18 =	vadd.s32 v3, v50;
	s17 =	simm.s32 $0x5500  }
0x11c: {  	[tilespmem:s17], [sflag:$0x2] =	stream.indirect_vreg.gather [hbm4b:s1+s5], $0x80, v19, vm0, $0xb8;
	[tilespmem:$0x1E100] =	vst v63  }
0x11d: {  	v52 =	vperm.xlane v17, v15;
	v19 =	vadd.s32 v3, v51;
	s17 =	simm.s32 $0x5580  }
0x11e: {  	[tilespmem:s17], [sflag:$0x2] =	stream.indirect_vreg.gather [hbm4b:s1+s5], $0x80, v49, vm0, $0xb8;
	[tilespmem:$0x1E100] =	vst v63  }
0x11f: {  	v17 =	vperm.xlane v17, v16;
	v53 =	vadd.s32 v3, v52;
	s17 =	simm.s32 $0x5600  }
0x120: {  	[tilespmem:s17], [sflag:$0x2] =	stream.indirect_vreg.gather [hbm4b:s1+s5], $0x80, v18, vm0, $0xb8;
	[tilespmem:$0x1E100] =	vst v63  }
0x121: {  	v17 =	vadd.s32 v3, v17;
	s17 =	simm.s32 $0x5680  }
0x122: {  	[tilespmem:s17], [sflag:$0x2] =	stream.indirect_vreg.gather [hbm4b:s1+s5], $0x80, v19, vm0, $0xb8;
	[tilespmem:$0x1E100] =	vst v63  }
0x123: {  	s17 =	simm.s32 $0x5700  }
0x124: {  	[tilespmem:s17], [sflag:$0x2] =	stream.indirect_vreg.gather [hbm4b:s1+s5], $0x80, v53, vm0, $0xb8;
	[tilespmem:$0x1E100] =	vst v63  }
0x125: {  	s17 =	simm.s32 $0x5780  }
0x126: {  	[tilespmem:s17], [sflag:$0x2] =	stream.indirect_vreg.gather [hbm4b:s1+s5], $0x80, v17, vm0, $0xb8;
	[tilespmem:$0x1E100] =	vst v63  }
0x127: {  	v17 =	vld [tilespmem:s13+$0xA0];
	_ =	sdelay $0x4  }
0x128: {  	v18 =	vshll.u32 v17, $0x1  }
0x129: {  	v17 =	vand.u32 $0x7, v17;
	v18 =	vand.u32 $0xFFFFFFF0, v18  }
0x12a: {  	v17 =	vor.u32 v17, v18  }
0x12b: {  	v18 =	vperm.xlane v17, v2;
	_ =	sdelay $0x1  }
0x12c: {  	v19 =	vperm.xlane v17, v1;
	v18 =	vadd.s32 v3, v18;
	_ =	sdelay $0x1  }
0x12d: {  	v54 =	vperm.xlane v17, v4;
	v19 =	vadd.s32 v3, v19;
	_ =	sdelay $0x1  }
0x12e: {  	s17 =	simm.s32 $0x5800;
	v55 =	vperm.xlane v17, v5;
	v20 =	vadd.s32 v3, v54  }
0x12f: {  	[tilespmem:s17], [sflag:$0x2] =	stream.indirect_vreg.gather [hbm4b:s1+s5], $0x80, v18, vm0, $0xb8;
	[tilespmem:$0x1E100] =	vst v63  }
0x130: {  	v56 =	vperm.xlane v17, v6;
	v18 =	vadd.s32 v3, v55;
	s17 =	simm.s32 $0x5880  }
0x131: {  	[tilespmem:s17], [sflag:$0x2] =	stream.indirect_vreg.gather [hbm4b:s1+s5], $0x80, v19, vm0, $0xb8;
	[tilespmem:$0x1E100] =	vst v63  }
0x132: {  	v57 =	vperm.xlane v17, v7;
	v19 =	vadd.s32 v3, v56;
	s17 =	simm.s32 $0x5900  }
0x133: {  	[tilespmem:s17], [sflag:$0x2] =	stream.indirect_vreg.gather [hbm4b:s1+s5], $0x80, v20, vm0, $0xb8;
	[tilespmem:$0x1E100] =	vst v63  }
0x134: {  	v59 =	vperm.xlane v17, v8;
	v58 =	vadd.s32 v3, v57;
	s17 =	simm.s32 $0x5980  }
0x135: {  	[tilespmem:s17], [sflag:$0x2] =	stream.indirect_vreg.gather [hbm4b:s1+s5], $0x80, v18, vm0, $0xb8;
	[tilespmem:$0x1E100] =	vst v63  }
0x136: {  	v60 =	vperm.xlane v17, v0;
	v18 =	vadd.s32 v3, v59;
	s17 =	simm.s32 $0x5A00  }
0x137: {  	[tilespmem:s17], [sflag:$0x2] =	stream.indirect_vreg.gather [hbm4b:s1+s5], $0x80, v19, vm0, $0xb8;
	[tilespmem:$0x1E100] =	vst v63  }
0x138: {  	v61 =	vperm.xlane v17, v9;
	v19 =	vadd.s32 v3, v60;
	s17 =	simm.s32 $0x5A80  }
0x139: {  	[tilespmem:s17], [sflag:$0x2] =	stream.indirect_vreg.gather [hbm4b:s1+s5], $0x80, v58, vm0, $0xb8;
	[tilespmem:$0x1E100] =	vst v63  }
0x13a: {  	v63 =	vperm.xlane v17, v10;
	v62 =	vadd.s32 v3, v61;
	s17 =	simm.s32 $0x5B00  }
0x13b: {  	[tilespmem:s17], [sflag:$0x2] =	stream.indirect_vreg.gather [hbm4b:s1+s5], $0x80, v18, vm0, $0xb8;
	[tilespmem:$0x1E100] =	vst v63  }
0x13c: {  	v24 =	vperm.xlane v17, v11;
	v18 =	vadd.s32 v3, v63;
	s17 =	simm.s32 $0x5B80  }
0x13d: {  	[tilespmem:s17], [sflag:$0x2] =	stream.indirect_vreg.gather [hbm4b:s1+s5], $0x80, v19, vm0, $0xb8;
	[tilespmem:$0x1E100] =	vst v63  }
0x13e: {  	v25 =	vperm.xlane v17, v12;
	v19 =	vadd.s32 v3, v24;
	s17 =	simm.s32 $0x5C00  }
0x13f: {  	[tilespmem:s17], [sflag:$0x2] =	stream.indirect_vreg.gather [hbm4b:s1+s5], $0x80, v62, vm0, $0xb8;
	[tilespmem:$0x1E100] =	vst v63  }
0x140: {  	v27 =	vperm.xlane v17, v13;
	v26 =	vadd.s32 v3, v25;
	s17 =	simm.s32 $0x5C80  }
0x141: {  	[tilespmem:s17], [sflag:$0x2] =	stream.indirect_vreg.gather [hbm4b:s1+s5], $0x80, v18, vm0, $0xb8;
	[tilespmem:$0x1E100] =	vst v63  }
0x142: {  	v28 =	vperm.xlane v17, v14;
	v18 =	vadd.s32 v3, v27;
	s17 =	simm.s32 $0x5D00  }
0x143: {  	[tilespmem:s17], [sflag:$0x2] =	stream.indirect_vreg.gather [hbm4b:s1+s5], $0x80, v19, vm0, $0xb8;
	[tilespmem:$0x1E100] =	vst v63  }
0x144: {  	v29 =	vperm.xlane v17, v15;
	v19 =	vadd.s32 v3, v28;
	s17 =	simm.s32 $0x5D80  }
0x145: {  	[tilespmem:s17], [sflag:$0x2] =	stream.indirect_vreg.gather [hbm4b:s1+s5], $0x80, v26, vm0, $0xb8;
	[tilespmem:$0x1E100] =	vst v63  }
0x146: {  	v17 =	vperm.xlane v17, v16;
	v30 =	vadd.s32 v3, v29;
	s17 =	simm.s32 $0x5E00  }
0x147: {  	[tilespmem:s17], [sflag:$0x2] =	stream.indirect_vreg.gather [hbm4b:s1+s5], $0x80, v18, vm0, $0xb8;
	[tilespmem:$0x1E100] =	vst v63  }
0x148: {  	v17 =	vadd.s32 v3, v17;
	s17 =	simm.s32 $0x5E80  }
0x149: {  	[tilespmem:s17], [sflag:$0x2] =	stream.indirect_vreg.gather [hbm4b:s1+s5], $0x80, v19, vm0, $0xb8;
	[tilespmem:$0x1E100] =	vst v63  }
0x14a: {  	s17 =	simm.s32 $0x5F00  }
0x14b: {  	[tilespmem:s17], [sflag:$0x2] =	stream.indirect_vreg.gather [hbm4b:s1+s5], $0x80, v30, vm0, $0xb8;
	[tilespmem:$0x1E100] =	vst v63  }
0x14c: {  	s17 =	simm.s32 $0x5F80  }
0x14d: {  	[tilespmem:s17], [sflag:$0x2] =	stream.indirect_vreg.gather [hbm4b:s1+s5], $0x80, v17, vm0, $0xb8;
	[tilespmem:$0x1E100] =	vst v63  }
0x14e: {  	v17 =	vld [tilespmem:s13+$0xB0];
	_ =	sdelay $0x4  }
0x14f: {  	v18 =	vshll.u32 v17, $0x1  }
0x150: {  	v17 =	vand.u32 $0x7, v17;
	v18 =	vand.u32 $0xFFFFFFF0, v18  }
0x151: {  	v17 =	vor.u32 v17, v18  }
0x152: {  	v18 =	vperm.xlane v17, v2;
	_ =	sdelay $0x1  }
0x153: {  	v19 =	vperm.xlane v17, v1;
	v18 =	vadd.s32 v3, v18;
	_ =	sdelay $0x1  }
0x154: {  	v31 =	vperm.xlane v17, v4;
	v19 =	vadd.s32 v3, v19;
	_ =	sdelay $0x1  }
0x155: {  	s17 =	simm.s32 $0x6000;
	v32 =	vperm.xlane v17, v5;
	v20 =	vadd.s32 v3, v31  }
0x156: {  	[tilespmem:s17], [sflag:$0x2] =	stream.indirect_vreg.gather [hbm4b:s1+s5], $0x80, v18, vm0, $0xb8;
	[tilespmem:$0x1E100] =	vst v63  }
0x157: {  	v33 =	vperm.xlane v17, v6;
	v18 =	vadd.s32 v3, v32;
	s17 =	simm.s32 $0x6080  }
0x158: {  	[tilespmem:s17], [sflag:$0x2] =	stream.indirect_vreg.gather [hbm4b:s1+s5], $0x80, v19, vm0, $0xb8;
	[tilespmem:$0x1E100] =	vst v63  }
0x159: {  	v34 =	vperm.xlane v17, v7;
	v19 =	vadd.s32 v3, v33;
	s17 =	simm.s32 $0x6100  }
0x15a: {  	[tilespmem:s17], [sflag:$0x2] =	stream.indirect_vreg.gather [hbm4b:s1+s5], $0x80, v20, vm0, $0xb8;
	[tilespmem:$0x1E100] =	vst v63  }
0x15b: {  	v36 =	vperm.xlane v17, v8;
	v35 =	vadd.s32 v3, v34;
	s17 =	simm.s32 $0x6180  }
0x15c: {  	[tilespmem:s17], [sflag:$0x2] =	stream.indirect_vreg.gather [hbm4b:s1+s5], $0x80, v18, vm0, $0xb8;
	[tilespmem:$0x1E100] =	vst v63  }
0x15d: {  	v37 =	vperm.xlane v17, v0;
	v18 =	vadd.s32 v3, v36;
	s17 =	simm.s32 $0x6200  }
0x15e: {  	[tilespmem:s17], [sflag:$0x2] =	stream.indirect_vreg.gather [hbm4b:s1+s5], $0x80, v19, vm0, $0xb8;
	[tilespmem:$0x1E100] =	vst v63  }
0x15f: {  	v38 =	vperm.xlane v17, v9;
	v19 =	vadd.s32 v3, v37;
	s17 =	simm.s32 $0x6280  }
0x160: {  	[tilespmem:s17], [sflag:$0x2] =	stream.indirect_vreg.gather [hbm4b:s1+s5], $0x80, v35, vm0, $0xb8;
	[tilespmem:$0x1E100] =	vst v63  }
0x161: {  	v40 =	vperm.xlane v17, v10;
	v39 =	vadd.s32 v3, v38;
	s17 =	simm.s32 $0x6300  }
0x162: {  	[tilespmem:s17], [sflag:$0x2] =	stream.indirect_vreg.gather [hbm4b:s1+s5], $0x80, v18, vm0, $0xb8;
	[tilespmem:$0x1E100] =	vst v63  }
0x163: {  	v41 =	vperm.xlane v17, v11;
	v18 =	vadd.s32 v3, v40;
	s17 =	simm.s32 $0x6380  }
0x164: {  	[tilespmem:s17], [sflag:$0x2] =	stream.indirect_vreg.gather [hbm4b:s1+s5], $0x80, v19, vm0, $0xb8;
	[tilespmem:$0x1E100] =	vst v63  }
0x165: {  	v42 =	vperm.xlane v17, v12;
	v19 =	vadd.s32 v3, v41;
	s17 =	simm.s32 $0x6400  }
0x166: {  	[tilespmem:s17], [sflag:$0x2] =	stream.indirect_vreg.gather [hbm4b:s1+s5], $0x80, v39, vm0, $0xb8;
	[tilespmem:$0x1E100] =	vst v63  }
0x167: {  	v44 =	vperm.xlane v17, v13;
	v43 =	vadd.s32 v3, v42;
	s17 =	simm.s32 $0x6480  }
0x168: {  	[tilespmem:s17], [sflag:$0x2] =	stream.indirect_vreg.gather [hbm4b:s1+s5], $0x80, v18, vm0, $0xb8;
	[tilespmem:$0x1E100] =	vst v63  }
0x169: {  	v45 =	vperm.xlane v17, v14;
	v18 =	vadd.s32 v3, v44;
	s17 =	simm.s32 $0x6500  }
0x16a: {  	[tilespmem:s17], [sflag:$0x2] =	stream.indirect_vreg.gather [hbm4b:s1+s5], $0x80, v19, vm0, $0xb8;
	[tilespmem:$0x1E100] =	vst v63  }
0x16b: {  	v46 =	vperm.xlane v17, v15;
	v19 =	vadd.s32 v3, v45;
	s17 =	simm.s32 $0x6580  }
0x16c: {  	[tilespmem:s17], [sflag:$0x2] =	stream.indirect_vreg.gather [hbm4b:s1+s5], $0x80, v43, vm0, $0xb8;
	[tilespmem:$0x1E100] =	vst v63  }
0x16d: {  	v17 =	vperm.xlane v17, v16;
	v47 =	vadd.s32 v3, v46;
	s17 =	simm.s32 $0x6600  }
0x16e: {  	[tilespmem:s17], [sflag:$0x2] =	stream.indirect_vreg.gather [hbm4b:s1+s5], $0x80, v18, vm0, $0xb8;
	[tilespmem:$0x1E100] =	vst v63  }
0x16f: {  	v17 =	vadd.s32 v3, v17;
	s17 =	simm.s32 $0x6680  }
0x170: {  	[tilespmem:s17], [sflag:$0x2] =	stream.indirect_vreg.gather [hbm4b:s1+s5], $0x80, v19, vm0, $0xb8;
	[tilespmem:$0x1E100] =	vst v63  }
0x171: {  	s17 =	simm.s32 $0x6700  }
0x172: {  	[tilespmem:s17], [sflag:$0x2] =	stream.indirect_vreg.gather [hbm4b:s1+s5], $0x80, v47, vm0, $0xb8;
	[tilespmem:$0x1E100] =	vst v63  }
0x173: {  	s17 =	simm.s32 $0x6780  }
0x174: {  	[tilespmem:s17], [sflag:$0x2] =	stream.indirect_vreg.gather [hbm4b:s1+s5], $0x80, v17, vm0, $0xb8;
	[tilespmem:$0x1E100] =	vst v63  }
0x175: {  	s17 =	simm.s32 @!p2 $0x7  }
0x176: {  	_ =	swait.ge @!p2 [sflag:s17], $0x2000  }
0x177: {  	[sflag:s17] =	ssyncset.done @!p2 $0x0  }
0x178: {  	[sflag:s17] =	ssyncadd.s32 @!p2 $0xFFFFE000  }
0x179: {  	v17 =	vld [tilespmem:s13+$0x100];
	_ =	sdelay $0x4  }
0x17a: {  	v18 =	vshll.u32 v17, $0x1  }
0x17b: {  	v17 =	vand.u32 $0x7, v17;
	v18 =	vand.u32 $0xFFFFFFF0, v18  }
0x17c: {  	v17 =	vor.u32 v17, v18  }
0x17d: {  	v18 =	vperm.xlane v17, v2;
	_ =	sdelay $0x1  }
0x17e: {  	v19 =	vperm.xlane v17, v1;
	v18 =	vadd.s32 v3, v18;
	_ =	sdelay $0x1  }
0x17f: {  	v48 =	vperm.xlane v17, v4;
	v19 =	vadd.s32 v3, v19;
	_ =	sdelay $0x1  }
0x180: {  	v49 =	vperm.xlane v17, v5;
	v20 =	vadd.s32 v3, v48  }
0x181: {  	[tilespmem:s19], [sflag:$0x3] =	stream.indirect_vreg.gather [hbm4b:s1+s5], $0x80, v18, vm0, $0xb8;
	[tilespmem:$0x1E100] =	vst v63  }
0x182: {  	s17 =	simm.s32 $0x6880;
	v50 =	vperm.xlane v17, v6;
	v18 =	vadd.s32 v3, v49  }
0x183: {  	[tilespmem:s17], [sflag:$0x3] =	stream.indirect_vreg.gather [hbm4b:s1+s5], $0x80, v19, vm0, $0xb8;
	[tilespmem:$0x1E100] =	vst v63  }
0x184: {  	v51 =	vperm.xlane v17, v7;
	v19 =	vadd.s32 v3, v50;
	s17 =	simm.s32 $0x6900  }
0x185: {  	[tilespmem:s17], [sflag:$0x3] =	stream.indirect_vreg.gather [hbm4b:s1+s5], $0x80, v20, vm0, $0xb8;
	[tilespmem:$0x1E100] =	vst v63  }
0x186: {  	v53 =	vperm.xlane v17, v8;
	v52 =	vadd.s32 v3, v51;
	s17 =	simm.s32 $0x6980  }
0x187: {  	[tilespmem:s17], [sflag:$0x3] =	stream.indirect_vreg.gather [hbm4b:s1+s5], $0x80, v18, vm0, $0xb8;
	[tilespmem:$0x1E100] =	vst v63  }
0x188: {  	v54 =	vperm.xlane v17, v0;
	v18 =	vadd.s32 v3, v53;
	s17 =	simm.s32 $0x6A00  }
0x189: {  	[tilespmem:s17], [sflag:$0x3] =	stream.indirect_vreg.gather [hbm4b:s1+s5], $0x80, v19, vm0, $0xb8;
	[tilespmem:$0x1E100] =	vst v63  }
0x18a: {  	v55 =	vperm.xlane v17, v9;
	v19 =	vadd.s32 v3, v54;
	s17 =	simm.s32 $0x6A80  }
0x18b: {  	[tilespmem:s17], [sflag:$0x3] =	stream.indirect_vreg.gather [hbm4b:s1+s5], $0x80, v52, vm0, $0xb8;
	[tilespmem:$0x1E100] =	vst v63  }
0x18c: {  	v57 =	vperm.xlane v17, v10;
	v56 =	vadd.s32 v3, v55;
	s17 =	simm.s32 $0x6B00  }
0x18d: {  	[tilespmem:s17], [sflag:$0x3] =	stream.indirect_vreg.gather [hbm4b:s1+s5], $0x80, v18, vm0, $0xb8;
	[tilespmem:$0x1E100] =	vst v63  }
0x18e: {  	v58 =	vperm.xlane v17, v11;
	v18 =	vadd.s32 v3, v57;
	s17 =	simm.s32 $0x6B80  }
0x18f: {  	[tilespmem:s17], [sflag:$0x3] =	stream.indirect_vreg.gather [hbm4b:s1+s5], $0x80, v19, vm0, $0xb8;
	[tilespmem:$0x1E100] =	vst v63  }
0x190: {  	v59 =	vperm.xlane v17, v12;
	v19 =	vadd.s32 v3, v58;
	s17 =	simm.s32 $0x6C00  }
0x191: {  	[tilespmem:s17], [sflag:$0x3] =	stream.indirect_vreg.gather [hbm4b:s1+s5], $0x80, v56, vm0, $0xb8;
	[tilespmem:$0x1E100] =	vst v63  }
0x192: {  	v61 =	vperm.xlane v17, v13;
	v60 =	vadd.s32 v3, v59;
	s17 =	simm.s32 $0x6C80  }
0x193: {  	[tilespmem:s17], [sflag:$0x3] =	stream.indirect_vreg.gather [hbm4b:s1+s5], $0x80, v18, vm0, $0xb8;
	[tilespmem:$0x1E100] =	vst v63  }
0x194: {  	v62 =	vperm.xlane v17, v14;
	v18 =	vadd.s32 v3, v61;
	s17 =	simm.s32 $0x6D00  }
0x195: {  	[tilespmem:s17], [sflag:$0x3] =	stream.indirect_vreg.gather [hbm4b:s1+s5], $0x80, v19, vm0, $0xb8;
	[tilespmem:$0x1E100] =	vst v63  }
0x196: {  	v63 =	vperm.xlane v17, v15;
	v19 =	vadd.s32 v3, v62;
	s17 =	simm.s32 $0x6D80  }
0x197: {  	[tilespmem:s17], [sflag:$0x3] =	stream.indirect_vreg.gather [hbm4b:s1+s5], $0x80, v60, vm0, $0xb8;
	[tilespmem:$0x1E100] =	vst v63  }
0x198: {  	v17 =	vperm.xlane v17, v16;
	v24 =	vadd.s32 v3, v63;
	s17 =	simm.s32 $0x6E00  }
0x199: {  	[tilespmem:s17], [sflag:$0x3] =	stream.indirect_vreg.gather [hbm4b:s1+s5], $0x80, v18, vm0, $0xb8;
	[tilespmem:$0x1E100] =	vst v63  }
0x19a: {  	v17 =	vadd.s32 v3, v17;
	s17 =	simm.s32 $0x6E80  }
0x19b: {  	[tilespmem:s17], [sflag:$0x3] =	stream.indirect_vreg.gather [hbm4b:s1+s5], $0x80, v19, vm0, $0xb8;
	[tilespmem:$0x1E100] =	vst v63  }
0x19c: {  	s17 =	simm.s32 $0x6F00  }
0x19d: {  	[tilespmem:s17], [sflag:$0x3] =	stream.indirect_vreg.gather [hbm4b:s1+s5], $0x80, v24, vm0, $0xb8;
	[tilespmem:$0x1E100] =	vst v63  }
0x19e: {  	s17 =	simm.s32 $0x6F80  }
0x19f: {  	[tilespmem:s17], [sflag:$0x3] =	stream.indirect_vreg.gather [hbm4b:s1+s5], $0x80, v17, vm0, $0xb8;
	[tilespmem:$0x1E100] =	vst v63  }
0x1a0: {  	v17 =	vld [tilespmem:s13+$0x110];
	_ =	sdelay $0x4  }
0x1a1: {  	v18 =	vshll.u32 v17, $0x1  }
0x1a2: {  	v17 =	vand.u32 $0x7, v17;
	v18 =	vand.u32 $0xFFFFFFF0, v18  }
0x1a3: {  	v17 =	vor.u32 v17, v18  }
0x1a4: {  	v18 =	vperm.xlane v17, v2;
	_ =	sdelay $0x1  }
0x1a5: {  	v19 =	vperm.xlane v17, v1;
	v18 =	vadd.s32 v3, v18;
	_ =	sdelay $0x1  }
0x1a6: {  	v25 =	vperm.xlane v17, v4;
	v19 =	vadd.s32 v3, v19;
	_ =	sdelay $0x1  }
0x1a7: {  	s17 =	simm.s32 $0x7000;
	v26 =	vperm.xlane v17, v5;
	v20 =	vadd.s32 v3, v25  }
0x1a8: {  	[tilespmem:s17], [sflag:$0x3] =	stream.indirect_vreg.gather [hbm4b:s1+s5], $0x80, v18, vm0, $0xb8;
	[tilespmem:$0x1E100] =	vst v63  }
0x1a9: {  	v27 =	vperm.xlane v17, v6;
	v18 =	vadd.s32 v3, v26;
	s17 =	simm.s32 $0x7080  }
0x1aa: {  	[tilespmem:s17], [sflag:$0x3] =	stream.indirect_vreg.gather [hbm4b:s1+s5], $0x80, v19, vm0, $0xb8;
	[tilespmem:$0x1E100] =	vst v63  }
0x1ab: {  	v28 =	vperm.xlane v17, v7;
	v19 =	vadd.s32 v3, v27;
	s17 =	simm.s32 $0x7100  }
0x1ac: {  	[tilespmem:s17], [sflag:$0x3] =	stream.indirect_vreg.gather [hbm4b:s1+s5], $0x80, v20, vm0, $0xb8;
	[tilespmem:$0x1E100] =	vst v63  }
0x1ad: {  	v30 =	vperm.xlane v17, v8;
	v29 =	vadd.s32 v3, v28;
	s17 =	simm.s32 $0x7180  }
0x1ae: {  	[tilespmem:s17], [sflag:$0x3] =	stream.indirect_vreg.gather [hbm4b:s1+s5], $0x80, v18, vm0, $0xb8;
	[tilespmem:$0x1E100] =	vst v63  }
0x1af: {  	v31 =	vperm.xlane v17, v0;
	v18 =	vadd.s32 v3, v30;
	s17 =	simm.s32 $0x7200  }
0x1b0: {  	[tilespmem:s17], [sflag:$0x3] =	stream.indirect_vreg.gather [hbm4b:s1+s5], $0x80, v19, vm0, $0xb8;
	[tilespmem:$0x1E100] =	vst v63  }
0x1b1: {  	v32 =	vperm.xlane v17, v9;
	v19 =	vadd.s32 v3, v31;
	s17 =	simm.s32 $0x7280  }
0x1b2: {  	[tilespmem:s17], [sflag:$0x3] =	stream.indirect_vreg.gather [hbm4b:s1+s5], $0x80, v29, vm0, $0xb8;
	[tilespmem:$0x1E100] =	vst v63  }
0x1b3: {  	v34 =	vperm.xlane v17, v10;
	v33 =	vadd.s32 v3, v32;
	s17 =	simm.s32 $0x7300  }
0x1b4: {  	[tilespmem:s17], [sflag:$0x3] =	stream.indirect_vreg.gather [hbm4b:s1+s5], $0x80, v18, vm0, $0xb8;
	[tilespmem:$0x1E100] =	vst v63  }
0x1b5: {  	v35 =	vperm.xlane v17, v11;
	v18 =	vadd.s32 v3, v34;
	s17 =	simm.s32 $0x7380  }
0x1b6: {  	[tilespmem:s17], [sflag:$0x3] =	stream.indirect_vreg.gather [hbm4b:s1+s5], $0x80, v19, vm0, $0xb8;
	[tilespmem:$0x1E100] =	vst v63  }
0x1b7: {  	v36 =	vperm.xlane v17, v12;
	v19 =	vadd.s32 v3, v35;
	s17 =	simm.s32 $0x7400  }
0x1b8: {  	[tilespmem:s17], [sflag:$0x3] =	stream.indirect_vreg.gather [hbm4b:s1+s5], $0x80, v33, vm0, $0xb8;
	[tilespmem:$0x1E100] =	vst v63  }
0x1b9: {  	v38 =	vperm.xlane v17, v13;
	v37 =	vadd.s32 v3, v36;
	s17 =	simm.s32 $0x7480  }
0x1ba: {  	[tilespmem:s17], [sflag:$0x3] =	stream.indirect_vreg.gather [hbm4b:s1+s5], $0x80, v18, vm0, $0xb8;
	[tilespmem:$0x1E100] =	vst v63  }
0x1bb: {  	v39 =	vperm.xlane v17, v14;
	v18 =	vadd.s32 v3, v38;
	s17 =	simm.s32 $0x7500  }
0x1bc: {  	[tilespmem:s17], [sflag:$0x3] =	stream.indirect_vreg.gather [hbm4b:s1+s5], $0x80, v19, vm0, $0xb8;
	[tilespmem:$0x1E100] =	vst v63  }
0x1bd: {  	v40 =	vperm.xlane v17, v15;
	v19 =	vadd.s32 v3, v39;
	s17 =	simm.s32 $0x7580  }
0x1be: {  	[tilespmem:s17], [sflag:$0x3] =	stream.indirect_vreg.gather [hbm4b:s1+s5], $0x80, v37, vm0, $0xb8;
	[tilespmem:$0x1E100] =	vst v63  }
0x1bf: {  	v17 =	vperm.xlane v17, v16;
	v41 =	vadd.s32 v3, v40;
	s17 =	simm.s32 $0x7600  }
0x1c0: {  	[tilespmem:s17], [sflag:$0x3] =	stream.indirect_vreg.gather [hbm4b:s1+s5], $0x80, v18, vm0, $0xb8;
	[tilespmem:$0x1E100] =	vst v63  }
0x1c1: {  	v17 =	vadd.s32 v3, v17;
	s17 =	simm.s32 $0x7680  }
0x1c2: {  	[tilespmem:s17], [sflag:$0x3] =	stream.indirect_vreg.gather [hbm4b:s1+s5], $0x80, v19, vm0, $0xb8;
	[tilespmem:$0x1E100] =	vst v63  }
0x1c3: {  	s17 =	simm.s32 $0x7700  }
0x1c4: {  	[tilespmem:s17], [sflag:$0x3] =	stream.indirect_vreg.gather [hbm4b:s1+s5], $0x80, v41, vm0, $0xb8;
	[tilespmem:$0x1E100] =	vst v63  }
0x1c5: {  	s17 =	simm.s32 $0x7780  }
0x1c6: {  	[tilespmem:s17], [sflag:$0x3] =	stream.indirect_vreg.gather [hbm4b:s1+s5], $0x80, v17, vm0, $0xb8;
	[tilespmem:$0x1E100] =	vst v63  }
0x1c7: {  	v17 =	vld [tilespmem:s13+$0x120];
	_ =	sdelay $0x4  }
0x1c8: {  	v18 =	vshll.u32 v17, $0x1  }
0x1c9: {  	v17 =	vand.u32 $0x7, v17;
	v18 =	vand.u32 $0xFFFFFFF0, v18  }
0x1ca: {  	v17 =	vor.u32 v17, v18  }
0x1cb: {  	v18 =	vperm.xlane v17, v2;
	_ =	sdelay $0x1  }
0x1cc: {  	v19 =	vperm.xlane v17, v1;
	v18 =	vadd.s32 v3, v18;
	_ =	sdelay $0x1  }
0x1cd: {  	v42 =	vperm.xlane v17, v4;
	v19 =	vadd.s32 v3, v19;
	_ =	sdelay $0x1  }
0x1ce: {  	s17 =	simm.s32 $0x7800;
	v43 =	vperm.xlane v17, v5;
	v20 =	vadd.s32 v3, v42  }
0x1cf: {  	[tilespmem:s17], [sflag:$0x3] =	stream.indirect_vreg.gather [hbm4b:s1+s5], $0x80, v18, vm0, $0xb8;
	[tilespmem:$0x1E100] =	vst v63  }
0x1d0: {  	v44 =	vperm.xlane v17, v6;
	v18 =	vadd.s32 v3, v43;
	s17 =	simm.s32 $0x7880  }
0x1d1: {  	[tilespmem:s17], [sflag:$0x3] =	stream.indirect_vreg.gather [hbm4b:s1+s5], $0x80, v19, vm0, $0xb8;
	[tilespmem:$0x1E100] =	vst v63  }
0x1d2: {  	v45 =	vperm.xlane v17, v7;
	v19 =	vadd.s32 v3, v44;
	s17 =	simm.s32 $0x7900  }
0x1d3: {  	[tilespmem:s17], [sflag:$0x3] =	stream.indirect_vreg.gather [hbm4b:s1+s5], $0x80, v20, vm0, $0xb8;
	[tilespmem:$0x1E100] =	vst v63  }
0x1d4: {  	v47 =	vperm.xlane v17, v8;
	v46 =	vadd.s32 v3, v45;
	s17 =	simm.s32 $0x7980  }
0x1d5: {  	[tilespmem:s17], [sflag:$0x3] =	stream.indirect_vreg.gather [hbm4b:s1+s5], $0x80, v18, vm0, $0xb8;
	[tilespmem:$0x1E100] =	vst v63  }
0x1d6: {  	v48 =	vperm.xlane v17, v0;
	v18 =	vadd.s32 v3, v47;
	s17 =	simm.s32 $0x7A00  }
0x1d7: {  	[tilespmem:s17], [sflag:$0x3] =	stream.indirect_vreg.gather [hbm4b:s1+s5], $0x80, v19, vm0, $0xb8;
	[tilespmem:$0x1E100] =	vst v63  }
0x1d8: {  	v49 =	vperm.xlane v17, v9;
	v19 =	vadd.s32 v3, v48;
	s17 =	simm.s32 $0x7A80  }
0x1d9: {  	[tilespmem:s17], [sflag:$0x3] =	stream.indirect_vreg.gather [hbm4b:s1+s5], $0x80, v46, vm0, $0xb8;
	[tilespmem:$0x1E100] =	vst v63  }
0x1da: {  	v51 =	vperm.xlane v17, v10;
	v50 =	vadd.s32 v3, v49;
	s17 =	simm.s32 $0x7B00  }
0x1db: {  	[tilespmem:s17], [sflag:$0x3] =	stream.indirect_vreg.gather [hbm4b:s1+s5], $0x80, v18, vm0, $0xb8;
	[tilespmem:$0x1E100] =	vst v63  }
0x1dc: {  	v52 =	vperm.xlane v17, v11;
	v18 =	vadd.s32 v3, v51;
	s17 =	simm.s32 $0x7B80  }
0x1dd: {  	[tilespmem:s17], [sflag:$0x3] =	stream.indirect_vreg.gather [hbm4b:s1+s5], $0x80, v19, vm0, $0xb8;
	[tilespmem:$0x1E100] =	vst v63  }
0x1de: {  	v53 =	vperm.xlane v17, v12;
	v19 =	vadd.s32 v3, v52;
	s17 =	simm.s32 $0x7C00  }
0x1df: {  	[tilespmem:s17], [sflag:$0x3] =	stream.indirect_vreg.gather [hbm4b:s1+s5], $0x80, v50, vm0, $0xb8;
	[tilespmem:$0x1E100] =	vst v63  }
0x1e0: {  	v55 =	vperm.xlane v17, v13;
	v54 =	vadd.s32 v3, v53;
	s17 =	simm.s32 $0x7C80  }
0x1e1: {  	[tilespmem:s17], [sflag:$0x3] =	stream.indirect_vreg.gather [hbm4b:s1+s5], $0x80, v18, vm0, $0xb8;
	[tilespmem:$0x1E100] =	vst v63  }
0x1e2: {  	v56 =	vperm.xlane v17, v14;
	v18 =	vadd.s32 v3, v55;
	s17 =	simm.s32 $0x7D00  }
0x1e3: {  	[tilespmem:s17], [sflag:$0x3] =	stream.indirect_vreg.gather [hbm4b:s1+s5], $0x80, v19, vm0, $0xb8;
	[tilespmem:$0x1E100] =	vst v63  }
0x1e4: {  	v57 =	vperm.xlane v17, v15;
	v19 =	vadd.s32 v3, v56;
	s17 =	simm.s32 $0x7D80  }
0x1e5: {  	[tilespmem:s17], [sflag:$0x3] =	stream.indirect_vreg.gather [hbm4b:s1+s5], $0x80, v54, vm0, $0xb8;
	[tilespmem:$0x1E100] =	vst v63  }
0x1e6: {  	v17 =	vperm.xlane v17, v16;
	v58 =	vadd.s32 v3, v57;
	s17 =	simm.s32 $0x7E00  }
0x1e7: {  	[tilespmem:s17], [sflag:$0x3] =	stream.indirect_vreg.gather [hbm4b:s1+s5], $0x80, v18, vm0, $0xb8;
	[tilespmem:$0x1E100] =	vst v63  }
0x1e8: {  	v17 =	vadd.s32 v3, v17;
	s17 =	simm.s32 $0x7E80  }
0x1e9: {  	[tilespmem:s17], [sflag:$0x3] =	stream.indirect_vreg.gather [hbm4b:s1+s5], $0x80, v19, vm0, $0xb8;
	[tilespmem:$0x1E100] =	vst v63  }
0x1ea: {  	s17 =	simm.s32 $0x7F00  }
0x1eb: {  	[tilespmem:s17], [sflag:$0x3] =	stream.indirect_vreg.gather [hbm4b:s1+s5], $0x80, v58, vm0, $0xb8;
	[tilespmem:$0x1E100] =	vst v63  }
0x1ec: {  	s17 =	simm.s32 $0x7F80  }
0x1ed: {  	[tilespmem:s17], [sflag:$0x3] =	stream.indirect_vreg.gather [hbm4b:s1+s5], $0x80, v17, vm0, $0xb8;
	[tilespmem:$0x1E100] =	vst v63  }
0x1ee: {  	v17 =	vld [tilespmem:s13+$0x130];
	_ =	sdelay $0x4  }
0x1ef: {  	v18 =	vshll.u32 v17, $0x1  }
0x1f0: {  	v17 =	vand.u32 $0x7, v17;
	v18 =	vand.u32 $0xFFFFFFF0, v18  }
0x1f1: {  	v17 =	vor.u32 v17, v18  }
0x1f2: {  	v18 =	vperm.xlane v17, v2;
	_ =	sdelay $0x1  }
0x1f3: {  	v19 =	vperm.xlane v17, v1;
	v18 =	vadd.s32 v3, v18;
	_ =	sdelay $0x1  }
0x1f4: {  	v59 =	vperm.xlane v17, v4;
	v19 =	vadd.s32 v3, v19;
	_ =	sdelay $0x1  }
0x1f5: {  	s17 =	simm.s32 $0x8000;
	v60 =	vperm.xlane v17, v5;
	v20 =	vadd.s32 v3, v59  }
0x1f6: {  	[tilespmem:s17], [sflag:$0x3] =	stream.indirect_vreg.gather [hbm4b:s1+s5], $0x80, v18, vm0, $0xb8;
	[tilespmem:$0x1E100] =	vst v63  }
0x1f7: {  	v61 =	vperm.xlane v17, v6;
	v18 =	vadd.s32 v3, v60;
	s17 =	simm.s32 $0x8080  }
0x1f8: {  	[tilespmem:s17], [sflag:$0x3] =	stream.indirect_vreg.gather [hbm4b:s1+s5], $0x80, v19, vm0, $0xb8;
	[tilespmem:$0x1E100] =	vst v63  }
0x1f9: {  	v62 =	vperm.xlane v17, v7;
	v19 =	vadd.s32 v3, v61;
	s17 =	simm.s32 $0x8100  }
0x1fa: {  	[tilespmem:s17], [sflag:$0x3] =	stream.indirect_vreg.gather [hbm4b:s1+s5], $0x80, v20, vm0, $0xb8;
	[tilespmem:$0x1E100] =	vst v63  }
0x1fb: {  	v24 =	vperm.xlane v17, v8;
	v63 =	vadd.s32 v3, v62;
	s17 =	simm.s32 $0x8180  }
0x1fc: {  	[tilespmem:s17], [sflag:$0x3] =	stream.indirect_vreg.gather [hbm4b:s1+s5], $0x80, v18, vm0, $0xb8;
	[tilespmem:$0x1E100] =	vst v63  }
0x1fd: {  	v25 =	vperm.xlane v17, v0;
	v18 =	vadd.s32 v3, v24;
	s17 =	simm.s32 $0x8200  }
0x1fe: {  	[tilespmem:s17], [sflag:$0x3] =	stream.indirect_vreg.gather [hbm4b:s1+s5], $0x80, v19, vm0, $0xb8;
	[tilespmem:$0x1E100] =	vst v63  }
0x1ff: {  	v26 =	vperm.xlane v17, v9;
	v19 =	vadd.s32 v3, v25;
	s17 =	simm.s32 $0x8280  }
0x200: {  	[tilespmem:s17], [sflag:$0x3] =	stream.indirect_vreg.gather [hbm4b:s1+s5], $0x80, v63, vm0, $0xb8;
	[tilespmem:$0x1E100] =	vst v63  }
0x201: {  	v28 =	vperm.xlane v17, v10;
	v27 =	vadd.s32 v3, v26;
	s17 =	simm.s32 $0x8300  }
0x202: {  	[tilespmem:s17], [sflag:$0x3] =	stream.indirect_vreg.gather [hbm4b:s1+s5], $0x80, v18, vm0, $0xb8;
	[tilespmem:$0x1E100] =	vst v63  }
0x203: {  	v29 =	vperm.xlane v17, v11;
	v18 =	vadd.s32 v3, v28;
	s17 =	simm.s32 $0x8380  }
0x204: {  	[tilespmem:s17], [sflag:$0x3] =	stream.indirect_vreg.gather [hbm4b:s1+s5], $0x80, v19, vm0, $0xb8;
	[tilespmem:$0x1E100] =	vst v63  }
0x205: {  	v30 =	vperm.xlane v17, v12;
	v19 =	vadd.s32 v3, v29;
	s17 =	simm.s32 $0x8400  }
0x206: {  	[tilespmem:s17], [sflag:$0x3] =	stream.indirect_vreg.gather [hbm4b:s1+s5], $0x80, v27, vm0, $0xb8;
	[tilespmem:$0x1E100] =	vst v63  }
0x207: {  	v32 =	vperm.xlane v17, v13;
	v31 =	vadd.s32 v3, v30;
	s17 =	simm.s32 $0x8480  }
0x208: {  	[tilespmem:s17], [sflag:$0x3] =	stream.indirect_vreg.gather [hbm4b:s1+s5], $0x80, v18, vm0, $0xb8;
	[tilespmem:$0x1E100] =	vst v63  }
0x209: {  	v33 =	vperm.xlane v17, v14;
	v18 =	vadd.s32 v3, v32;
	s17 =	simm.s32 $0x8500  }
0x20a: {  	[tilespmem:s17], [sflag:$0x3] =	stream.indirect_vreg.gather [hbm4b:s1+s5], $0x80, v19, vm0, $0xb8;
	[tilespmem:$0x1E100] =	vst v63  }
0x20b: {  	v34 =	vperm.xlane v17, v15;
	v19 =	vadd.s32 v3, v33;
	s17 =	simm.s32 $0x8580  }
0x20c: {  	[tilespmem:s17], [sflag:$0x3] =	stream.indirect_vreg.gather [hbm4b:s1+s5], $0x80, v31, vm0, $0xb8;
	[tilespmem:$0x1E100] =	vst v63  }
0x20d: {  	v17 =	vperm.xlane v17, v16;
	v35 =	vadd.s32 v3, v34;
	s17 =	simm.s32 $0x8600  }
0x20e: {  	[tilespmem:s17], [sflag:$0x3] =	stream.indirect_vreg.gather [hbm4b:s1+s5], $0x80, v18, vm0, $0xb8;
	[tilespmem:$0x1E100] =	vst v63  }
0x20f: {  	v17 =	vadd.s32 v3, v17;
	s17 =	simm.s32 $0x8680  }
0x210: {  	[tilespmem:s17], [sflag:$0x3] =	stream.indirect_vreg.gather [hbm4b:s1+s5], $0x80, v19, vm0, $0xb8;
	[tilespmem:$0x1E100] =	vst v63  }
0x211: {  	s17 =	simm.s32 $0x8700  }
0x212: {  	[tilespmem:s17], [sflag:$0x3] =	stream.indirect_vreg.gather [hbm4b:s1+s5], $0x80, v35, vm0, $0xb8;
	[tilespmem:$0x1E100] =	vst v63  }
0x213: {  	s17 =	simm.s32 $0x8780  }
0x214: {  	[tilespmem:s17], [sflag:$0x3] =	stream.indirect_vreg.gather [hbm4b:s1+s5], $0x80, v17, vm0, $0xb8;
	[tilespmem:$0x1E100] =	vst v63  }
0x215: {  	s17 =	simm.s32 @!p2 $0x8  }
0x216: {  	_ =	swait.ge @!p2 [sflag:s17], $0x2000  }
0x217: {  	[sflag:s17] =	ssyncset.done @!p2 $0x0  }
0x218: {  	[sflag:s17] =	ssyncadd.s32 @!p2 $0xFFFFE000  }
0x219: {  	v17 =	vld [tilespmem:s13+$0x180];
	_ =	sdelay $0x4  }
0x21a: {  	v18 =	vshll.u32 v17, $0x1  }
0x21b: {  	v17 =	vand.u32 $0x7, v17;
	v18 =	vand.u32 $0xFFFFFFF0, v18  }
0x21c: {  	v17 =	vor.u32 v17, v18  }
0x21d: {  	v18 =	vperm.xlane v17, v2;
	_ =	sdelay $0x1  }
0x21e: {  	v19 =	vperm.xlane v17, v1;
	v18 =	vadd.s32 v3, v18;
	_ =	sdelay $0x1  }
0x21f: {  	v36 =	vperm.xlane v17, v4;
	v19 =	vadd.s32 v3, v19;
	_ =	sdelay $0x1  }
0x220: {  	v37 =	vperm.xlane v17, v5;
	v20 =	vadd.s32 v3, v36  }
0x221: {  	[tilespmem:s11], [sflag:$0x4] =	stream.indirect_vreg.gather [hbm4b:s1+s5], $0x80, v18, vm0, $0xb8;
	[tilespmem:$0x1E100] =	vst v63  }
0x222: {  	s17 =	simm.s32 $0x8880;
	v38 =	vperm.xlane v17, v6;
	v18 =	vadd.s32 v3, v37  }
0x223: {  	[tilespmem:s17], [sflag:$0x4] =	stream.indirect_vreg.gather [hbm4b:s1+s5], $0x80, v19, vm0, $0xb8;
	[tilespmem:$0x1E100] =	vst v63  }
0x224: {  	v39 =	vperm.xlane v17, v7;
	v19 =	vadd.s32 v3, v38;
	s17 =	simm.s32 $0x8900  }
0x225: {  	[tilespmem:s17], [sflag:$0x4] =	stream.indirect_vreg.gather [hbm4b:s1+s5], $0x80, v20, vm0, $0xb8;
	[tilespmem:$0x1E100] =	vst v63  }
0x226: {  	v41 =	vperm.xlane v17, v8;
	v40 =	vadd.s32 v3, v39;
	s17 =	simm.s32 $0x8980  }
0x227: {  	[tilespmem:s17], [sflag:$0x4] =	stream.indirect_vreg.gather [hbm4b:s1+s5], $0x80, v18, vm0, $0xb8;
	[tilespmem:$0x1E100] =	vst v63  }
0x228: {  	v42 =	vperm.xlane v17, v0;
	v18 =	vadd.s32 v3, v41;
	s17 =	simm.s32 $0x8A00  }
0x229: {  	[tilespmem:s17], [sflag:$0x4] =	stream.indirect_vreg.gather [hbm4b:s1+s5], $0x80, v19, vm0, $0xb8;
	[tilespmem:$0x1E100] =	vst v63  }
0x22a: {  	v43 =	vperm.xlane v17, v9;
	v19 =	vadd.s32 v3, v42;
	s17 =	simm.s32 $0x8A80  }
0x22b: {  	[tilespmem:s17], [sflag:$0x4] =	stream.indirect_vreg.gather [hbm4b:s1+s5], $0x80, v40, vm0, $0xb8;
	[tilespmem:$0x1E100] =	vst v63  }
0x22c: {  	v45 =	vperm.xlane v17, v10;
	v44 =	vadd.s32 v3, v43;
	s17 =	simm.s32 $0x8B00  }
0x22d: {  	[tilespmem:s17], [sflag:$0x4] =	stream.indirect_vreg.gather [hbm4b:s1+s5], $0x80, v18, vm0, $0xb8;
	[tilespmem:$0x1E100] =	vst v63  }
0x22e: {  	v46 =	vperm.xlane v17, v11;
	v18 =	vadd.s32 v3, v45;
	s17 =	simm.s32 $0x8B80  }
0x22f: {  	[tilespmem:s17], [sflag:$0x4] =	stream.indirect_vreg.gather [hbm4b:s1+s5], $0x80, v19, vm0, $0xb8;
	[tilespmem:$0x1E100] =	vst v63  }
0x230: {  	v47 =	vperm.xlane v17, v12;
	v19 =	vadd.s32 v3, v46;
	s17 =	simm.s32 $0x8C00  }
0x231: {  	[tilespmem:s17], [sflag:$0x4] =	stream.indirect_vreg.gather [hbm4b:s1+s5], $0x80, v44, vm0, $0xb8;
	[tilespmem:$0x1E100] =	vst v63  }
0x232: {  	v49 =	vperm.xlane v17, v13;
	v48 =	vadd.s32 v3, v47;
	s17 =	simm.s32 $0x8C80  }
0x233: {  	[tilespmem:s17], [sflag:$0x4] =	stream.indirect_vreg.gather [hbm4b:s1+s5], $0x80, v18, vm0, $0xb8;
	[tilespmem:$0x1E100] =	vst v63  }
0x234: {  	v50 =	vperm.xlane v17, v14;
	v18 =	vadd.s32 v3, v49;
	s17 =	simm.s32 $0x8D00  }
0x235: {  	[tilespmem:s17], [sflag:$0x4] =	stream.indirect_vreg.gather [hbm4b:s1+s5], $0x80, v19, vm0, $0xb8;
	[tilespmem:$0x1E100] =	vst v63  }
0x236: {  	v51 =	vperm.xlane v17, v15;
	v19 =	vadd.s32 v3, v50;
	s17 =	simm.s32 $0x8D80  }
0x237: {  	[tilespmem:s17], [sflag:$0x4] =	stream.indirect_vreg.gather [hbm4b:s1+s5], $0x80, v48, vm0, $0xb8;
	[tilespmem:$0x1E100] =	vst v63  }
0x238: {  	v17 =	vperm.xlane v17, v16;
	v52 =	vadd.s32 v3, v51;
	s17 =	simm.s32 $0x8E00  }
0x239: {  	[tilespmem:s17], [sflag:$0x4] =	stream.indirect_vreg.gather [hbm4b:s1+s5], $0x80, v18, vm0, $0xb8;
	[tilespmem:$0x1E100] =	vst v63  }
0x23a: {  	v17 =	vadd.s32 v3, v17;
	s17 =	simm.s32 $0x8E80  }
0x23b: {  	[tilespmem:s17], [sflag:$0x4] =	stream.indirect_vreg.gather [hbm4b:s1+s5], $0x80, v19, vm0, $0xb8;
	[tilespmem:$0x1E100] =	vst v63  }
0x23c: {  	s17 =	simm.s32 $0x8F00  }
0x23d: {  	[tilespmem:s17], [sflag:$0x4] =	stream.indirect_vreg.gather [hbm4b:s1+s5], $0x80, v52, vm0, $0xb8;
	[tilespmem:$0x1E100] =	vst v63  }
0x23e: {  	s17 =	simm.s32 $0x8F80  }
0x23f: {  	[tilespmem:s17], [sflag:$0x4] =	stream.indirect_vreg.gather [hbm4b:s1+s5], $0x80, v17, vm0, $0xb8;
	[tilespmem:$0x1E100] =	vst v63  }
0x240: {  	v17 =	vld [tilespmem:s13+$0x190];
	_ =	sdelay $0x4  }
0x241: {  	v18 =	vshll.u32 v17, $0x1  }
0x242: {  	v17 =	vand.u32 $0x7, v17;
	v18 =	vand.u32 $0xFFFFFFF0, v18  }
0x243: {  	v17 =	vor.u32 v17, v18  }
0x244: {  	v18 =	vperm.xlane v17, v2;
	_ =	sdelay $0x1  }
0x245: {  	v19 =	vperm.xlane v17, v1;
	v18 =	vadd.s32 v3, v18;
	_ =	sdelay $0x1  }
0x246: {  	v53 =	vperm.xlane v17, v4;
	v19 =	vadd.s32 v3, v19;
	_ =	sdelay $0x1  }
0x247: {  	s17 =	simm.s32 $0x9000;
	v54 =	vperm.xlane v17, v5;
	v20 =	vadd.s32 v3, v53  }
0x248: {  	[tilespmem:s17], [sflag:$0x4] =	stream.indirect_vreg.gather [hbm4b:s1+s5], $0x80, v18, vm0, $0xb8;
	[tilespmem:$0x1E100] =	vst v63  }
0x249: {  	v55 =	vperm.xlane v17, v6;
	v18 =	vadd.s32 v3, v54;
	s17 =	simm.s32 $0x9080  }
0x24a: {  	[tilespmem:s17], [sflag:$0x4] =	stream.indirect_vreg.gather [hbm4b:s1+s5], $0x80, v19, vm0, $0xb8;
	[tilespmem:$0x1E100] =	vst v63  }
0x24b: {  	v56 =	vperm.xlane v17, v7;
	v19 =	vadd.s32 v3, v55;
	s17 =	simm.s32 $0x9100  }
0x24c: {  	[tilespmem:s17], [sflag:$0x4] =	stream.indirect_vreg.gather [hbm4b:s1+s5], $0x80, v20, vm0, $0xb8;
	[tilespmem:$0x1E100] =	vst v63  }
0x24d: {  	v58 =	vperm.xlane v17, v8;
	v57 =	vadd.s32 v3, v56;
	s17 =	simm.s32 $0x9180  }
0x24e: {  	[tilespmem:s17], [sflag:$0x4] =	stream.indirect_vreg.gather [hbm4b:s1+s5], $0x80, v18, vm0, $0xb8;
	[tilespmem:$0x1E100] =	vst v63  }
0x24f: {  	v59 =	vperm.xlane v17, v0;
	v18 =	vadd.s32 v3, v58;
	s17 =	simm.s32 $0x9200  }
0x250: {  	[tilespmem:s17], [sflag:$0x4] =	stream.indirect_vreg.gather [hbm4b:s1+s5], $0x80, v19, vm0, $0xb8;
	[tilespmem:$0x1E100] =	vst v63  }
0x251: {  	v60 =	vperm.xlane v17, v9;
	v19 =	vadd.s32 v3, v59;
	s17 =	simm.s32 $0x9280  }
0x252: {  	[tilespmem:s17], [sflag:$0x4] =	stream.indirect_vreg.gather [hbm4b:s1+s5], $0x80, v57, vm0, $0xb8;
	[tilespmem:$0x1E100] =	vst v63  }
0x253: {  	v62 =	vperm.xlane v17, v10;
	v61 =	vadd.s32 v3, v60;
	s17 =	simm.s32 $0x9300  }
0x254: {  	[tilespmem:s17], [sflag:$0x4] =	stream.indirect_vreg.gather [hbm4b:s1+s5], $0x80, v18, vm0, $0xb8;
	[tilespmem:$0x1E100] =	vst v63  }
0x255: {  	v63 =	vperm.xlane v17, v11;
	v18 =	vadd.s32 v3, v62;
	s17 =	simm.s32 $0x9380  }
0x256: {  	[tilespmem:s17], [sflag:$0x4] =	stream.indirect_vreg.gather [hbm4b:s1+s5], $0x80, v19, vm0, $0xb8;
	[tilespmem:$0x1E100] =	vst v63  }
0x257: {  	v24 =	vperm.xlane v17, v12;
	v19 =	vadd.s32 v3, v63;
	s17 =	simm.s32 $0x9400  }
0x258: {  	[tilespmem:s17], [sflag:$0x4] =	stream.indirect_vreg.gather [hbm4b:s1+s5], $0x80, v61, vm0, $0xb8;
	[tilespmem:$0x1E100] =	vst v63  }
0x259: {  	v26 =	vperm.xlane v17, v13;
	v25 =	vadd.s32 v3, v24;
	s17 =	simm.s32 $0x9480  }
0x25a: {  	[tilespmem:s17], [sflag:$0x4] =	stream.indirect_vreg.gather [hbm4b:s1+s5], $0x80, v18, vm0, $0xb8;
	[tilespmem:$0x1E100] =	vst v63  }
0x25b: {  	v27 =	vperm.xlane v17, v14;
	v18 =	vadd.s32 v3, v26  }
0x25c: {  	[tilespmem:s25], [sflag:$0x4] =	stream.indirect_vreg.gather [hbm4b:s1+s5], $0x80, v19, vm0, $0xb8;
	[tilespmem:$0x1E100] =	vst v63  }
0x25d: {  	v28 =	vperm.xlane v17, v15;
	v19 =	vadd.s32 v3, v27  }
0x25e: {  	[tilespmem:s26], [sflag:$0x4] =	stream.indirect_vreg.gather [hbm4b:s1+s5], $0x80, v25, vm0, $0xb8;
	[tilespmem:$0x1E100] =	vst v63  }
0x25f: {  	v17 =	vperm.xlane v17, v16;
	v29 =	vadd.s32 v3, v28  }
0x260: {  	[tilespmem:s28], [sflag:$0x4] =	stream.indirect_vreg.gather [hbm4b:s1+s5], $0x80, v18, vm0, $0xb8;
	[tilespmem:$0x1E100] =	vst v63  }
0x261: {  	v17 =	vadd.s32 v3, v17  }
0x262: {  	[tilespmem:s29], [sflag:$0x4] =	stream.indirect_vreg.gather [hbm4b:s1+s5], $0x80, v19, vm0, $0xb8;
	[tilespmem:$0x1E100] =	vst v63  }
0x263: {  	_ = 	snop  }
0x264: {  	[tilespmem:s30], [sflag:$0x4] =	stream.indirect_vreg.gather [hbm4b:s1+s5], $0x80, v29, vm0, $0xb8;
	[tilespmem:$0x1E100] =	vst v63  }
0x265: {  	_ = 	snop  }
0x266: {  	[tilespmem:s31], [sflag:$0x4] =	stream.indirect_vreg.gather [hbm4b:s1+s5], $0x80, v17, vm0, $0xb8;
	[tilespmem:$0x1E100] =	vst v63  }
0x267: {  	v17 =	vld [tilespmem:s13+$0x1A0];
	_ =	sdelay $0x4  }
0x268: {  	v18 =	vshll.u32 v17, $0x1  }
0x269: {  	v17 =	vand.u32 $0x7, v17;
	v18 =	vand.u32 $0xFFFFFFF0, v18  }
0x26a: {  	v17 =	vor.u32 v17, v18  }
0x26b: {  	v18 =	vperm.xlane v17, v2;
	_ =	sdelay $0x1  }
0x26c: {  	v19 =	vperm.xlane v17, v1;
	v18 =	vadd.s32 v3, v18;
	_ =	sdelay $0x1  }
0x26d: {  	v30 =	vperm.xlane v17, v4;
	v19 =	vadd.s32 v3, v19;
	_ =	sdelay $0x1  }
0x26e: {  	v31 =	vperm.xlane v17, v5;
	v20 =	vadd.s32 v3, v30  }
0x26f: {  	[tilespmem:s0], [sflag:$0x4] =	stream.indirect_vreg.gather [hbm4b:s1+s5], $0x80, v18, vm0, $0xb8;
	[tilespmem:$0x1E100] =	vst v63  }
0x270: {  	v32 =	vperm.xlane v17, v6;
	v18 =	vadd.s32 v3, v31  }
0x271: {  	[tilespmem:s3], [sflag:$0x4] =	stream.indirect_vreg.gather [hbm4b:s1+s5], $0x80, v19, vm0, $0xb8;
	[tilespmem:$0x1E100] =	vst v63  }
0x272: {  	v33 =	vperm.xlane v17, v7;
	v19 =	vadd.s32 v3, v32  }
0x273: {  	[tilespmem:s12], [sflag:$0x4] =	stream.indirect_vreg.gather [hbm4b:s1+s5], $0x80, v20, vm0, $0xb8;
	[tilespmem:$0x1E100] =	vst v63  }
0x274: {  	v35 =	vperm.xlane v17, v8;
	v34 =	vadd.s32 v3, v33  }
0x275: {  	[tilespmem:s14], [sflag:$0x4] =	stream.indirect_vreg.gather [hbm4b:s1+s5], $0x80, v18, vm0, $0xb8;
	[tilespmem:$0x1E100] =	vst v63  }
0x276: {  	v36 =	vperm.xlane v17, v0;
	v18 =	vadd.s32 v3, v35  }
0x277: {  	[tilespmem:s15], [sflag:$0x4] =	stream.indirect_vreg.gather [hbm4b:s1+s5], $0x80, v19, vm0, $0xb8;
	[tilespmem:$0x1E100] =	vst v63  }
0x278: {  	v37 =	vperm.xlane v17, v9;
	v19 =	vadd.s32 v3, v36  }
0x279: {  	[tilespmem:s8], [sflag:$0x4] =	stream.indirect_vreg.gather [hbm4b:s1+s5], $0x80, v34, vm0, $0xb8;
	[tilespmem:$0x1E100] =	vst v63  }
0x27a: {  	v39 =	vperm.xlane v17, v10;
	v38 =	vadd.s32 v3, v37  }
0x27b: {  	[tilespmem:s22], [sflag:$0x4] =	stream.indirect_vreg.gather [hbm4b:s1+s5], $0x80, v18, vm0, $0xb8;
	[tilespmem:$0x1E100] =	vst v63  }
0x27c: {  	v40 =	vperm.xlane v17, v11;
	v18 =	vadd.s32 v3, v39  }
0x27d: {  	[tilespmem:s23], [sflag:$0x4] =	stream.indirect_vreg.gather [hbm4b:s1+s5], $0x80, v19, vm0, $0xb8;
	[tilespmem:$0x1E100] =	vst v63  }
0x27e: {  	v41 =	vperm.xlane v17, v12;
	v19 =	vadd.s32 v3, v40  }
0x27f: {  	[tilespmem:s24], [sflag:$0x4] =	stream.indirect_vreg.gather [hbm4b:s1+s5], $0x80, v38, vm0, $0xb8;
	[tilespmem:$0x1E100] =	vst v63  }
0x280: {  	s17 =	simm.s32 $0x9C80;
	v43 =	vperm.xlane v17, v13;
	v42 =	vadd.s32 v3, v41  }
0x281: {  	[tilespmem:s17], [sflag:$0x4] =	stream.indirect_vreg.gather [hbm4b:s1+s5], $0x80, v18, vm0, $0xb8;
	[tilespmem:$0x1E100] =	vst v63  }
0x282: {  	v44 =	vperm.xlane v17, v14;
	v18 =	vadd.s32 v3, v43;
	s17 =	simm.s32 $0x9D00  }
0x283: {  	[tilespmem:s17], [sflag:$0x4] =	stream.indirect_vreg.gather [hbm4b:s1+s5], $0x80, v19, vm0, $0xb8;
	[tilespmem:$0x1E100] =	vst v63  }
0x284: {  	v45 =	vperm.xlane v17, v15;
	v19 =	vadd.s32 v3, v44;
	s17 =	simm.s32 $0x9D80  }
0x285: {  	[tilespmem:s17], [sflag:$0x4] =	stream.indirect_vreg.gather [hbm4b:s1+s5], $0x80, v42, vm0, $0xb8;
	[tilespmem:$0x1E100] =	vst v63  }
0x286: {  	v17 =	vperm.xlane v17, v16;
	v46 =	vadd.s32 v3, v45;
	s17 =	simm.s32 $0x9E00  }
0x287: {  	[tilespmem:s17], [sflag:$0x4] =	stream.indirect_vreg.gather [hbm4b:s1+s5], $0x80, v18, vm0, $0xb8;
	[tilespmem:$0x1E100] =	vst v63  }
0x288: {  	v17 =	vadd.s32 v3, v17;
	s17 =	simm.s32 $0x9E80  }
0x289: {  	[tilespmem:s17], [sflag:$0x4] =	stream.indirect_vreg.gather [hbm4b:s1+s5], $0x80, v19, vm0, $0xb8;
	[tilespmem:$0x1E100] =	vst v63  }
0x28a: {  	s17 =	simm.s32 $0x9F00  }
0x28b: {  	[tilespmem:s17], [sflag:$0x4] =	stream.indirect_vreg.gather [hbm4b:s1+s5], $0x80, v46, vm0, $0xb8;
	[tilespmem:$0x1E100] =	vst v63  }
0x28c: {  	s17 =	simm.s32 $0x9F80  }
0x28d: {  	[tilespmem:s17], [sflag:$0x4] =	stream.indirect_vreg.gather [hbm4b:s1+s5], $0x80, v17, vm0, $0xb8;
	[tilespmem:$0x1E100] =	vst v63  }
0x28e: {  	v17 =	vld [tilespmem:s13+$0x1B0];
	_ =	sdelay $0x4  }
0x28f: {  	v18 =	vshll.u32 v17, $0x1  }
0x290: {  	v17 =	vand.u32 $0x7, v17;
	v18 =	vand.u32 $0xFFFFFFF0, v18  }
0x291: {  	v17 =	vor.u32 v17, v18  }
0x292: {  	v18 =	vperm.xlane v17, v2;
	_ =	sdelay $0x1  }
0x293: {  	v19 =	vperm.xlane v17, v1;
	v18 =	vadd.s32 v3, v18;
	_ =	sdelay $0x1  }
0x294: {  	v47 =	vperm.xlane v17, v4;
	v19 =	vadd.s32 v3, v19;
	_ =	sdelay $0x1  }
0x295: {  	s17 =	simm.s32 $0xA000;
	v48 =	vperm.xlane v17, v5;
	v20 =	vadd.s32 v3, v47  }
0x296: {  	[tilespmem:s17], [sflag:$0x4] =	stream.indirect_vreg.gather [hbm4b:s1+s5], $0x80, v18, vm0, $0xb8;
	[tilespmem:$0x1E100] =	vst v63  }
0x297: {  	v49 =	vperm.xlane v17, v6;
	v18 =	vadd.s32 v3, v48;
	s17 =	simm.s32 $0xA080  }
0x298: {  	[tilespmem:s17], [sflag:$0x4] =	stream.indirect_vreg.gather [hbm4b:s1+s5], $0x80, v19, vm0, $0xb8;
	[tilespmem:$0x1E100] =	vst v63  }
0x299: {  	v50 =	vperm.xlane v17, v7;
	v19 =	vadd.s32 v3, v49;
	s17 =	simm.s32 $0xA100  }
0x29a: {  	[tilespmem:s17], [sflag:$0x4] =	stream.indirect_vreg.gather [hbm4b:s1+s5], $0x80, v20, vm0, $0xb8;
	[tilespmem:$0x1E100] =	vst v63  }
0x29b: {  	v52 =	vperm.xlane v17, v8;
	v51 =	vadd.s32 v3, v50;
	s17 =	simm.s32 $0xA180  }
0x29c: {  	[tilespmem:s17], [sflag:$0x4] =	stream.indirect_vreg.gather [hbm4b:s1+s5], $0x80, v18, vm0, $0xb8;
	[tilespmem:$0x1E100] =	vst v63  }
0x29d: {  	v53 =	vperm.xlane v17, v0;
	v18 =	vadd.s32 v3, v52;
	s17 =	simm.s32 $0xA200  }
0x29e: {  	[tilespmem:s17], [sflag:$0x4] =	stream.indirect_vreg.gather [hbm4b:s1+s5], $0x80, v19, vm0, $0xb8;
	[tilespmem:$0x1E100] =	vst v63  }
0x29f: {  	v54 =	vperm.xlane v17, v9;
	v19 =	vadd.s32 v3, v53;
	s17 =	simm.s32 $0xA280  }
0x2a0: {  	[tilespmem:s17], [sflag:$0x4] =	stream.indirect_vreg.gather [hbm4b:s1+s5], $0x80, v51, vm0, $0xb8;
	[tilespmem:$0x1E100] =	vst v63  }
0x2a1: {  	v56 =	vperm.xlane v17, v10;
	v55 =	vadd.s32 v3, v54;
	s17 =	simm.s32 $0xA300  }
0x2a2: {  	[tilespmem:s17], [sflag:$0x4] =	stream.indirect_vreg.gather [hbm4b:s1+s5], $0x80, v18, vm0, $0xb8;
	[tilespmem:$0x1E100] =	vst v63  }
0x2a3: {  	v57 =	vperm.xlane v17, v11;
	v18 =	vadd.s32 v3, v56;
	s17 =	simm.s32 $0xA380  }
0x2a4: {  	[tilespmem:s17], [sflag:$0x4] =	stream.indirect_vreg.gather [hbm4b:s1+s5], $0x80, v19, vm0, $0xb8;
	[tilespmem:$0x1E100] =	vst v63  }
0x2a5: {  	v58 =	vperm.xlane v17, v12;
	v19 =	vadd.s32 v3, v57;
	s17 =	simm.s32 $0xA400  }
0x2a6: {  	[tilespmem:s17], [sflag:$0x4] =	stream.indirect_vreg.gather [hbm4b:s1+s5], $0x80, v55, vm0, $0xb8;
	[tilespmem:$0x1E100] =	vst v63  }
0x2a7: {  	v60 =	vperm.xlane v17, v13;
	v59 =	vadd.s32 v3, v58;
	s17 =	simm.s32 $0xA480  }
0x2a8: {  	[tilespmem:s17], [sflag:$0x4] =	stream.indirect_vreg.gather [hbm4b:s1+s5], $0x80, v18, vm0, $0xb8;
	[tilespmem:$0x1E100] =	vst v63  }
0x2a9: {  	v61 =	vperm.xlane v17, v14;
	v18 =	vadd.s32 v3, v60;
	s17 =	simm.s32 $0xA500  }
0x2aa: {  	[tilespmem:s17], [sflag:$0x4] =	stream.indirect_vreg.gather [hbm4b:s1+s5], $0x80, v19, vm0, $0xb8;
	[tilespmem:$0x1E100] =	vst v63  }
0x2ab: {  	v62 =	vperm.xlane v17, v15;
	v19 =	vadd.s32 v3, v61;
	s17 =	simm.s32 $0xA580  }
0x2ac: {  	[tilespmem:s17], [sflag:$0x4] =	stream.indirect_vreg.gather [hbm4b:s1+s5], $0x80, v59, vm0, $0xb8;
	[tilespmem:$0x1E100] =	vst v63  }
0x2ad: {  	v17 =	vperm.xlane v17, v16;
	v63 =	vadd.s32 v3, v62;
	s17 =	simm.s32 $0xA600  }
0x2ae: {  	[tilespmem:s17], [sflag:$0x4] =	stream.indirect_vreg.gather [hbm4b:s1+s5], $0x80, v18, vm0, $0xb8;
	[tilespmem:$0x1E100] =	vst v63  }
0x2af: {  	v17 =	vadd.s32 v3, v17;
	s17 =	simm.s32 $0xA680  }
0x2b0: {  	[tilespmem:s17], [sflag:$0x4] =	stream.indirect_vreg.gather [hbm4b:s1+s5], $0x80, v19, vm0, $0xb8;
	[tilespmem:$0x1E100] =	vst v63  }
0x2b1: {  	s17 =	simm.s32 $0xA700  }
0x2b2: {  	[tilespmem:s17], [sflag:$0x4] =	stream.indirect_vreg.gather [hbm4b:s1+s5], $0x80, v63, vm0, $0xb8;
	[tilespmem:$0x1E100] =	vst v63  }
0x2b3: {  	s17 =	simm.s32 $0xA780  }
0x2b4: {  	[tilespmem:s17], [sflag:$0x4] =	stream.indirect_vreg.gather [hbm4b:s1+s5], $0x80, v17, vm0, $0xb8;
	[tilespmem:$0x1E100] =	vst v63  }
0x2b5: {  	_ =	swait.ge [sflag:s7], $0x2000  }
0x2b6: {  	[sflag:s7] =	ssyncset.done $0x0  }
0x2b7: {  	s17 =	sadd.s32 $0x1400, s13;
	[sflag:s7] =	ssyncadd.s32 $0xFFFFE000  }
0x2b8: {  	[spmem:s4] =	stream.indirect.scatter.add.f32 [tilespmem:s21], [sflag:$0x5], $0x80, s17, s9, $0xb8;
	[tilespmem:$0x1E100] =	vst v63  }
0x2b9: {  	_ =	swait.ge [sflag:s6], $0x2000  }
0x2ba: {  	[sflag:s6] =	ssyncset.done $0x0  }
0x2bb: {  	s17 =	sadd.s32 $0x1480, s13;
	[sflag:s6] =	ssyncadd.s32 $0xFFFFE000  }
0x2bc: {  	[spmem:s4] =	stream.indirect.scatter.add.f32 [tilespmem:s2], [sflag:$0x6], $0x80, s17, s9, $0xb8;
	[tilespmem:$0x1E100] =	vst v63  }
0x2bd: {  	_ =	swait.ge [sflag:s20], $0x2000  }
0x2be: {  	s16 =	sadd.s32 $0x800, s16;
	[sflag:s20] =	ssyncset.done $0x0  }
0x2bf: {  	p2 =	sne.s32 s16, $0x5000;
	s17 =	sadd.s32 $0x1500, s13;
	[sflag:s20] =	ssyncadd.s32 $0xFFFFE000  }
0x2c0: {  	[spmem:s4] =	stream.indirect.scatter.add.f32 [tilespmem:s19], [sflag:$0x7], $0x80, s17, s9, $0xb8;
	[tilespmem:$0x1E100] =	vst v63  }
.Ltmp3:
0x2c1: {  	_ = 	snop;
	(pc) =	sbr.rel @p2 .LBB2_3-.Ltmp3, $4  }
0x2c2: {  	_ =	swait.ge [sflag:s18], $0x2000  }
0x2c3: {  	[sflag:s18] =	ssyncset.done $0x0  }
0x2c4: {  	s13 =	sadd.s32 $0x1580, s13;
	[sflag:s18] =	ssyncadd.s32 $0xFFFFE000  }
0x2c5: {  	[spmem:s4] =	stream.indirect.scatter.add.f32 [tilespmem:s11], [sflag:$0x8], $0x80, s13, s9, $0xb8;
	[tilespmem:$0x1E100] =	vst v63  }
0x2c6: {  	s0 =	simm.s32 $0x5  }
0x2c7: {  	_ =	swait.ge [sflag:s0], $0x2000  }
0x2c8: {  	[sflag:s0] =	ssyncset.done $0x0  }
0x2c9: {  	s29 =	simm.s32 $0x6;
	[sflag:s0] =	ssyncadd.s32 $0xFFFFE000  }
0x2ca: {  	_ =	swait.ge [sflag:s29], $0x2000  }
0x2cb: {  	[sflag:s29] =	ssyncset.done $0x0  }
0x2cc: {  	s30 =	simm.s32 $0x7;
	[sflag:s29] =	ssyncadd.s32 $0xFFFFE000  }
0x2cd: {  	_ =	swait.ge [sflag:s30], $0x2000  }
0x2ce: {  	[sflag:s30] =	ssyncset.done $0x0  }
0x2cf: {  	s31 =	simm.s32 $0x8;
	[sflag:s30] =	ssyncadd.s32 $0xFFFFE000  }
0x2d0: {  	_ =	swait.ge [sflag:s31], $0x2000  }
0x2d1: {  	s3 =	rddreg [dreg:$0x14]  }
0x2d2: {  	s3 =	sadd.s32 $0x1, s3  }
0x2d3: {  	p2 =	seq.s32 s3, $0x4  }
.Ltmp4:
0x2d4: {  	_ = 	snop;
	(pc) =	sbr.rel @!p2 .LBB2_2-.Ltmp4, $3  }
0x2d5: {  	_ =	sdelay $0x1  }
0x2d6: {  	[sflag:s31] =	ssyncset.done $0x0  }
0x2d7: {  	[sflag:s31] =	ssyncadd.s32 $0xFFFFE000  }
0x2d8: {  	[bflag:$0x0] =	sbarrier.arrive $0xFFFF  }
0x2d9: {  	s16 =	rddreg [dreg:$0x7]  }
0x2da: {  	s13 =	rddreg [dreg:$0xe]  }
0x2db: {  	s0 =	rddreg [dreg:$0x13]  }
0x2dc: {  	[hbm:s13], [sflag:s16] =	dma.local @p1 [spmem:s0], $0x2800  }
0x2dd: {  	s13 =	simm.s32 @p1 $0x9  }
0x2de: {  	_ =	swait.ge @p1 [sflag:s13], $0x2800  }
0x2df: {  	[sflag:s13] =	ssyncset.done @p1 $0x0;
	s0 =	rddreg [dreg:$0x12]  }
0x2e0: {  	[sflag:s13] =	ssyncadd.s32 @p1 $0xFFFFD800;
	s13 =	rddreg [dreg:$0xd]  }
0x2e1: {  	[hbm:s13], [sflag:s16] =	dma.local @!p1 [spmem:s0], $0x2700  }
.Ltmp5:
0x2e2: {  	_ = 	snop;
	(pc) =	sbr.rel .LBB2_10-.Ltmp5, $4  }
0x2e3: {  	s13 =	simm.s32 @!p1 $0x9  }
0x2e4: {  	_ =	swait.ge @!p1 [sflag:s13], $0x2700  }
0x2e5: {  	[sflag:s13] =	ssyncset.done @!p1 $0x0  }
0x2e6: {  	s0 =	rddreg [dreg:$0x11];
	[sflag:s13] =	ssyncadd.s32 @!p1 $0xFFFFD900  }
.LBB2_6:
0x2e7: {  	[dreg:$0x15] =	wrdreg s8  }
0x2e8: {  	s13 =	smul.u32 $0x1400, s8;
	s16 =	rddreg [dreg:$0x8]  }
0x2e9: {  	s23 =	rddreg [dreg:$0x5];
	s24 =	simm.s32 $0x9;
	s26 =	simm.s32 $0x1400  }
0x2ea: {  	s28 =	simm.s32 $0x9600;
	s29 =	simm.s32 $0x9680;
	s13 =	sadd.s32 s16, s13  }
0x2eb: {  	s30 =	simm.s32 $0x9700;
	s31 =	simm.s32 $0x9780;
	s13 =	sshrl.u32 s13, $0x3  }
0x2ec: {  	s0 =	simm.s32 $0x9800;
	s16 =	simm.s32 $0x0;
	s17 =	sadd.s32 s23, s13  }
0x2ed: {  	[tilespmem:s16], [sflag:$0x9] =	stream.linear.gather [hbm4b:s17+s16], $0x1400, $0x38;
	[tilespmem:$0x1E100] =	vst v63  }
0x2ee: {  	s3 =	simm.s32 $0x9880;
	s12 =	simm.s32 $0x9900;
	_ =	swait.ge [sflag:s24], $0x1400  }
0x2ef: {  	s14 =	simm.s32 $0x9980;
	[sflag:s24] =	ssyncset.done $0x0;
	s25 =	rddreg [dreg:$0x6]  }
0x2f0: {  	s15 =	simm.s32 $0x9A00;
	[sflag:s24] =	ssyncadd.s32 $0xFFFFEC00;
	s13 =	sadd.s32 s25, s13  }
0x2f1: {  	[tilespmem:s26], [sflag:$0x9] =	stream.linear.gather [hbm4b:s13+s16], $0x1400, $0x38;
	[tilespmem:$0x1E100] =	vst v63  }
0x2f2: {  	s8 =	simm.s32 $0x9A80;
	s22 =	simm.s32 $0x9B00;
	_ =	swait.ge [sflag:s24], $0x1400  }
0x2f3: {  	s23 =	simm.s32 $0x9B80;
	s25 =	simm.s32 $0x9500;
	[sflag:s24] =	ssyncset.done $0x0  }
0x2f4: {  	s26 =	simm.s32 $0x9580;
	[sflag:s24] =	ssyncadd.s32 $0xFFFFEC00;
	s24 =	simm.s32 $0x9C00  }
.LBB2_7:
0x2f5: {  	p2 =	seq.s32 s16, $0x0  }
0x2f6: {  	s13 =	simm.s32 @!p2 $0x5  }
0x2f7: {  	_ =	swait.ge @!p2 [sflag:s13], $0x2000  }
0x2f8: {  	[sflag:s13] =	ssyncset.done @!p2 $0x0  }
0x2f9: {  	[sflag:s13] =	ssyncadd.s32 @!p2 $0xFFFFE000;
	s13 =	sshra.s32 s16, $0x2  }
0x2fa: {  	v17 =	vld [tilespmem:s13+$0x0];
	_ =	sdelay $0x4  }
0x2fb: {  	v18 =	vshll.u32 v17, $0x1  }
0x2fc: {  	v17 =	vand.u32 $0x7, v17;
	v18 =	vand.u32 $0xFFFFFFF0, v18  }
0x2fd: {  	v17 =	vor.u32 v17, v18  }
0x2fe: {  	v18 =	vperm.xlane v17, v2;
	_ =	sdelay $0x1  }
0x2ff: {  	v19 =	vperm.xlane v17, v1;
	v18 =	vadd.s32 v3, v18;
	_ =	sdelay $0x1  }
0x300: {  	v20 =	vperm.xlane v17, v4;
	v19 =	vadd.s32 v3, v19;
	_ =	sdelay $0x1  }
0x301: {  	v21 =	vperm.xlane v17, v5;
	v20 =	vadd.s32 v3, v20  }
0x302: {  	[tilespmem:s21], [sflag:$0x1] =	stream.indirect_vreg.gather [hbm4b:s10+s5], $0x80, v18, vm0, $0xb8;
	[tilespmem:$0x1E100] =	vst v63  }
0x303: {  	s17 =	simm.s32 $0x2880;
	v34 =	vperm.xlane v17, v6;
	v18 =	vadd.s32 v3, v21  }
0x304: {  	[tilespmem:s17], [sflag:$0x1] =	stream.indirect_vreg.gather [hbm4b:s10+s5], $0x80, v19, vm0, $0xb8;
	[tilespmem:$0x1E100] =	vst v63  }
0x305: {  	v35 =	vperm.xlane v17, v7;
	v19 =	vadd.s32 v3, v34;
	s17 =	simm.s32 $0x2900  }
0x306: {  	[tilespmem:s17], [sflag:$0x1] =	stream.indirect_vreg.gather [hbm4b:s10+s5], $0x80, v20, vm0, $0xb8;
	[tilespmem:$0x1E100] =	vst v63  }
0x307: {  	v37 =	vperm.xlane v17, v8;
	v36 =	vadd.s32 v3, v35;
	s17 =	simm.s32 $0x2980  }
0x308: {  	[tilespmem:s17], [sflag:$0x1] =	stream.indirect_vreg.gather [hbm4b:s10+s5], $0x80, v18, vm0, $0xb8;
	[tilespmem:$0x1E100] =	vst v63  }
0x309: {  	v38 =	vperm.xlane v17, v0;
	v18 =	vadd.s32 v3, v37;
	s17 =	simm.s32 $0x2A00  }
0x30a: {  	[tilespmem:s17], [sflag:$0x1] =	stream.indirect_vreg.gather [hbm4b:s10+s5], $0x80, v19, vm0, $0xb8;
	[tilespmem:$0x1E100] =	vst v63  }
0x30b: {  	v39 =	vperm.xlane v17, v9;
	v19 =	vadd.s32 v3, v38;
	s17 =	simm.s32 $0x2A80  }
0x30c: {  	[tilespmem:s17], [sflag:$0x1] =	stream.indirect_vreg.gather [hbm4b:s10+s5], $0x80, v36, vm0, $0xb8;
	[tilespmem:$0x1E100] =	vst v63  }
0x30d: {  	v41 =	vperm.xlane v17, v10;
	v40 =	vadd.s32 v3, v39;
	s17 =	simm.s32 $0x2B00  }
0x30e: {  	[tilespmem:s17], [sflag:$0x1] =	stream.indirect_vreg.gather [hbm4b:s10+s5], $0x80, v18, vm0, $0xb8;
	[tilespmem:$0x1E100] =	vst v63  }
0x30f: {  	v42 =	vperm.xlane v17, v11;
	v18 =	vadd.s32 v3, v41;
	s17 =	simm.s32 $0x2B80  }
0x310: {  	[tilespmem:s17], [sflag:$0x1] =	stream.indirect_vreg.gather [hbm4b:s10+s5], $0x80, v19, vm0, $0xb8;
	[tilespmem:$0x1E100] =	vst v63  }
0x311: {  	v43 =	vperm.xlane v17, v12;
	v19 =	vadd.s32 v3, v42;
	s17 =	simm.s32 $0x2C00  }
0x312: {  	[tilespmem:s17], [sflag:$0x1] =	stream.indirect_vreg.gather [hbm4b:s10+s5], $0x80, v40, vm0, $0xb8;
	[tilespmem:$0x1E100] =	vst v63  }
0x313: {  	v45 =	vperm.xlane v17, v13;
	v44 =	vadd.s32 v3, v43;
	s17 =	simm.s32 $0x2C80  }
0x314: {  	[tilespmem:s17], [sflag:$0x1] =	stream.indirect_vreg.gather [hbm4b:s10+s5], $0x80, v18, vm0, $0xb8;
	[tilespmem:$0x1E100] =	vst v63  }
0x315: {  	v46 =	vperm.xlane v17, v14;
	v18 =	vadd.s32 v3, v45;
	s17 =	simm.s32 $0x2D00  }
0x316: {  	[tilespmem:s17], [sflag:$0x1] =	stream.indirect_vreg.gather [hbm4b:s10+s5], $0x80, v19, vm0, $0xb8;
	[tilespmem:$0x1E100] =	vst v63  }
0x317: {  	v47 =	vperm.xlane v17, v15;
	v19 =	vadd.s32 v3, v46;
	s17 =	simm.s32 $0x2D80  }
0x318: {  	[tilespmem:s17], [sflag:$0x1] =	stream.indirect_vreg.gather [hbm4b:s10+s5], $0x80, v44, vm0, $0xb8;
	[tilespmem:$0x1E100] =	vst v63  }
0x319: {  	v17 =	vperm.xlane v17, v16;
	v48 =	vadd.s32 v3, v47;
	s17 =	simm.s32 $0x2E00  }
0x31a: {  	[tilespmem:s17], [sflag:$0x1] =	stream.indirect_vreg.gather [hbm4b:s10+s5], $0x80, v18, vm0, $0xb8;
	[tilespmem:$0x1E100] =	vst v63  }
0x31b: {  	v17 =	vadd.s32 v3, v17;
	s17 =	simm.s32 $0x2E80  }
0x31c: {  	[tilespmem:s17], [sflag:$0x1] =	stream.indirect_vreg.gather [hbm4b:s10+s5], $0x80, v19, vm0, $0xb8;
	[tilespmem:$0x1E100] =	vst v63  }
0x31d: {  	s17 =	simm.s32 $0x2F00  }
0x31e: {  	[tilespmem:s17], [sflag:$0x1] =	stream.indirect_vreg.gather [hbm4b:s10+s5], $0x80, v48, vm0, $0xb8;
	[tilespmem:$0x1E100] =	vst v63  }
0x31f: {  	s17 =	simm.s32 $0x2F80  }
0x320: {  	[tilespmem:s17], [sflag:$0x1] =	stream.indirect_vreg.gather [hbm4b:s10+s5], $0x80, v17, vm0, $0xb8;
	[tilespmem:$0x1E100] =	vst v63  }
0x321: {  	v17 =	vld [tilespmem:s13+$0x10];
	_ =	sdelay $0x4  }
0x322: {  	v18 =	vshll.u32 v17, $0x1  }
0x323: {  	v17 =	vand.u32 $0x7, v17;
	v18 =	vand.u32 $0xFFFFFFF0, v18  }
0x324: {  	v17 =	vor.u32 v17, v18  }
0x325: {  	v18 =	vperm.xlane v17, v2;
	_ =	sdelay $0x1  }
0x326: {  	v19 =	vperm.xlane v17, v1;
	v18 =	vadd.s32 v3, v18;
	_ =	sdelay $0x1  }
0x327: {  	v49 =	vperm.xlane v17, v4;
	v19 =	vadd.s32 v3, v19;
	_ =	sdelay $0x1  }
0x328: {  	s17 =	simm.s32 $0x3000;
	v50 =	vperm.xlane v17, v5;
	v20 =	vadd.s32 v3, v49  }
0x329: {  	[tilespmem:s17], [sflag:$0x1] =	stream.indirect_vreg.gather [hbm4b:s10+s5], $0x80, v18, vm0, $0xb8;
	[tilespmem:$0x1E100] =	vst v63  }
0x32a: {  	v51 =	vperm.xlane v17, v6;
	v18 =	vadd.s32 v3, v50;
	s17 =	simm.s32 $0x3080  }
0x32b: {  	[tilespmem:s17], [sflag:$0x1] =	stream.indirect_vreg.gather [hbm4b:s10+s5], $0x80, v19, vm0, $0xb8;
	[tilespmem:$0x1E100] =	vst v63  }
0x32c: {  	v52 =	vperm.xlane v17, v7;
	v19 =	vadd.s32 v3, v51;
	s17 =	simm.s32 $0x3100  }
0x32d: {  	[tilespmem:s17], [sflag:$0x1] =	stream.indirect_vreg.gather [hbm4b:s10+s5], $0x80, v20, vm0, $0xb8;
	[tilespmem:$0x1E100] =	vst v63  }
0x32e: {  	v54 =	vperm.xlane v17, v8;
	v53 =	vadd.s32 v3, v52;
	s17 =	simm.s32 $0x3180  }
0x32f: {  	[tilespmem:s17], [sflag:$0x1] =	stream.indirect_vreg.gather [hbm4b:s10+s5], $0x80, v18, vm0, $0xb8;
	[tilespmem:$0x1E100] =	vst v63  }
0x330: {  	v55 =	vperm.xlane v17, v0;
	v18 =	vadd.s32 v3, v54;
	s17 =	simm.s32 $0x3200  }
0x331: {  	[tilespmem:s17], [sflag:$0x1] =	stream.indirect_vreg.gather [hbm4b:s10+s5], $0x80, v19, vm0, $0xb8;
	[tilespmem:$0x1E100] =	vst v63  }
0x332: {  	v56 =	vperm.xlane v17, v9;
	v19 =	vadd.s32 v3, v55;
	s17 =	simm.s32 $0x3280  }
0x333: {  	[tilespmem:s17], [sflag:$0x1] =	stream.indirect_vreg.gather [hbm4b:s10+s5], $0x80, v53, vm0, $0xb8;
	[tilespmem:$0x1E100] =	vst v63  }
0x334: {  	v58 =	vperm.xlane v17, v10;
	v57 =	vadd.s32 v3, v56;
	s17 =	simm.s32 $0x3300  }
0x335: {  	[tilespmem:s17], [sflag:$0x1] =	stream.indirect_vreg.gather [hbm4b:s10+s5], $0x80, v18, vm0, $0xb8;
	[tilespmem:$0x1E100] =	vst v63  }
0x336: {  	v59 =	vperm.xlane v17, v11;
	v18 =	vadd.s32 v3, v58;
	s17 =	simm.s32 $0x3380  }
0x337: {  	[tilespmem:s17], [sflag:$0x1] =	stream.indirect_vreg.gather [hbm4b:s10+s5], $0x80, v19, vm0, $0xb8;
	[tilespmem:$0x1E100] =	vst v63  }
0x338: {  	v60 =	vperm.xlane v17, v12;
	v19 =	vadd.s32 v3, v59;
	s17 =	simm.s32 $0x3400  }
0x339: {  	[tilespmem:s17], [sflag:$0x1] =	stream.indirect_vreg.gather [hbm4b:s10+s5], $0x80, v57, vm0, $0xb8;
	[tilespmem:$0x1E100] =	vst v63  }
0x33a: {  	v62 =	vperm.xlane v17, v13;
	v61 =	vadd.s32 v3, v60;
	s17 =	simm.s32 $0x3480  }
0x33b: {  	[tilespmem:s17], [sflag:$0x1] =	stream.indirect_vreg.gather [hbm4b:s10+s5], $0x80, v18, vm0, $0xb8;
	[tilespmem:$0x1E100] =	vst v63  }
0x33c: {  	v63 =	vperm.xlane v17, v14;
	v18 =	vadd.s32 v3, v62;
	s17 =	simm.s32 $0x3500  }
0x33d: {  	[tilespmem:s17], [sflag:$0x1] =	stream.indirect_vreg.gather [hbm4b:s10+s5], $0x80, v19, vm0, $0xb8;
	[tilespmem:$0x1E100] =	vst v63  }
0x33e: {  	v24 =	vperm.xlane v17, v15;
	v19 =	vadd.s32 v3, v63;
	s17 =	simm.s32 $0x3580  }
0x33f: {  	[tilespmem:s17], [sflag:$0x1] =	stream.indirect_vreg.gather [hbm4b:s10+s5], $0x80, v61, vm0, $0xb8;
	[tilespmem:$0x1E100] =	vst v63  }
0x340: {  	v17 =	vperm.xlane v17, v16;
	v25 =	vadd.s32 v3, v24;
	s17 =	simm.s32 $0x3600  }
0x341: {  	[tilespmem:s17], [sflag:$0x1] =	stream.indirect_vreg.gather [hbm4b:s10+s5], $0x80, v18, vm0, $0xb8;
	[tilespmem:$0x1E100] =	vst v63  }
0x342: {  	v17 =	vadd.s32 v3, v17;
	s17 =	simm.s32 $0x3680  }
0x343: {  	[tilespmem:s17], [sflag:$0x1] =	stream.indirect_vreg.gather [hbm4b:s10+s5], $0x80, v19, vm0, $0xb8;
	[tilespmem:$0x1E100] =	vst v63  }
0x344: {  	s17 =	simm.s32 $0x3700  }
0x345: {  	[tilespmem:s17], [sflag:$0x1] =	stream.indirect_vreg.gather [hbm4b:s10+s5], $0x80, v25, vm0, $0xb8;
	[tilespmem:$0x1E100] =	vst v63  }
0x346: {  	s17 =	simm.s32 $0x3780  }
0x347: {  	[tilespmem:s17], [sflag:$0x1] =	stream.indirect_vreg.gather [hbm4b:s10+s5], $0x80, v17, vm0, $0xb8;
	[tilespmem:$0x1E100] =	vst v63  }
0x348: {  	v17 =	vld [tilespmem:s13+$0x20];
	_ =	sdelay $0x4  }
0x349: {  	v18 =	vshll.u32 v17, $0x1  }
0x34a: {  	v17 =	vand.u32 $0x7, v17;
	v18 =	vand.u32 $0xFFFFFFF0, v18  }
0x34b: {  	v17 =	vor.u32 v17, v18  }
0x34c: {  	v18 =	vperm.xlane v17, v2;
	_ =	sdelay $0x1  }
0x34d: {  	v19 =	vperm.xlane v17, v1;
	v18 =	vadd.s32 v3, v18;
	_ =	sdelay $0x1  }
0x34e: {  	v26 =	vperm.xlane v17, v4;
	v19 =	vadd.s32 v3, v19;
	_ =	sdelay $0x1  }
0x34f: {  	s17 =	simm.s32 $0x3800;
	v27 =	vperm.xlane v17, v5;
	v20 =	vadd.s32 v3, v26  }
0x350: {  	[tilespmem:s17], [sflag:$0x1] =	stream.indirect_vreg.gather [hbm4b:s10+s5], $0x80, v18, vm0, $0xb8;
	[tilespmem:$0x1E100] =	vst v63  }
0x351: {  	v28 =	vperm.xlane v17, v6;
	v18 =	vadd.s32 v3, v27;
	s17 =	simm.s32 $0x3880  }
0x352: {  	[tilespmem:s17], [sflag:$0x1] =	stream.indirect_vreg.gather [hbm4b:s10+s5], $0x80, v19, vm0, $0xb8;
	[tilespmem:$0x1E100] =	vst v63  }
0x353: {  	v29 =	vperm.xlane v17, v7;
	v19 =	vadd.s32 v3, v28;
	s17 =	simm.s32 $0x3900  }
0x354: {  	[tilespmem:s17], [sflag:$0x1] =	stream.indirect_vreg.gather [hbm4b:s10+s5], $0x80, v20, vm0, $0xb8;
	[tilespmem:$0x1E100] =	vst v63  }
0x355: {  	v31 =	vperm.xlane v17, v8;
	v30 =	vadd.s32 v3, v29;
	s17 =	simm.s32 $0x3980  }
0x356: {  	[tilespmem:s17], [sflag:$0x1] =	stream.indirect_vreg.gather [hbm4b:s10+s5], $0x80, v18, vm0, $0xb8;
	[tilespmem:$0x1E100] =	vst v63  }
0x357: {  	v32 =	vperm.xlane v17, v0;
	v18 =	vadd.s32 v3, v31;
	s17 =	simm.s32 $0x3A00  }
0x358: {  	[tilespmem:s17], [sflag:$0x1] =	stream.indirect_vreg.gather [hbm4b:s10+s5], $0x80, v19, vm0, $0xb8;
	[tilespmem:$0x1E100] =	vst v63  }
0x359: {  	v33 =	vperm.xlane v17, v9;
	v19 =	vadd.s32 v3, v32;
	s17 =	simm.s32 $0x3A80  }
0x35a: {  	[tilespmem:s17], [sflag:$0x1] =	stream.indirect_vreg.gather [hbm4b:s10+s5], $0x80, v30, vm0, $0xb8;
	[tilespmem:$0x1E100] =	vst v63  }
0x35b: {  	v35 =	vperm.xlane v17, v10;
	v34 =	vadd.s32 v3, v33;
	s17 =	simm.s32 $0x3B00  }
0x35c: {  	[tilespmem:s17], [sflag:$0x1] =	stream.indirect_vreg.gather [hbm4b:s10+s5], $0x80, v18, vm0, $0xb8;
	[tilespmem:$0x1E100] =	vst v63  }
0x35d: {  	v36 =	vperm.xlane v17, v11;
	v18 =	vadd.s32 v3, v35;
	s17 =	simm.s32 $0x3B80  }
0x35e: {  	[tilespmem:s17], [sflag:$0x1] =	stream.indirect_vreg.gather [hbm4b:s10+s5], $0x80, v19, vm0, $0xb8;
	[tilespmem:$0x1E100] =	vst v63  }
0x35f: {  	v37 =	vperm.xlane v17, v12;
	v19 =	vadd.s32 v3, v36;
	s17 =	simm.s32 $0x3C00  }
0x360: {  	[tilespmem:s17], [sflag:$0x1] =	stream.indirect_vreg.gather [hbm4b:s10+s5], $0x80, v34, vm0, $0xb8;
	[tilespmem:$0x1E100] =	vst v63  }
0x361: {  	v39 =	vperm.xlane v17, v13;
	v38 =	vadd.s32 v3, v37;
	s17 =	simm.s32 $0x3C80  }
0x362: {  	[tilespmem:s17], [sflag:$0x1] =	stream.indirect_vreg.gather [hbm4b:s10+s5], $0x80, v18, vm0, $0xb8;
	[tilespmem:$0x1E100] =	vst v63  }
0x363: {  	v40 =	vperm.xlane v17, v14;
	v18 =	vadd.s32 v3, v39;
	s17 =	simm.s32 $0x3D00  }
0x364: {  	[tilespmem:s17], [sflag:$0x1] =	stream.indirect_vreg.gather [hbm4b:s10+s5], $0x80, v19, vm0, $0xb8;
	[tilespmem:$0x1E100] =	vst v63  }
0x365: {  	v41 =	vperm.xlane v17, v15;
	v19 =	vadd.s32 v3, v40;
	s17 =	simm.s32 $0x3D80  }
0x366: {  	[tilespmem:s17], [sflag:$0x1] =	stream.indirect_vreg.gather [hbm4b:s10+s5], $0x80, v38, vm0, $0xb8;
	[tilespmem:$0x1E100] =	vst v63  }
0x367: {  	v17 =	vperm.xlane v17, v16;
	v42 =	vadd.s32 v3, v41;
	s17 =	simm.s32 $0x3E00  }
0x368: {  	[tilespmem:s17], [sflag:$0x1] =	stream.indirect_vreg.gather [hbm4b:s10+s5], $0x80, v18, vm0, $0xb8;
	[tilespmem:$0x1E100] =	vst v63  }
0x369: {  	v17 =	vadd.s32 v3, v17;
	s17 =	simm.s32 $0x3E80  }
0x36a: {  	[tilespmem:s17], [sflag:$0x1] =	stream.indirect_vreg.gather [hbm4b:s10+s5], $0x80, v19, vm0, $0xb8;
	[tilespmem:$0x1E100] =	vst v63  }
0x36b: {  	s17 =	simm.s32 $0x3F00  }
0x36c: {  	[tilespmem:s17], [sflag:$0x1] =	stream.indirect_vreg.gather [hbm4b:s10+s5], $0x80, v42, vm0, $0xb8;
	[tilespmem:$0x1E100] =	vst v63  }
0x36d: {  	s17 =	simm.s32 $0x3F80  }
0x36e: {  	[tilespmem:s17], [sflag:$0x1] =	stream.indirect_vreg.gather [hbm4b:s10+s5], $0x80, v17, vm0, $0xb8;
	[tilespmem:$0x1E100] =	vst v63  }
0x36f: {  	v17 =	vld [tilespmem:s13+$0x30];
	_ =	sdelay $0x4  }
0x370: {  	v18 =	vshll.u32 v17, $0x1  }
0x371: {  	v17 =	vand.u32 $0x7, v17;
	v18 =	vand.u32 $0xFFFFFFF0, v18  }
0x372: {  	v17 =	vor.u32 v17, v18  }
0x373: {  	v18 =	vperm.xlane v17, v2;
	_ =	sdelay $0x1  }
0x374: {  	v19 =	vperm.xlane v17, v1;
	v18 =	vadd.s32 v3, v18;
	_ =	sdelay $0x1  }
0x375: {  	v43 =	vperm.xlane v17, v4;
	v19 =	vadd.s32 v3, v19;
	_ =	sdelay $0x1  }
0x376: {  	s17 =	simm.s32 $0x4000;
	v44 =	vperm.xlane v17, v5;
	v20 =	vadd.s32 v3, v43  }
0x377: {  	[tilespmem:s17], [sflag:$0x1] =	stream.indirect_vreg.gather [hbm4b:s10+s5], $0x80, v18, vm0, $0xb8;
	[tilespmem:$0x1E100] =	vst v63  }
0x378: {  	v45 =	vperm.xlane v17, v6;
	v18 =	vadd.s32 v3, v44;
	s17 =	simm.s32 $0x4080  }
0x379: {  	[tilespmem:s17], [sflag:$0x1] =	stream.indirect_vreg.gather [hbm4b:s10+s5], $0x80, v19, vm0, $0xb8;
	[tilespmem:$0x1E100] =	vst v63  }
0x37a: {  	v46 =	vperm.xlane v17, v7;
	v19 =	vadd.s32 v3, v45;
	s17 =	simm.s32 $0x4100  }
0x37b: {  	[tilespmem:s17], [sflag:$0x1] =	stream.indirect_vreg.gather [hbm4b:s10+s5], $0x80, v20, vm0, $0xb8;
	[tilespmem:$0x1E100] =	vst v63  }
0x37c: {  	v48 =	vperm.xlane v17, v8;
	v47 =	vadd.s32 v3, v46;
	s17 =	simm.s32 $0x4180  }
0x37d: {  	[tilespmem:s17], [sflag:$0x1] =	stream.indirect_vreg.gather [hbm4b:s10+s5], $0x80, v18, vm0, $0xb8;
	[tilespmem:$0x1E100] =	vst v63  }
0x37e: {  	v49 =	vperm.xlane v17, v0;
	v18 =	vadd.s32 v3, v48;
	s17 =	simm.s32 $0x4200  }
0x37f: {  	[tilespmem:s17], [sflag:$0x1] =	stream.indirect_vreg.gather [hbm4b:s10+s5], $0x80, v19, vm0, $0xb8;
	[tilespmem:$0x1E100] =	vst v63  }
0x380: {  	v50 =	vperm.xlane v17, v9;
	v19 =	vadd.s32 v3, v49;
	s17 =	simm.s32 $0x4280  }
0x381: {  	[tilespmem:s17], [sflag:$0x1] =	stream.indirect_vreg.gather [hbm4b:s10+s5], $0x80, v47, vm0, $0xb8;
	[tilespmem:$0x1E100] =	vst v63  }
0x382: {  	v52 =	vperm.xlane v17, v10;
	v51 =	vadd.s32 v3, v50;
	s17 =	simm.s32 $0x4300  }
0x383: {  	[tilespmem:s17], [sflag:$0x1] =	stream.indirect_vreg.gather [hbm4b:s10+s5], $0x80, v18, vm0, $0xb8;
	[tilespmem:$0x1E100] =	vst v63  }
0x384: {  	v53 =	vperm.xlane v17, v11;
	v18 =	vadd.s32 v3, v52;
	s17 =	simm.s32 $0x4380  }
0x385: {  	[tilespmem:s17], [sflag:$0x1] =	stream.indirect_vreg.gather [hbm4b:s10+s5], $0x80, v19, vm0, $0xb8;
	[tilespmem:$0x1E100] =	vst v63  }
0x386: {  	v54 =	vperm.xlane v17, v12;
	v19 =	vadd.s32 v3, v53;
	s17 =	simm.s32 $0x4400  }
0x387: {  	[tilespmem:s17], [sflag:$0x1] =	stream.indirect_vreg.gather [hbm4b:s10+s5], $0x80, v51, vm0, $0xb8;
	[tilespmem:$0x1E100] =	vst v63  }
0x388: {  	v56 =	vperm.xlane v17, v13;
	v55 =	vadd.s32 v3, v54;
	s17 =	simm.s32 $0x4480  }
0x389: {  	[tilespmem:s17], [sflag:$0x1] =	stream.indirect_vreg.gather [hbm4b:s10+s5], $0x80, v18, vm0, $0xb8;
	[tilespmem:$0x1E100] =	vst v63  }
0x38a: {  	v57 =	vperm.xlane v17, v14;
	v18 =	vadd.s32 v3, v56;
	s17 =	simm.s32 $0x4500  }
0x38b: {  	[tilespmem:s17], [sflag:$0x1] =	stream.indirect_vreg.gather [hbm4b:s10+s5], $0x80, v19, vm0, $0xb8;
	[tilespmem:$0x1E100] =	vst v63  }
0x38c: {  	v58 =	vperm.xlane v17, v15;
	v19 =	vadd.s32 v3, v57;
	s17 =	simm.s32 $0x4580  }
0x38d: {  	[tilespmem:s17], [sflag:$0x1] =	stream.indirect_vreg.gather [hbm4b:s10+s5], $0x80, v55, vm0, $0xb8;
	[tilespmem:$0x1E100] =	vst v63  }
0x38e: {  	v17 =	vperm.xlane v17, v16;
	v59 =	vadd.s32 v3, v58;
	s17 =	simm.s32 $0x4600  }
0x38f: {  	[tilespmem:s17], [sflag:$0x1] =	stream.indirect_vreg.gather [hbm4b:s10+s5], $0x80, v18, vm0, $0xb8;
	[tilespmem:$0x1E100] =	vst v63  }
0x390: {  	v17 =	vadd.s32 v3, v17;
	s17 =	simm.s32 $0x4680  }
0x391: {  	[tilespmem:s17], [sflag:$0x1] =	stream.indirect_vreg.gather [hbm4b:s10+s5], $0x80, v19, vm0, $0xb8;
	[tilespmem:$0x1E100] =	vst v63  }
0x392: {  	s17 =	simm.s32 $0x4700  }
0x393: {  	[tilespmem:s17], [sflag:$0x1] =	stream.indirect_vreg.gather [hbm4b:s10+s5], $0x80, v59, vm0, $0xb8;
	[tilespmem:$0x1E100] =	vst v63  }
0x394: {  	s17 =	simm.s32 $0x4780  }
0x395: {  	[tilespmem:s17], [sflag:$0x1] =	stream.indirect_vreg.gather [hbm4b:s10+s5], $0x80, v17, vm0, $0xb8;
	[tilespmem:$0x1E100] =	vst v63  }
0x396: {  	s17 =	simm.s32 @!p2 $0x6  }
0x397: {  	_ =	swait.ge @!p2 [sflag:s17], $0x2000  }
0x398: {  	[sflag:s17] =	ssyncset.done @!p2 $0x0  }
0x399: {  	[sflag:s17] =	ssyncadd.s32 @!p2 $0xFFFFE000  }
0x39a: {  	v17 =	vld [tilespmem:s13+$0x80];
	_ =	sdelay $0x4  }
0x39b: {  	v18 =	vshll.u32 v17, $0x1  }
0x39c: {  	v17 =	vand.u32 $0x7, v17;
	v18 =	vand.u32 $0xFFFFFFF0, v18  }
0x39d: {  	v17 =	vor.u32 v17, v18  }
0x39e: {  	v18 =	vperm.xlane v17, v2;
	_ =	sdelay $0x1  }
0x39f: {  	v19 =	vperm.xlane v17, v1;
	v18 =	vadd.s32 v3, v18;
	_ =	sdelay $0x1  }
0x3a0: {  	v60 =	vperm.xlane v17, v4;
	v19 =	vadd.s32 v3, v19;
	_ =	sdelay $0x1  }
0x3a1: {  	v61 =	vperm.xlane v17, v5;
	v20 =	vadd.s32 v3, v60  }
0x3a2: {  	[tilespmem:s2], [sflag:$0x2] =	stream.indirect_vreg.gather [hbm4b:s10+s5], $0x80, v18, vm0, $0xb8;
	[tilespmem:$0x1E100] =	vst v63  }
0x3a3: {  	s17 =	simm.s32 $0x4880;
	v62 =	vperm.xlane v17, v6;
	v18 =	vadd.s32 v3, v61  }
0x3a4: {  	[tilespmem:s17], [sflag:$0x2] =	stream.indirect_vreg.gather [hbm4b:s10+s5], $0x80, v19, vm0, $0xb8;
	[tilespmem:$0x1E100] =	vst v63  }
0x3a5: {  	v63 =	vperm.xlane v17, v7;
	v19 =	vadd.s32 v3, v62;
	s17 =	simm.s32 $0x4900  }
0x3a6: {  	[tilespmem:s17], [sflag:$0x2] =	stream.indirect_vreg.gather [hbm4b:s10+s5], $0x80, v20, vm0, $0xb8;
	[tilespmem:$0x1E100] =	vst v63  }
0x3a7: {  	v25 =	vperm.xlane v17, v8;
	v24 =	vadd.s32 v3, v63;
	s17 =	simm.s32 $0x4980  }
0x3a8: {  	[tilespmem:s17], [sflag:$0x2] =	stream.indirect_vreg.gather [hbm4b:s10+s5], $0x80, v18, vm0, $0xb8;
	[tilespmem:$0x1E100] =	vst v63  }
0x3a9: {  	v26 =	vperm.xlane v17, v0;
	v18 =	vadd.s32 v3, v25;
	s17 =	simm.s32 $0x4A00  }
0x3aa: {  	[tilespmem:s17], [sflag:$0x2] =	stream.indirect_vreg.gather [hbm4b:s10+s5], $0x80, v19, vm0, $0xb8;
	[tilespmem:$0x1E100] =	vst v63  }
0x3ab: {  	v27 =	vperm.xlane v17, v9;
	v19 =	vadd.s32 v3, v26;
	s17 =	simm.s32 $0x4A80  }
0x3ac: {  	[tilespmem:s17], [sflag:$0x2] =	stream.indirect_vreg.gather [hbm4b:s10+s5], $0x80, v24, vm0, $0xb8;
	[tilespmem:$0x1E100] =	vst v63  }
0x3ad: {  	v29 =	vperm.xlane v17, v10;
	v28 =	vadd.s32 v3, v27;
	s17 =	simm.s32 $0x4B00  }
0x3ae: {  	[tilespmem:s17], [sflag:$0x2] =	stream.indirect_vreg.gather [hbm4b:s10+s5], $0x80, v18, vm0, $0xb8;
	[tilespmem:$0x1E100] =	vst v63  }
0x3af: {  	v30 =	vperm.xlane v17, v11;
	v18 =	vadd.s32 v3, v29;
	s17 =	simm.s32 $0x4B80  }
0x3b0: {  	[tilespmem:s17], [sflag:$0x2] =	stream.indirect_vreg.gather [hbm4b:s10+s5], $0x80, v19, vm0, $0xb8;
	[tilespmem:$0x1E100] =	vst v63  }
0x3b1: {  	v31 =	vperm.xlane v17, v12;
	v19 =	vadd.s32 v3, v30;
	s17 =	simm.s32 $0x4C00  }
0x3b2: {  	[tilespmem:s17], [sflag:$0x2] =	stream.indirect_vreg.gather [hbm4b:s10+s5], $0x80, v28, vm0, $0xb8;
	[tilespmem:$0x1E100] =	vst v63  }
0x3b3: {  	v33 =	vperm.xlane v17, v13;
	v32 =	vadd.s32 v3, v31;
	s17 =	simm.s32 $0x4C80  }
0x3b4: {  	[tilespmem:s17], [sflag:$0x2] =	stream.indirect_vreg.gather [hbm4b:s10+s5], $0x80, v18, vm0, $0xb8;
	[tilespmem:$0x1E100] =	vst v63  }
0x3b5: {  	v34 =	vperm.xlane v17, v14;
	v18 =	vadd.s32 v3, v33;
	s17 =	simm.s32 $0x4D00  }
0x3b6: {  	[tilespmem:s17], [sflag:$0x2] =	stream.indirect_vreg.gather [hbm4b:s10+s5], $0x80, v19, vm0, $0xb8;
	[tilespmem:$0x1E100] =	vst v63  }
0x3b7: {  	v35 =	vperm.xlane v17, v15;
	v19 =	vadd.s32 v3, v34;
	s17 =	simm.s32 $0x4D80  }
0x3b8: {  	[tilespmem:s17], [sflag:$0x2] =	stream.indirect_vreg.gather [hbm4b:s10+s5], $0x80, v32, vm0, $0xb8;
	[tilespmem:$0x1E100] =	vst v63  }
0x3b9: {  	v17 =	vperm.xlane v17, v16;
	v36 =	vadd.s32 v3, v35;
	s17 =	simm.s32 $0x4E00  }
0x3ba: {  	[tilespmem:s17], [sflag:$0x2] =	stream.indirect_vreg.gather [hbm4b:s10+s5], $0x80, v18, vm0, $0xb8;
	[tilespmem:$0x1E100] =	vst v63  }
0x3bb: {  	v17 =	vadd.s32 v3, v17;
	s17 =	simm.s32 $0x4E80  }
0x3bc: {  	[tilespmem:s17], [sflag:$0x2] =	stream.indirect_vreg.gather [hbm4b:s10+s5], $0x80, v19, vm0, $0xb8;
	[tilespmem:$0x1E100] =	vst v63  }
0x3bd: {  	s17 =	simm.s32 $0x4F00  }
0x3be: {  	[tilespmem:s17], [sflag:$0x2] =	stream.indirect_vreg.gather [hbm4b:s10+s5], $0x80, v36, vm0, $0xb8;
	[tilespmem:$0x1E100] =	vst v63  }
0x3bf: {  	s17 =	simm.s32 $0x4F80  }
0x3c0: {  	[tilespmem:s17], [sflag:$0x2] =	stream.indirect_vreg.gather [hbm4b:s10+s5], $0x80, v17, vm0, $0xb8;
	[tilespmem:$0x1E100] =	vst v63  }
0x3c1: {  	v17 =	vld [tilespmem:s13+$0x90];
	_ =	sdelay $0x4  }
0x3c2: {  	v18 =	vshll.u32 v17, $0x1  }
0x3c3: {  	v17 =	vand.u32 $0x7, v17;
	v18 =	vand.u32 $0xFFFFFFF0, v18  }
0x3c4: {  	v17 =	vor.u32 v17, v18  }
0x3c5: {  	v18 =	vperm.xlane v17, v2;
	_ =	sdelay $0x1  }
0x3c6: {  	v19 =	vperm.xlane v17, v1;
	v18 =	vadd.s32 v3, v18;
	_ =	sdelay $0x1  }
0x3c7: {  	v37 =	vperm.xlane v17, v4;
	v19 =	vadd.s32 v3, v19;
	_ =	sdelay $0x1  }
0x3c8: {  	s17 =	simm.s32 $0x5000;
	v38 =	vperm.xlane v17, v5;
	v20 =	vadd.s32 v3, v37  }
0x3c9: {  	[tilespmem:s17], [sflag:$0x2] =	stream.indirect_vreg.gather [hbm4b:s10+s5], $0x80, v18, vm0, $0xb8;
	[tilespmem:$0x1E100] =	vst v63  }
0x3ca: {  	v39 =	vperm.xlane v17, v6;
	v18 =	vadd.s32 v3, v38;
	s17 =	simm.s32 $0x5080  }
0x3cb: {  	[tilespmem:s17], [sflag:$0x2] =	stream.indirect_vreg.gather [hbm4b:s10+s5], $0x80, v19, vm0, $0xb8;
	[tilespmem:$0x1E100] =	vst v63  }
0x3cc: {  	v40 =	vperm.xlane v17, v7;
	v19 =	vadd.s32 v3, v39;
	s17 =	simm.s32 $0x5100  }
0x3cd: {  	[tilespmem:s17], [sflag:$0x2] =	stream.indirect_vreg.gather [hbm4b:s10+s5], $0x80, v20, vm0, $0xb8;
	[tilespmem:$0x1E100] =	vst v63  }
0x3ce: {  	v42 =	vperm.xlane v17, v8;
	v41 =	vadd.s32 v3, v40;
	s17 =	simm.s32 $0x5180  }
0x3cf: {  	[tilespmem:s17], [sflag:$0x2] =	stream.indirect_vreg.gather [hbm4b:s10+s5], $0x80, v18, vm0, $0xb8;
	[tilespmem:$0x1E100] =	vst v63  }
0x3d0: {  	v43 =	vperm.xlane v17, v0;
	v18 =	vadd.s32 v3, v42;
	s17 =	simm.s32 $0x5200  }
0x3d1: {  	[tilespmem:s17], [sflag:$0x2] =	stream.indirect_vreg.gather [hbm4b:s10+s5], $0x80, v19, vm0, $0xb8;
	[tilespmem:$0x1E100] =	vst v63  }
0x3d2: {  	v44 =	vperm.xlane v17, v9;
	v19 =	vadd.s32 v3, v43;
	s17 =	simm.s32 $0x5280  }
0x3d3: {  	[tilespmem:s17], [sflag:$0x2] =	stream.indirect_vreg.gather [hbm4b:s10+s5], $0x80, v41, vm0, $0xb8;
	[tilespmem:$0x1E100] =	vst v63  }
0x3d4: {  	v46 =	vperm.xlane v17, v10;
	v45 =	vadd.s32 v3, v44;
	s17 =	simm.s32 $0x5300  }
0x3d5: {  	[tilespmem:s17], [sflag:$0x2] =	stream.indirect_vreg.gather [hbm4b:s10+s5], $0x80, v18, vm0, $0xb8;
	[tilespmem:$0x1E100] =	vst v63  }
0x3d6: {  	v47 =	vperm.xlane v17, v11;
	v18 =	vadd.s32 v3, v46;
	s17 =	simm.s32 $0x5380  }
0x3d7: {  	[tilespmem:s17], [sflag:$0x2] =	stream.indirect_vreg.gather [hbm4b:s10+s5], $0x80, v19, vm0, $0xb8;
	[tilespmem:$0x1E100] =	vst v63  }
0x3d8: {  	v48 =	vperm.xlane v17, v12;
	v19 =	vadd.s32 v3, v47;
	s17 =	simm.s32 $0x5400  }
0x3d9: {  	[tilespmem:s17], [sflag:$0x2] =	stream.indirect_vreg.gather [hbm4b:s10+s5], $0x80, v45, vm0, $0xb8;
	[tilespmem:$0x1E100] =	vst v63  }
0x3da: {  	v50 =	vperm.xlane v17, v13;
	v49 =	vadd.s32 v3, v48;
	s17 =	simm.s32 $0x5480  }
0x3db: {  	[tilespmem:s17], [sflag:$0x2] =	stream.indirect_vreg.gather [hbm4b:s10+s5], $0x80, v18, vm0, $0xb8;
	[tilespmem:$0x1E100] =	vst v63  }
0x3dc: {  	v51 =	vperm.xlane v17, v14;
	v18 =	vadd.s32 v3, v50;
	s17 =	simm.s32 $0x5500  }
0x3dd: {  	[tilespmem:s17], [sflag:$0x2] =	stream.indirect_vreg.gather [hbm4b:s10+s5], $0x80, v19, vm0, $0xb8;
	[tilespmem:$0x1E100] =	vst v63  }
0x3de: {  	v52 =	vperm.xlane v17, v15;
	v19 =	vadd.s32 v3, v51;
	s17 =	simm.s32 $0x5580  }
0x3df: {  	[tilespmem:s17], [sflag:$0x2] =	stream.indirect_vreg.gather [hbm4b:s10+s5], $0x80, v49, vm0, $0xb8;
	[tilespmem:$0x1E100] =	vst v63  }
0x3e0: {  	v17 =	vperm.xlane v17, v16;
	v53 =	vadd.s32 v3, v52;
	s17 =	simm.s32 $0x5600  }
0x3e1: {  	[tilespmem:s17], [sflag:$0x2] =	stream.indirect_vreg.gather [hbm4b:s10+s5], $0x80, v18, vm0, $0xb8;
	[tilespmem:$0x1E100] =	vst v63  }
0x3e2: {  	v17 =	vadd.s32 v3, v17;
	s17 =	simm.s32 $0x5680  }
0x3e3: {  	[tilespmem:s17], [sflag:$0x2] =	stream.indirect_vreg.gather [hbm4b:s10+s5], $0x80, v19, vm0, $0xb8;
	[tilespmem:$0x1E100] =	vst v63  }
0x3e4: {  	s17 =	simm.s32 $0x5700  }
0x3e5: {  	[tilespmem:s17], [sflag:$0x2] =	stream.indirect_vreg.gather [hbm4b:s10+s5], $0x80, v53, vm0, $0xb8;
	[tilespmem:$0x1E100] =	vst v63  }
0x3e6: {  	s17 =	simm.s32 $0x5780  }
0x3e7: {  	[tilespmem:s17], [sflag:$0x2] =	stream.indirect_vreg.gather [hbm4b:s10+s5], $0x80, v17, vm0, $0xb8;
	[tilespmem:$0x1E100] =	vst v63  }
0x3e8: {  	v17 =	vld [tilespmem:s13+$0xA0];
	_ =	sdelay $0x4  }
0x3e9: {  	v18 =	vshll.u32 v17, $0x1  }
0x3ea: {  	v17 =	vand.u32 $0x7, v17;
	v18 =	vand.u32 $0xFFFFFFF0, v18  }
0x3eb: {  	v17 =	vor.u32 v17, v18  }
0x3ec: {  	v18 =	vperm.xlane v17, v2;
	_ =	sdelay $0x1  }
0x3ed: {  	v19 =	vperm.xlane v17, v1;
	v18 =	vadd.s32 v3, v18;
	_ =	sdelay $0x1  }
0x3ee: {  	v54 =	vperm.xlane v17, v4;
	v19 =	vadd.s32 v3, v19;
	_ =	sdelay $0x1  }
0x3ef: {  	s17 =	simm.s32 $0x5800;
	v55 =	vperm.xlane v17, v5;
	v20 =	vadd.s32 v3, v54  }
0x3f0: {  	[tilespmem:s17], [sflag:$0x2] =	stream.indirect_vreg.gather [hbm4b:s10+s5], $0x80, v18, vm0, $0xb8;
	[tilespmem:$0x1E100] =	vst v63  }
0x3f1: {  	v56 =	vperm.xlane v17, v6;
	v18 =	vadd.s32 v3, v55;
	s17 =	simm.s32 $0x5880  }
0x3f2: {  	[tilespmem:s17], [sflag:$0x2] =	stream.indirect_vreg.gather [hbm4b:s10+s5], $0x80, v19, vm0, $0xb8;
	[tilespmem:$0x1E100] =	vst v63  }
0x3f3: {  	v57 =	vperm.xlane v17, v7;
	v19 =	vadd.s32 v3, v56;
	s17 =	simm.s32 $0x5900  }
0x3f4: {  	[tilespmem:s17], [sflag:$0x2] =	stream.indirect_vreg.gather [hbm4b:s10+s5], $0x80, v20, vm0, $0xb8;
	[tilespmem:$0x1E100] =	vst v63  }
0x3f5: {  	v59 =	vperm.xlane v17, v8;
	v58 =	vadd.s32 v3, v57;
	s17 =	simm.s32 $0x5980  }
0x3f6: {  	[tilespmem:s17], [sflag:$0x2] =	stream.indirect_vreg.gather [hbm4b:s10+s5], $0x80, v18, vm0, $0xb8;
	[tilespmem:$0x1E100] =	vst v63  }
0x3f7: {  	v60 =	vperm.xlane v17, v0;
	v18 =	vadd.s32 v3, v59;
	s17 =	simm.s32 $0x5A00  }
0x3f8: {  	[tilespmem:s17], [sflag:$0x2] =	stream.indirect_vreg.gather [hbm4b:s10+s5], $0x80, v19, vm0, $0xb8;
	[tilespmem:$0x1E100] =	vst v63  }
0x3f9: {  	v61 =	vperm.xlane v17, v9;
	v19 =	vadd.s32 v3, v60;
	s17 =	simm.s32 $0x5A80  }
0x3fa: {  	[tilespmem:s17], [sflag:$0x2] =	stream.indirect_vreg.gather [hbm4b:s10+s5], $0x80, v58, vm0, $0xb8;
	[tilespmem:$0x1E100] =	vst v63  }
0x3fb: {  	v63 =	vperm.xlane v17, v10;
	v62 =	vadd.s32 v3, v61;
	s17 =	simm.s32 $0x5B00  }
0x3fc: {  	[tilespmem:s17], [sflag:$0x2] =	stream.indirect_vreg.gather [hbm4b:s10+s5], $0x80, v18, vm0, $0xb8;
	[tilespmem:$0x1E100] =	vst v63  }
0x3fd: {  	v24 =	vperm.xlane v17, v11;
	v18 =	vadd.s32 v3, v63;
	s17 =	simm.s32 $0x5B80  }
0x3fe: {  	[tilespmem:s17], [sflag:$0x2] =	stream.indirect_vreg.gather [hbm4b:s10+s5], $0x80, v19, vm0, $0xb8;
	[tilespmem:$0x1E100] =	vst v63  }
0x3ff: {  	v25 =	vperm.xlane v17, v12;
	v19 =	vadd.s32 v3, v24;
	s17 =	simm.s32 $0x5C00  }
0x400: {  	[tilespmem:s17], [sflag:$0x2] =	stream.indirect_vreg.gather [hbm4b:s10+s5], $0x80, v62, vm0, $0xb8;
	[tilespmem:$0x1E100] =	vst v63  }
0x401: {  	v27 =	vperm.xlane v17, v13;
	v26 =	vadd.s32 v3, v25;
	s17 =	simm.s32 $0x5C80  }
0x402: {  	[tilespmem:s17], [sflag:$0x2] =	stream.indirect_vreg.gather [hbm4b:s10+s5], $0x80, v18, vm0, $0xb8;
	[tilespmem:$0x1E100] =	vst v63  }
0x403: {  	v28 =	vperm.xlane v17, v14;
	v18 =	vadd.s32 v3, v27;
	s17 =	simm.s32 $0x5D00  }
0x404: {  	[tilespmem:s17], [sflag:$0x2] =	stream.indirect_vreg.gather [hbm4b:s10+s5], $0x80, v19, vm0, $0xb8;
	[tilespmem:$0x1E100] =	vst v63  }
0x405: {  	v29 =	vperm.xlane v17, v15;
	v19 =	vadd.s32 v3, v28;
	s17 =	simm.s32 $0x5D80  }
0x406: {  	[tilespmem:s17], [sflag:$0x2] =	stream.indirect_vreg.gather [hbm4b:s10+s5], $0x80, v26, vm0, $0xb8;
	[tilespmem:$0x1E100] =	vst v63  }
0x407: {  	v17 =	vperm.xlane v17, v16;
	v30 =	vadd.s32 v3, v29;
	s17 =	simm.s32 $0x5E00  }
0x408: {  	[tilespmem:s17], [sflag:$0x2] =	stream.indirect_vreg.gather [hbm4b:s10+s5], $0x80, v18, vm0, $0xb8;
	[tilespmem:$0x1E100] =	vst v63  }
0x409: {  	v17 =	vadd.s32 v3, v17;
	s17 =	simm.s32 $0x5E80  }
0x40a: {  	[tilespmem:s17], [sflag:$0x2] =	stream.indirect_vreg.gather [hbm4b:s10+s5], $0x80, v19, vm0, $0xb8;
	[tilespmem:$0x1E100] =	vst v63  }
0x40b: {  	s17 =	simm.s32 $0x5F00  }
0x40c: {  	[tilespmem:s17], [sflag:$0x2] =	stream.indirect_vreg.gather [hbm4b:s10+s5], $0x80, v30, vm0, $0xb8;
	[tilespmem:$0x1E100] =	vst v63  }
0x40d: {  	s17 =	simm.s32 $0x5F80  }
0x40e: {  	[tilespmem:s17], [sflag:$0x2] =	stream.indirect_vreg.gather [hbm4b:s10+s5], $0x80, v17, vm0, $0xb8;
	[tilespmem:$0x1E100] =	vst v63  }
0x40f: {  	v17 =	vld [tilespmem:s13+$0xB0];
	_ =	sdelay $0x4  }
0x410: {  	v18 =	vshll.u32 v17, $0x1  }
0x411: {  	v17 =	vand.u32 $0x7, v17;
	v18 =	vand.u32 $0xFFFFFFF0, v18  }
0x412: {  	v17 =	vor.u32 v17, v18  }
0x413: {  	v18 =	vperm.xlane v17, v2;
	_ =	sdelay $0x1  }
0x414: {  	v19 =	vperm.xlane v17, v1;
	v18 =	vadd.s32 v3, v18;
	_ =	sdelay $0x1  }
0x415: {  	v31 =	vperm.xlane v17, v4;
	v19 =	vadd.s32 v3, v19;
	_ =	sdelay $0x1  }
0x416: {  	s17 =	simm.s32 $0x6000;
	v32 =	vperm.xlane v17, v5;
	v20 =	vadd.s32 v3, v31  }
0x417: {  	[tilespmem:s17], [sflag:$0x2] =	stream.indirect_vreg.gather [hbm4b:s10+s5], $0x80, v18, vm0, $0xb8;
	[tilespmem:$0x1E100] =	vst v63  }
0x418: {  	v33 =	vperm.xlane v17, v6;
	v18 =	vadd.s32 v3, v32;
	s17 =	simm.s32 $0x6080  }
0x419: {  	[tilespmem:s17], [sflag:$0x2] =	stream.indirect_vreg.gather [hbm4b:s10+s5], $0x80, v19, vm0, $0xb8;
	[tilespmem:$0x1E100] =	vst v63  }
0x41a: {  	v34 =	vperm.xlane v17, v7;
	v19 =	vadd.s32 v3, v33;
	s17 =	simm.s32 $0x6100  }
0x41b: {  	[tilespmem:s17], [sflag:$0x2] =	stream.indirect_vreg.gather [hbm4b:s10+s5], $0x80, v20, vm0, $0xb8;
	[tilespmem:$0x1E100] =	vst v63  }
0x41c: {  	v36 =	vperm.xlane v17, v8;
	v35 =	vadd.s32 v3, v34;
	s17 =	simm.s32 $0x6180  }
0x41d: {  	[tilespmem:s17], [sflag:$0x2] =	stream.indirect_vreg.gather [hbm4b:s10+s5], $0x80, v18, vm0, $0xb8;
	[tilespmem:$0x1E100] =	vst v63  }
0x41e: {  	v37 =	vperm.xlane v17, v0;
	v18 =	vadd.s32 v3, v36;
	s17 =	simm.s32 $0x6200  }
0x41f: {  	[tilespmem:s17], [sflag:$0x2] =	stream.indirect_vreg.gather [hbm4b:s10+s5], $0x80, v19, vm0, $0xb8;
	[tilespmem:$0x1E100] =	vst v63  }
0x420: {  	v38 =	vperm.xlane v17, v9;
	v19 =	vadd.s32 v3, v37;
	s17 =	simm.s32 $0x6280  }
0x421: {  	[tilespmem:s17], [sflag:$0x2] =	stream.indirect_vreg.gather [hbm4b:s10+s5], $0x80, v35, vm0, $0xb8;
	[tilespmem:$0x1E100] =	vst v63  }
0x422: {  	v40 =	vperm.xlane v17, v10;
	v39 =	vadd.s32 v3, v38;
	s17 =	simm.s32 $0x6300  }
0x423: {  	[tilespmem:s17], [sflag:$0x2] =	stream.indirect_vreg.gather [hbm4b:s10+s5], $0x80, v18, vm0, $0xb8;
	[tilespmem:$0x1E100] =	vst v63  }
0x424: {  	v41 =	vperm.xlane v17, v11;
	v18 =	vadd.s32 v3, v40;
	s17 =	simm.s32 $0x6380  }
0x425: {  	[tilespmem:s17], [sflag:$0x2] =	stream.indirect_vreg.gather [hbm4b:s10+s5], $0x80, v19, vm0, $0xb8;
	[tilespmem:$0x1E100] =	vst v63  }
0x426: {  	v42 =	vperm.xlane v17, v12;
	v19 =	vadd.s32 v3, v41;
	s17 =	simm.s32 $0x6400  }
0x427: {  	[tilespmem:s17], [sflag:$0x2] =	stream.indirect_vreg.gather [hbm4b:s10+s5], $0x80, v39, vm0, $0xb8;
	[tilespmem:$0x1E100] =	vst v63  }
0x428: {  	v44 =	vperm.xlane v17, v13;
	v43 =	vadd.s32 v3, v42;
	s17 =	simm.s32 $0x6480  }
0x429: {  	[tilespmem:s17], [sflag:$0x2] =	stream.indirect_vreg.gather [hbm4b:s10+s5], $0x80, v18, vm0, $0xb8;
	[tilespmem:$0x1E100] =	vst v63  }
0x42a: {  	v45 =	vperm.xlane v17, v14;
	v18 =	vadd.s32 v3, v44;
	s17 =	simm.s32 $0x6500  }
0x42b: {  	[tilespmem:s17], [sflag:$0x2] =	stream.indirect_vreg.gather [hbm4b:s10+s5], $0x80, v19, vm0, $0xb8;
	[tilespmem:$0x1E100] =	vst v63  }
0x42c: {  	v46 =	vperm.xlane v17, v15;
	v19 =	vadd.s32 v3, v45;
	s17 =	simm.s32 $0x6580  }
0x42d: {  	[tilespmem:s17], [sflag:$0x2] =	stream.indirect_vreg.gather [hbm4b:s10+s5], $0x80, v43, vm0, $0xb8;
	[tilespmem:$0x1E100] =	vst v63  }
0x42e: {  	v17 =	vperm.xlane v17, v16;
	v47 =	vadd.s32 v3, v46;
	s17 =	simm.s32 $0x6600  }
0x42f: {  	[tilespmem:s17], [sflag:$0x2] =	stream.indirect_vreg.gather [hbm4b:s10+s5], $0x80, v18, vm0, $0xb8;
	[tilespmem:$0x1E100] =	vst v63  }
0x430: {  	v17 =	vadd.s32 v3, v17;
	s17 =	simm.s32 $0x6680  }
0x431: {  	[tilespmem:s17], [sflag:$0x2] =	stream.indirect_vreg.gather [hbm4b:s10+s5], $0x80, v19, vm0, $0xb8;
	[tilespmem:$0x1E100] =	vst v63  }
0x432: {  	s17 =	simm.s32 $0x6700  }
0x433: {  	[tilespmem:s17], [sflag:$0x2] =	stream.indirect_vreg.gather [hbm4b:s10+s5], $0x80, v47, vm0, $0xb8;
	[tilespmem:$0x1E100] =	vst v63  }
0x434: {  	s17 =	simm.s32 $0x6780  }
0x435: {  	[tilespmem:s17], [sflag:$0x2] =	stream.indirect_vreg.gather [hbm4b:s10+s5], $0x80, v17, vm0, $0xb8;
	[tilespmem:$0x1E100] =	vst v63  }
0x436: {  	s17 =	simm.s32 @!p2 $0x7  }
0x437: {  	_ =	swait.ge @!p2 [sflag:s17], $0x2000  }
0x438: {  	[sflag:s17] =	ssyncset.done @!p2 $0x0  }
0x439: {  	[sflag:s17] =	ssyncadd.s32 @!p2 $0xFFFFE000  }
0x43a: {  	v17 =	vld [tilespmem:s13+$0x100];
	_ =	sdelay $0x4  }
0x43b: {  	v18 =	vshll.u32 v17, $0x1  }
0x43c: {  	v17 =	vand.u32 $0x7, v17;
	v18 =	vand.u32 $0xFFFFFFF0, v18  }
0x43d: {  	v17 =	vor.u32 v17, v18  }
0x43e: {  	v18 =	vperm.xlane v17, v2;
	_ =	sdelay $0x1  }
0x43f: {  	v19 =	vperm.xlane v17, v1;
	v18 =	vadd.s32 v3, v18;
	_ =	sdelay $0x1  }
0x440: {  	v48 =	vperm.xlane v17, v4;
	v19 =	vadd.s32 v3, v19;
	_ =	sdelay $0x1  }
0x441: {  	v49 =	vperm.xlane v17, v5;
	v20 =	vadd.s32 v3, v48  }
0x442: {  	[tilespmem:s19], [sflag:$0x3] =	stream.indirect_vreg.gather [hbm4b:s10+s5], $0x80, v18, vm0, $0xb8;
	[tilespmem:$0x1E100] =	vst v63  }
0x443: {  	s17 =	simm.s32 $0x6880;
	v50 =	vperm.xlane v17, v6;
	v18 =	vadd.s32 v3, v49  }
0x444: {  	[tilespmem:s17], [sflag:$0x3] =	stream.indirect_vreg.gather [hbm4b:s10+s5], $0x80, v19, vm0, $0xb8;
	[tilespmem:$0x1E100] =	vst v63  }
0x445: {  	v51 =	vperm.xlane v17, v7;
	v19 =	vadd.s32 v3, v50;
	s17 =	simm.s32 $0x6900  }
0x446: {  	[tilespmem:s17], [sflag:$0x3] =	stream.indirect_vreg.gather [hbm4b:s10+s5], $0x80, v20, vm0, $0xb8;
	[tilespmem:$0x1E100] =	vst v63  }
0x447: {  	v53 =	vperm.xlane v17, v8;
	v52 =	vadd.s32 v3, v51;
	s17 =	simm.s32 $0x6980  }
0x448: {  	[tilespmem:s17], [sflag:$0x3] =	stream.indirect_vreg.gather [hbm4b:s10+s5], $0x80, v18, vm0, $0xb8;
	[tilespmem:$0x1E100] =	vst v63  }
0x449: {  	v54 =	vperm.xlane v17, v0;
	v18 =	vadd.s32 v3, v53;
	s17 =	simm.s32 $0x6A00  }
0x44a: {  	[tilespmem:s17], [sflag:$0x3] =	stream.indirect_vreg.gather [hbm4b:s10+s5], $0x80, v19, vm0, $0xb8;
	[tilespmem:$0x1E100] =	vst v63  }
0x44b: {  	v55 =	vperm.xlane v17, v9;
	v19 =	vadd.s32 v3, v54;
	s17 =	simm.s32 $0x6A80  }
0x44c: {  	[tilespmem:s17], [sflag:$0x3] =	stream.indirect_vreg.gather [hbm4b:s10+s5], $0x80, v52, vm0, $0xb8;
	[tilespmem:$0x1E100] =	vst v63  }
0x44d: {  	v57 =	vperm.xlane v17, v10;
	v56 =	vadd.s32 v3, v55;
	s17 =	simm.s32 $0x6B00  }
0x44e: {  	[tilespmem:s17], [sflag:$0x3] =	stream.indirect_vreg.gather [hbm4b:s10+s5], $0x80, v18, vm0, $0xb8;
	[tilespmem:$0x1E100] =	vst v63  }
0x44f: {  	v58 =	vperm.xlane v17, v11;
	v18 =	vadd.s32 v3, v57;
	s17 =	simm.s32 $0x6B80  }
0x450: {  	[tilespmem:s17], [sflag:$0x3] =	stream.indirect_vreg.gather [hbm4b:s10+s5], $0x80, v19, vm0, $0xb8;
	[tilespmem:$0x1E100] =	vst v63  }
0x451: {  	v59 =	vperm.xlane v17, v12;
	v19 =	vadd.s32 v3, v58;
	s17 =	simm.s32 $0x6C00  }
0x452: {  	[tilespmem:s17], [sflag:$0x3] =	stream.indirect_vreg.gather [hbm4b:s10+s5], $0x80, v56, vm0, $0xb8;
	[tilespmem:$0x1E100] =	vst v63  }
0x453: {  	v61 =	vperm.xlane v17, v13;
	v60 =	vadd.s32 v3, v59;
	s17 =	simm.s32 $0x6C80  }
0x454: {  	[tilespmem:s17], [sflag:$0x3] =	stream.indirect_vreg.gather [hbm4b:s10+s5], $0x80, v18, vm0, $0xb8;
	[tilespmem:$0x1E100] =	vst v63  }
0x455: {  	v62 =	vperm.xlane v17, v14;
	v18 =	vadd.s32 v3, v61;
	s17 =	simm.s32 $0x6D00  }
0x456: {  	[tilespmem:s17], [sflag:$0x3] =	stream.indirect_vreg.gather [hbm4b:s10+s5], $0x80, v19, vm0, $0xb8;
	[tilespmem:$0x1E100] =	vst v63  }
0x457: {  	v63 =	vperm.xlane v17, v15;
	v19 =	vadd.s32 v3, v62;
	s17 =	simm.s32 $0x6D80  }
0x458: {  	[tilespmem:s17], [sflag:$0x3] =	stream.indirect_vreg.gather [hbm4b:s10+s5], $0x80, v60, vm0, $0xb8;
	[tilespmem:$0x1E100] =	vst v63  }
0x459: {  	v17 =	vperm.xlane v17, v16;
	v24 =	vadd.s32 v3, v63;
	s17 =	simm.s32 $0x6E00  }
0x45a: {  	[tilespmem:s17], [sflag:$0x3] =	stream.indirect_vreg.gather [hbm4b:s10+s5], $0x80, v18, vm0, $0xb8;
	[tilespmem:$0x1E100] =	vst v63  }
0x45b: {  	v17 =	vadd.s32 v3, v17;
	s17 =	simm.s32 $0x6E80  }
0x45c: {  	[tilespmem:s17], [sflag:$0x3] =	stream.indirect_vreg.gather [hbm4b:s10+s5], $0x80, v19, vm0, $0xb8;
	[tilespmem:$0x1E100] =	vst v63  }
0x45d: {  	s17 =	simm.s32 $0x6F00  }
0x45e: {  	[tilespmem:s17], [sflag:$0x3] =	stream.indirect_vreg.gather [hbm4b:s10+s5], $0x80, v24, vm0, $0xb8;
	[tilespmem:$0x1E100] =	vst v63  }
0x45f: {  	s17 =	simm.s32 $0x6F80  }
0x460: {  	[tilespmem:s17], [sflag:$0x3] =	stream.indirect_vreg.gather [hbm4b:s10+s5], $0x80, v17, vm0, $0xb8;
	[tilespmem:$0x1E100] =	vst v63  }
0x461: {  	v17 =	vld [tilespmem:s13+$0x110];
	_ =	sdelay $0x4  }
0x462: {  	v18 =	vshll.u32 v17, $0x1  }
0x463: {  	v17 =	vand.u32 $0x7, v17;
	v18 =	vand.u32 $0xFFFFFFF0, v18  }
0x464: {  	v17 =	vor.u32 v17, v18  }
0x465: {  	v18 =	vperm.xlane v17, v2;
	_ =	sdelay $0x1  }
0x466: {  	v19 =	vperm.xlane v17, v1;
	v18 =	vadd.s32 v3, v18;
	_ =	sdelay $0x1  }
0x467: {  	v25 =	vperm.xlane v17, v4;
	v19 =	vadd.s32 v3, v19;
	_ =	sdelay $0x1  }
0x468: {  	s17 =	simm.s32 $0x7000;
	v26 =	vperm.xlane v17, v5;
	v20 =	vadd.s32 v3, v25  }
0x469: {  	[tilespmem:s17], [sflag:$0x3] =	stream.indirect_vreg.gather [hbm4b:s10+s5], $0x80, v18, vm0, $0xb8;
	[tilespmem:$0x1E100] =	vst v63  }
0x46a: {  	v27 =	vperm.xlane v17, v6;
	v18 =	vadd.s32 v3, v26;
	s17 =	simm.s32 $0x7080  }
0x46b: {  	[tilespmem:s17], [sflag:$0x3] =	stream.indirect_vreg.gather [hbm4b:s10+s5], $0x80, v19, vm0, $0xb8;
	[tilespmem:$0x1E100] =	vst v63  }
0x46c: {  	v28 =	vperm.xlane v17, v7;
	v19 =	vadd.s32 v3, v27;
	s17 =	simm.s32 $0x7100  }
0x46d: {  	[tilespmem:s17], [sflag:$0x3] =	stream.indirect_vreg.gather [hbm4b:s10+s5], $0x80, v20, vm0, $0xb8;
	[tilespmem:$0x1E100] =	vst v63  }
0x46e: {  	v30 =	vperm.xlane v17, v8;
	v29 =	vadd.s32 v3, v28;
	s17 =	simm.s32 $0x7180  }
0x46f: {  	[tilespmem:s17], [sflag:$0x3] =	stream.indirect_vreg.gather [hbm4b:s10+s5], $0x80, v18, vm0, $0xb8;
	[tilespmem:$0x1E100] =	vst v63  }
0x470: {  	v31 =	vperm.xlane v17, v0;
	v18 =	vadd.s32 v3, v30;
	s17 =	simm.s32 $0x7200  }
0x471: {  	[tilespmem:s17], [sflag:$0x3] =	stream.indirect_vreg.gather [hbm4b:s10+s5], $0x80, v19, vm0, $0xb8;
	[tilespmem:$0x1E100] =	vst v63  }
0x472: {  	v32 =	vperm.xlane v17, v9;
	v19 =	vadd.s32 v3, v31;
	s17 =	simm.s32 $0x7280  }
0x473: {  	[tilespmem:s17], [sflag:$0x3] =	stream.indirect_vreg.gather [hbm4b:s10+s5], $0x80, v29, vm0, $0xb8;
	[tilespmem:$0x1E100] =	vst v63  }
0x474: {  	v34 =	vperm.xlane v17, v10;
	v33 =	vadd.s32 v3, v32;
	s17 =	simm.s32 $0x7300  }
0x475: {  	[tilespmem:s17], [sflag:$0x3] =	stream.indirect_vreg.gather [hbm4b:s10+s5], $0x80, v18, vm0, $0xb8;
	[tilespmem:$0x1E100] =	vst v63  }
0x476: {  	v35 =	vperm.xlane v17, v11;
	v18 =	vadd.s32 v3, v34;
	s17 =	simm.s32 $0x7380  }
0x477: {  	[tilespmem:s17], [sflag:$0x3] =	stream.indirect_vreg.gather [hbm4b:s10+s5], $0x80, v19, vm0, $0xb8;
	[tilespmem:$0x1E100] =	vst v63  }
0x478: {  	v36 =	vperm.xlane v17, v12;
	v19 =	vadd.s32 v3, v35;
	s17 =	simm.s32 $0x7400  }
0x479: {  	[tilespmem:s17], [sflag:$0x3] =	stream.indirect_vreg.gather [hbm4b:s10+s5], $0x80, v33, vm0, $0xb8;
	[tilespmem:$0x1E100] =	vst v63  }
0x47a: {  	v38 =	vperm.xlane v17, v13;
	v37 =	vadd.s32 v3, v36;
	s17 =	simm.s32 $0x7480  }
0x47b: {  	[tilespmem:s17], [sflag:$0x3] =	stream.indirect_vreg.gather [hbm4b:s10+s5], $0x80, v18, vm0, $0xb8;
	[tilespmem:$0x1E100] =	vst v63  }
0x47c: {  	v39 =	vperm.xlane v17, v14;
	v18 =	vadd.s32 v3, v38;
	s17 =	simm.s32 $0x7500  }
0x47d: {  	[tilespmem:s17], [sflag:$0x3] =	stream.indirect_vreg.gather [hbm4b:s10+s5], $0x80, v19, vm0, $0xb8;
	[tilespmem:$0x1E100] =	vst v63  }
0x47e: {  	v40 =	vperm.xlane v17, v15;
	v19 =	vadd.s32 v3, v39;
	s17 =	simm.s32 $0x7580  }
0x47f: {  	[tilespmem:s17], [sflag:$0x3] =	stream.indirect_vreg.gather [hbm4b:s10+s5], $0x80, v37, vm0, $0xb8;
	[tilespmem:$0x1E100] =	vst v63  }
0x480: {  	v17 =	vperm.xlane v17, v16;
	v41 =	vadd.s32 v3, v40;
	s17 =	simm.s32 $0x7600  }
0x481: {  	[tilespmem:s17], [sflag:$0x3] =	stream.indirect_vreg.gather [hbm4b:s10+s5], $0x80, v18, vm0, $0xb8;
	[tilespmem:$0x1E100] =	vst v63  }
0x482: {  	v17 =	vadd.s32 v3, v17;
	s17 =	simm.s32 $0x7680  }
0x483: {  	[tilespmem:s17], [sflag:$0x3] =	stream.indirect_vreg.gather [hbm4b:s10+s5], $0x80, v19, vm0, $0xb8;
	[tilespmem:$0x1E100] =	vst v63  }
0x484: {  	s17 =	simm.s32 $0x7700  }
0x485: {  	[tilespmem:s17], [sflag:$0x3] =	stream.indirect_vreg.gather [hbm4b:s10+s5], $0x80, v41, vm0, $0xb8;
	[tilespmem:$0x1E100] =	vst v63  }
0x486: {  	s17 =	simm.s32 $0x7780  }
0x487: {  	[tilespmem:s17], [sflag:$0x3] =	stream.indirect_vreg.gather [hbm4b:s10+s5], $0x80, v17, vm0, $0xb8;
	[tilespmem:$0x1E100] =	vst v63  }
0x488: {  	v17 =	vld [tilespmem:s13+$0x120];
	_ =	sdelay $0x4  }
0x489: {  	v18 =	vshll.u32 v17, $0x1  }
0x48a: {  	v17 =	vand.u32 $0x7, v17;
	v18 =	vand.u32 $0xFFFFFFF0, v18  }
0x48b: {  	v17 =	vor.u32 v17, v18  }
0x48c: {  	v18 =	vperm.xlane v17, v2;
	_ =	sdelay $0x1  }
0x48d: {  	v19 =	vperm.xlane v17, v1;
	v18 =	vadd.s32 v3, v18;
	_ =	sdelay $0x1  }
0x48e: {  	v42 =	vperm.xlane v17, v4;
	v19 =	vadd.s32 v3, v19;
	_ =	sdelay $0x1  }
0x48f: {  	s17 =	simm.s32 $0x7800;
	v43 =	vperm.xlane v17, v5;
	v20 =	vadd.s32 v3, v42  }
0x490: {  	[tilespmem:s17], [sflag:$0x3] =	stream.indirect_vreg.gather [hbm4b:s10+s5], $0x80, v18, vm0, $0xb8;
	[tilespmem:$0x1E100] =	vst v63  }
0x491: {  	v44 =	vperm.xlane v17, v6;
	v18 =	vadd.s32 v3, v43;
	s17 =	simm.s32 $0x7880  }
0x492: {  	[tilespmem:s17], [sflag:$0x3] =	stream.indirect_vreg.gather [hbm4b:s10+s5], $0x80, v19, vm0, $0xb8;
	[tilespmem:$0x1E100] =	vst v63  }
0x493: {  	v45 =	vperm.xlane v17, v7;
	v19 =	vadd.s32 v3, v44;
	s17 =	simm.s32 $0x7900  }
0x494: {  	[tilespmem:s17], [sflag:$0x3] =	stream.indirect_vreg.gather [hbm4b:s10+s5], $0x80, v20, vm0, $0xb8;
	[tilespmem:$0x1E100] =	vst v63  }
0x495: {  	v47 =	vperm.xlane v17, v8;
	v46 =	vadd.s32 v3, v45;
	s17 =	simm.s32 $0x7980  }
0x496: {  	[tilespmem:s17], [sflag:$0x3] =	stream.indirect_vreg.gather [hbm4b:s10+s5], $0x80, v18, vm0, $0xb8;
	[tilespmem:$0x1E100] =	vst v63  }
0x497: {  	v48 =	vperm.xlane v17, v0;
	v18 =	vadd.s32 v3, v47;
	s17 =	simm.s32 $0x7A00  }
0x498: {  	[tilespmem:s17], [sflag:$0x3] =	stream.indirect_vreg.gather [hbm4b:s10+s5], $0x80, v19, vm0, $0xb8;
	[tilespmem:$0x1E100] =	vst v63  }
0x499: {  	v49 =	vperm.xlane v17, v9;
	v19 =	vadd.s32 v3, v48;
	s17 =	simm.s32 $0x7A80  }
0x49a: {  	[tilespmem:s17], [sflag:$0x3] =	stream.indirect_vreg.gather [hbm4b:s10+s5], $0x80, v46, vm0, $0xb8;
	[tilespmem:$0x1E100] =	vst v63  }
0x49b: {  	v51 =	vperm.xlane v17, v10;
	v50 =	vadd.s32 v3, v49;
	s17 =	simm.s32 $0x7B00  }
0x49c: {  	[tilespmem:s17], [sflag:$0x3] =	stream.indirect_vreg.gather [hbm4b:s10+s5], $0x80, v18, vm0, $0xb8;
	[tilespmem:$0x1E100] =	vst v63  }
0x49d: {  	v52 =	vperm.xlane v17, v11;
	v18 =	vadd.s32 v3, v51;
	s17 =	simm.s32 $0x7B80  }
0x49e: {  	[tilespmem:s17], [sflag:$0x3] =	stream.indirect_vreg.gather [hbm4b:s10+s5], $0x80, v19, vm0, $0xb8;
	[tilespmem:$0x1E100] =	vst v63  }
0x49f: {  	v53 =	vperm.xlane v17, v12;
	v19 =	vadd.s32 v3, v52;
	s17 =	simm.s32 $0x7C00  }
0x4a0: {  	[tilespmem:s17], [sflag:$0x3] =	stream.indirect_vreg.gather [hbm4b:s10+s5], $0x80, v50, vm0, $0xb8;
	[tilespmem:$0x1E100] =	vst v63  }
0x4a1: {  	v55 =	vperm.xlane v17, v13;
	v54 =	vadd.s32 v3, v53;
	s17 =	simm.s32 $0x7C80  }
0x4a2: {  	[tilespmem:s17], [sflag:$0x3] =	stream.indirect_vreg.gather [hbm4b:s10+s5], $0x80, v18, vm0, $0xb8;
	[tilespmem:$0x1E100] =	vst v63  }
0x4a3: {  	v56 =	vperm.xlane v17, v14;
	v18 =	vadd.s32 v3, v55;
	s17 =	simm.s32 $0x7D00  }
0x4a4: {  	[tilespmem:s17], [sflag:$0x3] =	stream.indirect_vreg.gather [hbm4b:s10+s5], $0x80, v19, vm0, $0xb8;
	[tilespmem:$0x1E100] =	vst v63  }
0x4a5: {  	v57 =	vperm.xlane v17, v15;
	v19 =	vadd.s32 v3, v56;
	s17 =	simm.s32 $0x7D80  }
0x4a6: {  	[tilespmem:s17], [sflag:$0x3] =	stream.indirect_vreg.gather [hbm4b:s10+s5], $0x80, v54, vm0, $0xb8;
	[tilespmem:$0x1E100] =	vst v63  }
0x4a7: {  	v17 =	vperm.xlane v17, v16;
	v58 =	vadd.s32 v3, v57;
	s17 =	simm.s32 $0x7E00  }
0x4a8: {  	[tilespmem:s17], [sflag:$0x3] =	stream.indirect_vreg.gather [hbm4b:s10+s5], $0x80, v18, vm0, $0xb8;
	[tilespmem:$0x1E100] =	vst v63  }
0x4a9: {  	v17 =	vadd.s32 v3, v17;
	s17 =	simm.s32 $0x7E80  }
0x4aa: {  	[tilespmem:s17], [sflag:$0x3] =	stream.indirect_vreg.gather [hbm4b:s10+s5], $0x80, v19, vm0, $0xb8;
	[tilespmem:$0x1E100] =	vst v63  }
0x4ab: {  	s17 =	simm.s32 $0x7F00  }
0x4ac: {  	[tilespmem:s17], [sflag:$0x3] =	stream.indirect_vreg.gather [hbm4b:s10+s5], $0x80, v58, vm0, $0xb8;
	[tilespmem:$0x1E100] =	vst v63  }
0x4ad: {  	s17 =	simm.s32 $0x7F80  }
0x4ae: {  	[tilespmem:s17], [sflag:$0x3] =	stream.indirect_vreg.gather [hbm4b:s10+s5], $0x80, v17, vm0, $0xb8;
	[tilespmem:$0x1E100] =	vst v63  }
0x4af: {  	v17 =	vld [tilespmem:s13+$0x130];
	_ =	sdelay $0x4  }
0x4b0: {  	v18 =	vshll.u32 v17, $0x1  }
0x4b1: {  	v17 =	vand.u32 $0x7, v17;
	v18 =	vand.u32 $0xFFFFFFF0, v18  }
0x4b2: {  	v17 =	vor.u32 v17, v18  }
0x4b3: {  	v18 =	vperm.xlane v17, v2;
	_ =	sdelay $0x1  }
0x4b4: {  	v19 =	vperm.xlane v17, v1;
	v18 =	vadd.s32 v3, v18;
	_ =	sdelay $0x1  }
0x4b5: {  	v59 =	vperm.xlane v17, v4;
	v19 =	vadd.s32 v3, v19;
	_ =	sdelay $0x1  }
0x4b6: {  	s17 =	simm.s32 $0x8000;
	v60 =	vperm.xlane v17, v5;
	v20 =	vadd.s32 v3, v59  }
0x4b7: {  	[tilespmem:s17], [sflag:$0x3] =	stream.indirect_vreg.gather [hbm4b:s10+s5], $0x80, v18, vm0, $0xb8;
	[tilespmem:$0x1E100] =	vst v63  }
0x4b8: {  	v61 =	vperm.xlane v17, v6;
	v18 =	vadd.s32 v3, v60;
	s17 =	simm.s32 $0x8080  }
0x4b9: {  	[tilespmem:s17], [sflag:$0x3] =	stream.indirect_vreg.gather [hbm4b:s10+s5], $0x80, v19, vm0, $0xb8;
	[tilespmem:$0x1E100] =	vst v63  }
0x4ba: {  	v62 =	vperm.xlane v17, v7;
	v19 =	vadd.s32 v3, v61;
	s17 =	simm.s32 $0x8100  }
0x4bb: {  	[tilespmem:s17], [sflag:$0x3] =	stream.indirect_vreg.gather [hbm4b:s10+s5], $0x80, v20, vm0, $0xb8;
	[tilespmem:$0x1E100] =	vst v63  }
0x4bc: {  	v24 =	vperm.xlane v17, v8;
	v63 =	vadd.s32 v3, v62;
	s17 =	simm.s32 $0x8180  }
0x4bd: {  	[tilespmem:s17], [sflag:$0x3] =	stream.indirect_vreg.gather [hbm4b:s10+s5], $0x80, v18, vm0, $0xb8;
	[tilespmem:$0x1E100] =	vst v63  }
0x4be: {  	v25 =	vperm.xlane v17, v0;
	v18 =	vadd.s32 v3, v24;
	s17 =	simm.s32 $0x8200  }
0x4bf: {  	[tilespmem:s17], [sflag:$0x3] =	stream.indirect_vreg.gather [hbm4b:s10+s5], $0x80, v19, vm0, $0xb8;
	[tilespmem:$0x1E100] =	vst v63  }
0x4c0: {  	v26 =	vperm.xlane v17, v9;
	v19 =	vadd.s32 v3, v25;
	s17 =	simm.s32 $0x8280  }
0x4c1: {  	[tilespmem:s17], [sflag:$0x3] =	stream.indirect_vreg.gather [hbm4b:s10+s5], $0x80, v63, vm0, $0xb8;
	[tilespmem:$0x1E100] =	vst v63  }
0x4c2: {  	v28 =	vperm.xlane v17, v10;
	v27 =	vadd.s32 v3, v26;
	s17 =	simm.s32 $0x8300  }
0x4c3: {  	[tilespmem:s17], [sflag:$0x3] =	stream.indirect_vreg.gather [hbm4b:s10+s5], $0x80, v18, vm0, $0xb8;
	[tilespmem:$0x1E100] =	vst v63  }
0x4c4: {  	v29 =	vperm.xlane v17, v11;
	v18 =	vadd.s32 v3, v28;
	s17 =	simm.s32 $0x8380  }
0x4c5: {  	[tilespmem:s17], [sflag:$0x3] =	stream.indirect_vreg.gather [hbm4b:s10+s5], $0x80, v19, vm0, $0xb8;
	[tilespmem:$0x1E100] =	vst v63  }
0x4c6: {  	v30 =	vperm.xlane v17, v12;
	v19 =	vadd.s32 v3, v29;
	s17 =	simm.s32 $0x8400  }
0x4c7: {  	[tilespmem:s17], [sflag:$0x3] =	stream.indirect_vreg.gather [hbm4b:s10+s5], $0x80, v27, vm0, $0xb8;
	[tilespmem:$0x1E100] =	vst v63  }
0x4c8: {  	v32 =	vperm.xlane v17, v13;
	v31 =	vadd.s32 v3, v30;
	s17 =	simm.s32 $0x8480  }
0x4c9: {  	[tilespmem:s17], [sflag:$0x3] =	stream.indirect_vreg.gather [hbm4b:s10+s5], $0x80, v18, vm0, $0xb8;
	[tilespmem:$0x1E100] =	vst v63  }
0x4ca: {  	v33 =	vperm.xlane v17, v14;
	v18 =	vadd.s32 v3, v32;
	s17 =	simm.s32 $0x8500  }
0x4cb: {  	[tilespmem:s17], [sflag:$0x3] =	stream.indirect_vreg.gather [hbm4b:s10+s5], $0x80, v19, vm0, $0xb8;
	[tilespmem:$0x1E100] =	vst v63  }
0x4cc: {  	v34 =	vperm.xlane v17, v15;
	v19 =	vadd.s32 v3, v33;
	s17 =	simm.s32 $0x8580  }
0x4cd: {  	[tilespmem:s17], [sflag:$0x3] =	stream.indirect_vreg.gather [hbm4b:s10+s5], $0x80, v31, vm0, $0xb8;
	[tilespmem:$0x1E100] =	vst v63  }
0x4ce: {  	v17 =	vperm.xlane v17, v16;
	v35 =	vadd.s32 v3, v34;
	s17 =	simm.s32 $0x8600  }
0x4cf: {  	[tilespmem:s17], [sflag:$0x3] =	stream.indirect_vreg.gather [hbm4b:s10+s5], $0x80, v18, vm0, $0xb8;
	[tilespmem:$0x1E100] =	vst v63  }
0x4d0: {  	v17 =	vadd.s32 v3, v17;
	s17 =	simm.s32 $0x8680  }
0x4d1: {  	[tilespmem:s17], [sflag:$0x3] =	stream.indirect_vreg.gather [hbm4b:s10+s5], $0x80, v19, vm0, $0xb8;
	[tilespmem:$0x1E100] =	vst v63  }
0x4d2: {  	s17 =	simm.s32 $0x8700  }
0x4d3: {  	[tilespmem:s17], [sflag:$0x3] =	stream.indirect_vreg.gather [hbm4b:s10+s5], $0x80, v35, vm0, $0xb8;
	[tilespmem:$0x1E100] =	vst v63  }
0x4d4: {  	s17 =	simm.s32 $0x8780  }
0x4d5: {  	[tilespmem:s17], [sflag:$0x3] =	stream.indirect_vreg.gather [hbm4b:s10+s5], $0x80, v17, vm0, $0xb8;
	[tilespmem:$0x1E100] =	vst v63  }
0x4d6: {  	s17 =	simm.s32 @!p2 $0x8  }
0x4d7: {  	_ =	swait.ge @!p2 [sflag:s17], $0x2000  }
0x4d8: {  	[sflag:s17] =	ssyncset.done @!p2 $0x0  }
0x4d9: {  	[sflag:s17] =	ssyncadd.s32 @!p2 $0xFFFFE000  }
0x4da: {  	v17 =	vld [tilespmem:s13+$0x180];
	_ =	sdelay $0x4  }
0x4db: {  	v18 =	vshll.u32 v17, $0x1  }
0x4dc: {  	v17 =	vand.u32 $0x7, v17;
	v18 =	vand.u32 $0xFFFFFFF0, v18  }
0x4dd: {  	v17 =	vor.u32 v17, v18  }
0x4de: {  	v18 =	vperm.xlane v17, v2;
	_ =	sdelay $0x1  }
0x4df: {  	v19 =	vperm.xlane v17, v1;
	v18 =	vadd.s32 v3, v18;
	_ =	sdelay $0x1  }
0x4e0: {  	v36 =	vperm.xlane v17, v4;
	v19 =	vadd.s32 v3, v19;
	_ =	sdelay $0x1  }
0x4e1: {  	v37 =	vperm.xlane v17, v5;
	v20 =	vadd.s32 v3, v36  }
0x4e2: {  	[tilespmem:s11], [sflag:$0x4] =	stream.indirect_vreg.gather [hbm4b:s10+s5], $0x80, v18, vm0, $0xb8;
	[tilespmem:$0x1E100] =	vst v63  }
0x4e3: {  	s17 =	simm.s32 $0x8880;
	v38 =	vperm.xlane v17, v6;
	v18 =	vadd.s32 v3, v37  }
0x4e4: {  	[tilespmem:s17], [sflag:$0x4] =	stream.indirect_vreg.gather [hbm4b:s10+s5], $0x80, v19, vm0, $0xb8;
	[tilespmem:$0x1E100] =	vst v63  }
0x4e5: {  	v39 =	vperm.xlane v17, v7;
	v19 =	vadd.s32 v3, v38;
	s17 =	simm.s32 $0x8900  }
0x4e6: {  	[tilespmem:s17], [sflag:$0x4] =	stream.indirect_vreg.gather [hbm4b:s10+s5], $0x80, v20, vm0, $0xb8;
	[tilespmem:$0x1E100] =	vst v63  }
0x4e7: {  	v41 =	vperm.xlane v17, v8;
	v40 =	vadd.s32 v3, v39;
	s17 =	simm.s32 $0x8980  }
0x4e8: {  	[tilespmem:s17], [sflag:$0x4] =	stream.indirect_vreg.gather [hbm4b:s10+s5], $0x80, v18, vm0, $0xb8;
	[tilespmem:$0x1E100] =	vst v63  }
0x4e9: {  	v42 =	vperm.xlane v17, v0;
	v18 =	vadd.s32 v3, v41;
	s17 =	simm.s32 $0x8A00  }
0x4ea: {  	[tilespmem:s17], [sflag:$0x4] =	stream.indirect_vreg.gather [hbm4b:s10+s5], $0x80, v19, vm0, $0xb8;
	[tilespmem:$0x1E100] =	vst v63  }
0x4eb: {  	v43 =	vperm.xlane v17, v9;
	v19 =	vadd.s32 v3, v42;
	s17 =	simm.s32 $0x8A80  }
0x4ec: {  	[tilespmem:s17], [sflag:$0x4] =	stream.indirect_vreg.gather [hbm4b:s10+s5], $0x80, v40, vm0, $0xb8;
	[tilespmem:$0x1E100] =	vst v63  }
0x4ed: {  	v45 =	vperm.xlane v17, v10;
	v44 =	vadd.s32 v3, v43;
	s17 =	simm.s32 $0x8B00  }
0x4ee: {  	[tilespmem:s17], [sflag:$0x4] =	stream.indirect_vreg.gather [hbm4b:s10+s5], $0x80, v18, vm0, $0xb8;
	[tilespmem:$0x1E100] =	vst v63  }
0x4ef: {  	v46 =	vperm.xlane v17, v11;
	v18 =	vadd.s32 v3, v45;
	s17 =	simm.s32 $0x8B80  }
0x4f0: {  	[tilespmem:s17], [sflag:$0x4] =	stream.indirect_vreg.gather [hbm4b:s10+s5], $0x80, v19, vm0, $0xb8;
	[tilespmem:$0x1E100] =	vst v63  }
0x4f1: {  	v47 =	vperm.xlane v17, v12;
	v19 =	vadd.s32 v3, v46;
	s17 =	simm.s32 $0x8C00  }
0x4f2: {  	[tilespmem:s17], [sflag:$0x4] =	stream.indirect_vreg.gather [hbm4b:s10+s5], $0x80, v44, vm0, $0xb8;
	[tilespmem:$0x1E100] =	vst v63  }
0x4f3: {  	v49 =	vperm.xlane v17, v13;
	v48 =	vadd.s32 v3, v47;
	s17 =	simm.s32 $0x8C80  }
0x4f4: {  	[tilespmem:s17], [sflag:$0x4] =	stream.indirect_vreg.gather [hbm4b:s10+s5], $0x80, v18, vm0, $0xb8;
	[tilespmem:$0x1E100] =	vst v63  }
0x4f5: {  	v50 =	vperm.xlane v17, v14;
	v18 =	vadd.s32 v3, v49;
	s17 =	simm.s32 $0x8D00  }
0x4f6: {  	[tilespmem:s17], [sflag:$0x4] =	stream.indirect_vreg.gather [hbm4b:s10+s5], $0x80, v19, vm0, $0xb8;
	[tilespmem:$0x1E100] =	vst v63  }
0x4f7: {  	v51 =	vperm.xlane v17, v15;
	v19 =	vadd.s32 v3, v50;
	s17 =	simm.s32 $0x8D80  }
0x4f8: {  	[tilespmem:s17], [sflag:$0x4] =	stream.indirect_vreg.gather [hbm4b:s10+s5], $0x80, v48, vm0, $0xb8;
	[tilespmem:$0x1E100] =	vst v63  }
0x4f9: {  	v17 =	vperm.xlane v17, v16;
	v52 =	vadd.s32 v3, v51;
	s17 =	simm.s32 $0x8E00  }
0x4fa: {  	[tilespmem:s17], [sflag:$0x4] =	stream.indirect_vreg.gather [hbm4b:s10+s5], $0x80, v18, vm0, $0xb8;
	[tilespmem:$0x1E100] =	vst v63  }
0x4fb: {  	v17 =	vadd.s32 v3, v17;
	s17 =	simm.s32 $0x8E80  }
0x4fc: {  	[tilespmem:s17], [sflag:$0x4] =	stream.indirect_vreg.gather [hbm4b:s10+s5], $0x80, v19, vm0, $0xb8;
	[tilespmem:$0x1E100] =	vst v63  }
0x4fd: {  	s17 =	simm.s32 $0x8F00  }
0x4fe: {  	[tilespmem:s17], [sflag:$0x4] =	stream.indirect_vreg.gather [hbm4b:s10+s5], $0x80, v52, vm0, $0xb8;
	[tilespmem:$0x1E100] =	vst v63  }
0x4ff: {  	s17 =	simm.s32 $0x8F80  }
0x500: {  	[tilespmem:s17], [sflag:$0x4] =	stream.indirect_vreg.gather [hbm4b:s10+s5], $0x80, v17, vm0, $0xb8;
	[tilespmem:$0x1E100] =	vst v63  }
0x501: {  	v17 =	vld [tilespmem:s13+$0x190];
	_ =	sdelay $0x4  }
0x502: {  	v18 =	vshll.u32 v17, $0x1  }
0x503: {  	v17 =	vand.u32 $0x7, v17;
	v18 =	vand.u32 $0xFFFFFFF0, v18  }
0x504: {  	v17 =	vor.u32 v17, v18  }
0x505: {  	v18 =	vperm.xlane v17, v2;
	_ =	sdelay $0x1  }
0x506: {  	v19 =	vperm.xlane v17, v1;
	v18 =	vadd.s32 v3, v18;
	_ =	sdelay $0x1  }
0x507: {  	v53 =	vperm.xlane v17, v4;
	v19 =	vadd.s32 v3, v19;
	_ =	sdelay $0x1  }
0x508: {  	s17 =	simm.s32 $0x9000;
	v54 =	vperm.xlane v17, v5;
	v20 =	vadd.s32 v3, v53  }
0x509: {  	[tilespmem:s17], [sflag:$0x4] =	stream.indirect_vreg.gather [hbm4b:s10+s5], $0x80, v18, vm0, $0xb8;
	[tilespmem:$0x1E100] =	vst v63  }
0x50a: {  	v55 =	vperm.xlane v17, v6;
	v18 =	vadd.s32 v3, v54;
	s17 =	simm.s32 $0x9080  }
0x50b: {  	[tilespmem:s17], [sflag:$0x4] =	stream.indirect_vreg.gather [hbm4b:s10+s5], $0x80, v19, vm0, $0xb8;
	[tilespmem:$0x1E100] =	vst v63  }
0x50c: {  	v56 =	vperm.xlane v17, v7;
	v19 =	vadd.s32 v3, v55;
	s17 =	simm.s32 $0x9100  }
0x50d: {  	[tilespmem:s17], [sflag:$0x4] =	stream.indirect_vreg.gather [hbm4b:s10+s5], $0x80, v20, vm0, $0xb8;
	[tilespmem:$0x1E100] =	vst v63  }
0x50e: {  	v58 =	vperm.xlane v17, v8;
	v57 =	vadd.s32 v3, v56;
	s17 =	simm.s32 $0x9180  }
0x50f: {  	[tilespmem:s17], [sflag:$0x4] =	stream.indirect_vreg.gather [hbm4b:s10+s5], $0x80, v18, vm0, $0xb8;
	[tilespmem:$0x1E100] =	vst v63  }
0x510: {  	v59 =	vperm.xlane v17, v0;
	v18 =	vadd.s32 v3, v58;
	s17 =	simm.s32 $0x9200  }
0x511: {  	[tilespmem:s17], [sflag:$0x4] =	stream.indirect_vreg.gather [hbm4b:s10+s5], $0x80, v19, vm0, $0xb8;
	[tilespmem:$0x1E100] =	vst v63  }
0x512: {  	v60 =	vperm.xlane v17, v9;
	v19 =	vadd.s32 v3, v59;
	s17 =	simm.s32 $0x9280  }
0x513: {  	[tilespmem:s17], [sflag:$0x4] =	stream.indirect_vreg.gather [hbm4b:s10+s5], $0x80, v57, vm0, $0xb8;
	[tilespmem:$0x1E100] =	vst v63  }
0x514: {  	v62 =	vperm.xlane v17, v10;
	v61 =	vadd.s32 v3, v60;
	s17 =	simm.s32 $0x9300  }
0x515: {  	[tilespmem:s17], [sflag:$0x4] =	stream.indirect_vreg.gather [hbm4b:s10+s5], $0x80, v18, vm0, $0xb8;
	[tilespmem:$0x1E100] =	vst v63  }
0x516: {  	v63 =	vperm.xlane v17, v11;
	v18 =	vadd.s32 v3, v62;
	s17 =	simm.s32 $0x9380  }
0x517: {  	[tilespmem:s17], [sflag:$0x4] =	stream.indirect_vreg.gather [hbm4b:s10+s5], $0x80, v19, vm0, $0xb8;
	[tilespmem:$0x1E100] =	vst v63  }
0x518: {  	v24 =	vperm.xlane v17, v12;
	v19 =	vadd.s32 v3, v63;
	s17 =	simm.s32 $0x9400  }
0x519: {  	[tilespmem:s17], [sflag:$0x4] =	stream.indirect_vreg.gather [hbm4b:s10+s5], $0x80, v61, vm0, $0xb8;
	[tilespmem:$0x1E100] =	vst v63  }
0x51a: {  	v26 =	vperm.xlane v17, v13;
	v25 =	vadd.s32 v3, v24;
	s17 =	simm.s32 $0x9480  }
0x51b: {  	[tilespmem:s17], [sflag:$0x4] =	stream.indirect_vreg.gather [hbm4b:s10+s5], $0x80, v18, vm0, $0xb8;
	[tilespmem:$0x1E100] =	vst v63  }
0x51c: {  	v27 =	vperm.xlane v17, v14;
	v18 =	vadd.s32 v3, v26  }
0x51d: {  	[tilespmem:s25], [sflag:$0x4] =	stream.indirect_vreg.gather [hbm4b:s10+s5], $0x80, v19, vm0, $0xb8;
	[tilespmem:$0x1E100] =	vst v63  }
0x51e: {  	v28 =	vperm.xlane v17, v15;
	v19 =	vadd.s32 v3, v27  }
0x51f: {  	[tilespmem:s26], [sflag:$0x4] =	stream.indirect_vreg.gather [hbm4b:s10+s5], $0x80, v25, vm0, $0xb8;
	[tilespmem:$0x1E100] =	vst v63  }
0x520: {  	v17 =	vperm.xlane v17, v16;
	v29 =	vadd.s32 v3, v28  }
0x521: {  	[tilespmem:s28], [sflag:$0x4] =	stream.indirect_vreg.gather [hbm4b:s10+s5], $0x80, v18, vm0, $0xb8;
	[tilespmem:$0x1E100] =	vst v63  }
0x522: {  	v17 =	vadd.s32 v3, v17  }
0x523: {  	[tilespmem:s29], [sflag:$0x4] =	stream.indirect_vreg.gather [hbm4b:s10+s5], $0x80, v19, vm0, $0xb8;
	[tilespmem:$0x1E100] =	vst v63  }
0x524: {  	_ = 	snop  }
0x525: {  	[tilespmem:s30], [sflag:$0x4] =	stream.indirect_vreg.gather [hbm4b:s10+s5], $0x80, v29, vm0, $0xb8;
	[tilespmem:$0x1E100] =	vst v63  }
0x526: {  	_ = 	snop  }
0x527: {  	[tilespmem:s31], [sflag:$0x4] =	stream.indirect_vreg.gather [hbm4b:s10+s5], $0x80, v17, vm0, $0xb8;
	[tilespmem:$0x1E100] =	vst v63  }
0x528: {  	v17 =	vld [tilespmem:s13+$0x1A0];
	_ =	sdelay $0x4  }
0x529: {  	v18 =	vshll.u32 v17, $0x1  }
0x52a: {  	v17 =	vand.u32 $0x7, v17;
	v18 =	vand.u32 $0xFFFFFFF0, v18  }
0x52b: {  	v17 =	vor.u32 v17, v18  }
0x52c: {  	v18 =	vperm.xlane v17, v2;
	_ =	sdelay $0x1  }
0x52d: {  	v19 =	vperm.xlane v17, v1;
	v18 =	vadd.s32 v3, v18;
	_ =	sdelay $0x1  }
0x52e: {  	v30 =	vperm.xlane v17, v4;
	v19 =	vadd.s32 v3, v19;
	_ =	sdelay $0x1  }
0x52f: {  	v31 =	vperm.xlane v17, v5;
	v20 =	vadd.s32 v3, v30  }
0x530: {  	[tilespmem:s0], [sflag:$0x4] =	stream.indirect_vreg.gather [hbm4b:s10+s5], $0x80, v18, vm0, $0xb8;
	[tilespmem:$0x1E100] =	vst v63  }
0x531: {  	v32 =	vperm.xlane v17, v6;
	v18 =	vadd.s32 v3, v31  }
0x532: {  	[tilespmem:s3], [sflag:$0x4] =	stream.indirect_vreg.gather [hbm4b:s10+s5], $0x80, v19, vm0, $0xb8;
	[tilespmem:$0x1E100] =	vst v63  }
0x533: {  	v33 =	vperm.xlane v17, v7;
	v19 =	vadd.s32 v3, v32  }
0x534: {  	[tilespmem:s12], [sflag:$0x4] =	stream.indirect_vreg.gather [hbm4b:s10+s5], $0x80, v20, vm0, $0xb8;
	[tilespmem:$0x1E100] =	vst v63  }
0x535: {  	v35 =	vperm.xlane v17, v8;
	v34 =	vadd.s32 v3, v33  }
0x536: {  	[tilespmem:s14], [sflag:$0x4] =	stream.indirect_vreg.gather [hbm4b:s10+s5], $0x80, v18, vm0, $0xb8;
	[tilespmem:$0x1E100] =	vst v63  }
0x537: {  	v36 =	vperm.xlane v17, v0;
	v18 =	vadd.s32 v3, v35  }
0x538: {  	[tilespmem:s15], [sflag:$0x4] =	stream.indirect_vreg.gather [hbm4b:s10+s5], $0x80, v19, vm0, $0xb8;
	[tilespmem:$0x1E100] =	vst v63  }
0x539: {  	v37 =	vperm.xlane v17, v9;
	v19 =	vadd.s32 v3, v36  }
0x53a: {  	[tilespmem:s8], [sflag:$0x4] =	stream.indirect_vreg.gather [hbm4b:s10+s5], $0x80, v34, vm0, $0xb8;
	[tilespmem:$0x1E100] =	vst v63  }
0x53b: {  	v39 =	vperm.xlane v17, v10;
	v38 =	vadd.s32 v3, v37  }
0x53c: {  	[tilespmem:s22], [sflag:$0x4] =	stream.indirect_vreg.gather [hbm4b:s10+s5], $0x80, v18, vm0, $0xb8;
	[tilespmem:$0x1E100] =	vst v63  }
0x53d: {  	v40 =	vperm.xlane v17, v11;
	v18 =	vadd.s32 v3, v39  }
0x53e: {  	[tilespmem:s23], [sflag:$0x4] =	stream.indirect_vreg.gather [hbm4b:s10+s5], $0x80, v19, vm0, $0xb8;
	[tilespmem:$0x1E100] =	vst v63  }
0x53f: {  	v41 =	vperm.xlane v17, v12;
	v19 =	vadd.s32 v3, v40  }
0x540: {  	[tilespmem:s24], [sflag:$0x4] =	stream.indirect_vreg.gather [hbm4b:s10+s5], $0x80, v38, vm0, $0xb8;
	[tilespmem:$0x1E100] =	vst v63  }
0x541: {  	s17 =	simm.s32 $0x9C80;
	v43 =	vperm.xlane v17, v13;
	v42 =	vadd.s32 v3, v41  }
0x542: {  	[tilespmem:s17], [sflag:$0x4] =	stream.indirect_vreg.gather [hbm4b:s10+s5], $0x80, v18, vm0, $0xb8;
	[tilespmem:$0x1E100] =	vst v63  }
0x543: {  	v44 =	vperm.xlane v17, v14;
	v18 =	vadd.s32 v3, v43;
	s17 =	simm.s32 $0x9D00  }
0x544: {  	[tilespmem:s17], [sflag:$0x4] =	stream.indirect_vreg.gather [hbm4b:s10+s5], $0x80, v19, vm0, $0xb8;
	[tilespmem:$0x1E100] =	vst v63  }
0x545: {  	v45 =	vperm.xlane v17, v15;
	v19 =	vadd.s32 v3, v44;
	s17 =	simm.s32 $0x9D80  }
0x546: {  	[tilespmem:s17], [sflag:$0x4] =	stream.indirect_vreg.gather [hbm4b:s10+s5], $0x80, v42, vm0, $0xb8;
	[tilespmem:$0x1E100] =	vst v63  }
0x547: {  	v17 =	vperm.xlane v17, v16;
	v46 =	vadd.s32 v3, v45;
	s17 =	simm.s32 $0x9E00  }
0x548: {  	[tilespmem:s17], [sflag:$0x4] =	stream.indirect_vreg.gather [hbm4b:s10+s5], $0x80, v18, vm0, $0xb8;
	[tilespmem:$0x1E100] =	vst v63  }
0x549: {  	v17 =	vadd.s32 v3, v17;
	s17 =	simm.s32 $0x9E80  }
0x54a: {  	[tilespmem:s17], [sflag:$0x4] =	stream.indirect_vreg.gather [hbm4b:s10+s5], $0x80, v19, vm0, $0xb8;
	[tilespmem:$0x1E100] =	vst v63  }
0x54b: {  	s17 =	simm.s32 $0x9F00  }
0x54c: {  	[tilespmem:s17], [sflag:$0x4] =	stream.indirect_vreg.gather [hbm4b:s10+s5], $0x80, v46, vm0, $0xb8;
	[tilespmem:$0x1E100] =	vst v63  }
0x54d: {  	s17 =	simm.s32 $0x9F80  }
0x54e: {  	[tilespmem:s17], [sflag:$0x4] =	stream.indirect_vreg.gather [hbm4b:s10+s5], $0x80, v17, vm0, $0xb8;
	[tilespmem:$0x1E100] =	vst v63  }
0x54f: {  	v17 =	vld [tilespmem:s13+$0x1B0];
	_ =	sdelay $0x4  }
0x550: {  	v18 =	vshll.u32 v17, $0x1  }
0x551: {  	v17 =	vand.u32 $0x7, v17;
	v18 =	vand.u32 $0xFFFFFFF0, v18  }
0x552: {  	v17 =	vor.u32 v17, v18  }
0x553: {  	v18 =	vperm.xlane v17, v2;
	_ =	sdelay $0x1  }
0x554: {  	v19 =	vperm.xlane v17, v1;
	v18 =	vadd.s32 v3, v18;
	_ =	sdelay $0x1  }
0x555: {  	v47 =	vperm.xlane v17, v4;
	v19 =	vadd.s32 v3, v19;
	_ =	sdelay $0x1  }
0x556: {  	s17 =	simm.s32 $0xA000;
	v48 =	vperm.xlane v17, v5;
	v20 =	vadd.s32 v3, v47  }
0x557: {  	[tilespmem:s17], [sflag:$0x4] =	stream.indirect_vreg.gather [hbm4b:s10+s5], $0x80, v18, vm0, $0xb8;
	[tilespmem:$0x1E100] =	vst v63  }
0x558: {  	v49 =	vperm.xlane v17, v6;
	v18 =	vadd.s32 v3, v48;
	s17 =	simm.s32 $0xA080  }
0x559: {  	[tilespmem:s17], [sflag:$0x4] =	stream.indirect_vreg.gather [hbm4b:s10+s5], $0x80, v19, vm0, $0xb8;
	[tilespmem:$0x1E100] =	vst v63  }
0x55a: {  	v50 =	vperm.xlane v17, v7;
	v19 =	vadd.s32 v3, v49;
	s17 =	simm.s32 $0xA100  }
0x55b: {  	[tilespmem:s17], [sflag:$0x4] =	stream.indirect_vreg.gather [hbm4b:s10+s5], $0x80, v20, vm0, $0xb8;
	[tilespmem:$0x1E100] =	vst v63  }
0x55c: {  	v52 =	vperm.xlane v17, v8;
	v51 =	vadd.s32 v3, v50;
	s17 =	simm.s32 $0xA180  }
0x55d: {  	[tilespmem:s17], [sflag:$0x4] =	stream.indirect_vreg.gather [hbm4b:s10+s5], $0x80, v18, vm0, $0xb8;
	[tilespmem:$0x1E100] =	vst v63  }
0x55e: {  	v53 =	vperm.xlane v17, v0;
	v18 =	vadd.s32 v3, v52;
	s17 =	simm.s32 $0xA200  }
0x55f: {  	[tilespmem:s17], [sflag:$0x4] =	stream.indirect_vreg.gather [hbm4b:s10+s5], $0x80, v19, vm0, $0xb8;
	[tilespmem:$0x1E100] =	vst v63  }
0x560: {  	v54 =	vperm.xlane v17, v9;
	v19 =	vadd.s32 v3, v53;
	s17 =	simm.s32 $0xA280  }
0x561: {  	[tilespmem:s17], [sflag:$0x4] =	stream.indirect_vreg.gather [hbm4b:s10+s5], $0x80, v51, vm0, $0xb8;
	[tilespmem:$0x1E100] =	vst v63  }
0x562: {  	v56 =	vperm.xlane v17, v10;
	v55 =	vadd.s32 v3, v54;
	s17 =	simm.s32 $0xA300  }
0x563: {  	[tilespmem:s17], [sflag:$0x4] =	stream.indirect_vreg.gather [hbm4b:s10+s5], $0x80, v18, vm0, $0xb8;
	[tilespmem:$0x1E100] =	vst v63  }
0x564: {  	v57 =	vperm.xlane v17, v11;
	v18 =	vadd.s32 v3, v56;
	s17 =	simm.s32 $0xA380  }
0x565: {  	[tilespmem:s17], [sflag:$0x4] =	stream.indirect_vreg.gather [hbm4b:s10+s5], $0x80, v19, vm0, $0xb8;
	[tilespmem:$0x1E100] =	vst v63  }
0x566: {  	v58 =	vperm.xlane v17, v12;
	v19 =	vadd.s32 v3, v57;
	s17 =	simm.s32 $0xA400  }
0x567: {  	[tilespmem:s17], [sflag:$0x4] =	stream.indirect_vreg.gather [hbm4b:s10+s5], $0x80, v55, vm0, $0xb8;
	[tilespmem:$0x1E100] =	vst v63  }
0x568: {  	v60 =	vperm.xlane v17, v13;
	v59 =	vadd.s32 v3, v58;
	s17 =	simm.s32 $0xA480  }
0x569: {  	[tilespmem:s17], [sflag:$0x4] =	stream.indirect_vreg.gather [hbm4b:s10+s5], $0x80, v18, vm0, $0xb8;
	[tilespmem:$0x1E100] =	vst v63  }
0x56a: {  	v61 =	vperm.xlane v17, v14;
	v18 =	vadd.s32 v3, v60;
	s17 =	simm.s32 $0xA500  }
0x56b: {  	[tilespmem:s17], [sflag:$0x4] =	stream.indirect_vreg.gather [hbm4b:s10+s5], $0x80, v19, vm0, $0xb8;
	[tilespmem:$0x1E100] =	vst v63  }
0x56c: {  	v62 =	vperm.xlane v17, v15;
	v19 =	vadd.s32 v3, v61;
	s17 =	simm.s32 $0xA580  }
0x56d: {  	[tilespmem:s17], [sflag:$0x4] =	stream.indirect_vreg.gather [hbm4b:s10+s5], $0x80, v59, vm0, $0xb8;
	[tilespmem:$0x1E100] =	vst v63  }
0x56e: {  	v17 =	vperm.xlane v17, v16;
	v63 =	vadd.s32 v3, v62;
	s17 =	simm.s32 $0xA600  }
0x56f: {  	[tilespmem:s17], [sflag:$0x4] =	stream.indirect_vreg.gather [hbm4b:s10+s5], $0x80, v18, vm0, $0xb8;
	[tilespmem:$0x1E100] =	vst v63  }
0x570: {  	v17 =	vadd.s32 v3, v17;
	s17 =	simm.s32 $0xA680  }
0x571: {  	[tilespmem:s17], [sflag:$0x4] =	stream.indirect_vreg.gather [hbm4b:s10+s5], $0x80, v19, vm0, $0xb8;
	[tilespmem:$0x1E100] =	vst v63  }
0x572: {  	s17 =	simm.s32 $0xA700  }
0x573: {  	[tilespmem:s17], [sflag:$0x4] =	stream.indirect_vreg.gather [hbm4b:s10+s5], $0x80, v63, vm0, $0xb8;
	[tilespmem:$0x1E100] =	vst v63  }
0x574: {  	s17 =	simm.s32 $0xA780  }
0x575: {  	[tilespmem:s17], [sflag:$0x4] =	stream.indirect_vreg.gather [hbm4b:s10+s5], $0x80, v17, vm0, $0xb8;
	[tilespmem:$0x1E100] =	vst v63  }
0x576: {  	_ =	swait.ge [sflag:s7], $0x2000  }
0x577: {  	[sflag:s7] =	ssyncset.done $0x0  }
0x578: {  	s17 =	sadd.s32 $0x1400, s13;
	[sflag:s7] =	ssyncadd.s32 $0xFFFFE000  }
0x579: {  	[spmem:s4] =	stream.indirect.scatter.add.f32 [tilespmem:s21], [sflag:$0x5], $0x80, s17, s9, $0xb8;
	[tilespmem:$0x1E100] =	vst v63  }
0x57a: {  	_ =	swait.ge [sflag:s6], $0x2000  }
0x57b: {  	[sflag:s6] =	ssyncset.done $0x0  }
0x57c: {  	s17 =	sadd.s32 $0x1480, s13;
	[sflag:s6] =	ssyncadd.s32 $0xFFFFE000  }
0x57d: {  	[spmem:s4] =	stream.indirect.scatter.add.f32 [tilespmem:s2], [sflag:$0x6], $0x80, s17, s9, $0xb8;
	[tilespmem:$0x1E100] =	vst v63  }
0x57e: {  	_ =	swait.ge [sflag:s20], $0x2000  }
0x57f: {  	s16 =	sadd.s32 $0x800, s16;
	[sflag:s20] =	ssyncset.done $0x0  }
0x580: {  	p2 =	sne.s32 s16, $0x5000;
	s17 =	sadd.s32 $0x1500, s13;
	[sflag:s20] =	ssyncadd.s32 $0xFFFFE000  }
0x581: {  	[spmem:s4] =	stream.indirect.scatter.add.f32 [tilespmem:s19], [sflag:$0x7], $0x80, s17, s9, $0xb8;
	[tilespmem:$0x1E100] =	vst v63  }
.Ltmp6:
0x582: {  	_ = 	snop;
	(pc) =	sbr.rel @p2 .LBB2_7-.Ltmp6, $4  }
0x583: {  	_ =	swait.ge [sflag:s18], $0x2000  }
0x584: {  	[sflag:s18] =	ssyncset.done $0x0  }
0x585: {  	s13 =	sadd.s32 $0x1580, s13;
	[sflag:s18] =	ssyncadd.s32 $0xFFFFE000  }
0x586: {  	[spmem:s4] =	stream.indirect.scatter.add.f32 [tilespmem:s11], [sflag:$0x8], $0x80, s13, s9, $0xb8;
	[tilespmem:$0x1E100] =	vst v63  }
0x587: {  	s0 =	simm.s32 $0x5  }
0x588: {  	_ =	swait.ge [sflag:s0], $0x2000  }
0x589: {  	[sflag:s0] =	ssyncset.done $0x0  }
0x58a: {  	s29 =	simm.s32 $0x6;
	[sflag:s0] =	ssyncadd.s32 $0xFFFFE000  }
0x58b: {  	_ =	swait.ge [sflag:s29], $0x2000  }
0x58c: {  	[sflag:s29] =	ssyncset.done $0x0  }
0x58d: {  	s30 =	simm.s32 $0x7;
	[sflag:s29] =	ssyncadd.s32 $0xFFFFE000  }
0x58e: {  	_ =	swait.ge [sflag:s30], $0x2000  }
0x58f: {  	[sflag:s30] =	ssyncset.done $0x0  }
0x590: {  	s31 =	simm.s32 $0x8;
	[sflag:s30] =	ssyncadd.s32 $0xFFFFE000  }
0x591: {  	_ =	swait.ge [sflag:s31], $0x2000  }
0x592: {  	s8 =	rddreg [dreg:$0x15]  }
0x593: {  	s8 =	sadd.s32 $0x1, s8  }
0x594: {  	p2 =	sne.s32 s8, $0x4  }
.Ltmp7:
0x595: {  	_ = 	snop;
	(pc) =	sbr.rel @p2 .LBB2_6-.Ltmp7, $3  }
0x596: {  	_ =	sdelay $0x1  }
0x597: {  	[sflag:s31] =	ssyncset.done $0x0  }
0x598: {  	[sflag:s31] =	ssyncadd.s32 $0xFFFFE000  }
0x599: {  	[bflag:$0x0] =	sbarrier.arrive $0xFFFF  }
0x59a: {  	s16 =	rddreg [dreg:$0x7]  }
0x59b: {  	s13 =	rddreg [dreg:$0xc]  }
0x59c: {  	s0 =	rddreg [dreg:$0x13]  }
0x59d: {  	[hbm:s13], [sflag:s16] =	dma.local @p1 [spmem:s0], $0x2800  }
0x59e: {  	s13 =	simm.s32 @p1 $0x9  }
0x59f: {  	_ =	swait.ge @p1 [sflag:s13], $0x2800  }
0x5a0: {  	[sflag:s13] =	ssyncset.done @p1 $0x0;
	s0 =	rddreg [dreg:$0x12]  }
0x5a1: {  	[sflag:s13] =	ssyncadd.s32 @p1 $0xFFFFD800;
	s13 =	rddreg [dreg:$0xa]  }
0x5a2: {  	[hbm:s13], [sflag:s16] =	dma.local @!p1 [spmem:s0], $0x2700  }
.Ltmp8:
0x5a3: {  	_ = 	snop;
	(pc) =	sbr.rel .LBB2_10-.Ltmp8, $4  }
0x5a4: {  	s13 =	simm.s32 @!p1 $0x9  }
0x5a5: {  	_ =	swait.ge @!p1 [sflag:s13], $0x2700  }
0x5a6: {  	[sflag:s13] =	ssyncset.done @!p1 $0x0  }
0x5a7: {  	s0 =	rddreg [dreg:$0x11];
	[sflag:s13] =	ssyncadd.s32 @!p1 $0xFFFFD900  }
.LBB2_11:
0x5a8: {  	_ =	sfence.sel $0x180000  }
0x5a9: {  	[bflag:$0x0] =	sbarrier.arrive $0xFFFF  }
0x5aa: {  	_ =	strace $0x90000047  }
0x5ab: {  	s0 =	stileid.u32;
	[bflag:$0x2] =	sbarrier.arrive $0xFFFF  }
0x5ac: {  	p0 =	sne.s32 s0, $0x0;
	s0 =	rddreg [dreg:$0x4]  }
0x5ad: {  	s0 =	sadd.s32 @!p0 $0x100000, s0  }
0x5ae: {  	[sflag:s0] =	ssyncadd.tile.s32 @!p0 $0x1;
	_ =	shalt  }
.Lfunc_end2:
_tile_overlayer_lowered:
.L_overlay_start_2:
0x5af: {  	(tag) =	ssettag $0x2  }
0x5b0: {  	s0 =	rddreg [dreg:$0x0];
	s2 =	stileid.u32  }
0x5b1: {  	s1 =	rddreg [dreg:$0x1];
	p0 =	sne.s32 s2, $0x0  }
0x5b2: {  	s3 =	rddreg [dreg:$0x2];
	[bflag:$0x3] =	sbarrier.arrive $0xFFFF;
	s2 =	simm.s32 @!p0 $0x1C09  }
0x5b3: {  	[timem:s3], [sflag:s2] =	dma.local @!p0 [hbm:s0], s1  }
0x5b4: {  	s0 =	simm.s32 @!p0 $0x9  }
0x5b5: {  	_ =	swait.ge @!p0 [sflag:s0], s1  }
0x5b6: {  	s1 =	ssub.s32 @!p0 $0x0, s1;
	[sflag:s0] =	ssyncset.done @!p0 $0x0  }
0x5b7: {  	[sflag:s0] =	ssyncadd.s32 @!p0 s1  }
0x5b8: {  	[bflag:$0x3] =	sbarrier.arrive $0xFFFF  }
0x5b9: {  	_ =	shalt  }

</sc_bundles>
